<compile_context>
chip_gen: v7x
topology: tpu7x:2x2x1
jax: 0.10.2.dev20260603
libtpu: 0.0.44.dev20260713+nightly
codegen_flags: <defaults>
</compile_context>

<pallas_src>
import functools

import jax
import jax.numpy as jnp
from jax import lax
from jax.experimental import pallas as pl
from jax.experimental.pallas import tpu as pltpu
from jax.experimental.pallas import tpu_sc as plsc

_L = 16
_C = 400


def _sc_body(epw, num_cores, h_src, h_dst, e_idx, out,
             sidx_v, didx_v, srows, drows, mat_v, sbufs, sems, semd, semo):
    wid = lax.axis_index("s") * num_cores + lax.axis_index("c")
    nchk = epw // _C
    wbase = wid * epw

    pltpu.sync_copy(e_idx.at[0, pl.ds(wbase, epw)], sidx_v)
    pltpu.sync_copy(e_idx.at[1, pl.ds(wbase, epw)], didx_v)

    def start(chunk, b):
        pltpu.async_copy(h_src.at[sidx_v.at[pl.ds(chunk * _C, _C)]],
                         srows[b], sems[b])
        pltpu.async_copy(h_dst.at[didx_v.at[pl.ds(chunk * _C, _C)]],
                         drows[b], semd[b])

    start(0, 0)
    start(1, 1)

    lanes = lax.iota(jnp.int32, _L)

    def compute(chunk, b):
        sr, dr = srows[b], drows[b]
        sb = sbufs[b]

        def group_body(g, _):
            accs = []
            for e16 in range(_L):
                e = g * _L + e16
                a0 = a1 = None
                for k in range(4):
                    sw = plsc.bitcast(sr[e, pl.ds(k * _L, _L)], jnp.bfloat16)
                    dw = plsc.bitcast(dr[e, pl.ds(k * _L, _L)], jnp.bfloat16)
                    pa, pb = plsc.unpack(sw * dw,
                                         format=plsc.PackFormat.INTERLEAVED)
                    a0 = pa if a0 is None else a0 + pa
                    a1 = pb if a1 is None else a1 + pb
                accs.append(a0 + a1)
            for e16 in range(_L):
                mat_v[pl.ds(e16 * _L, _L)] = accs[e16]
            tot = plsc.load_gather(mat_v, [lanes * _L])
            for j in range(1, _L):
                tot = tot + plsc.load_gather(mat_v, [lanes * _L + j])
            sb[pl.ds(g * _L, _L)] = tot
            return 0

        lax.fori_loop(0, _C // _L, group_body, 0)

    def pair_body(i2, _):
        for b in range(2):
            i = i2 * 2 + b

            @pl.when(i < nchk)
            def _():
                pltpu.make_async_copy(
                    h_src.at[sidx_v.at[pl.ds(i * _C, _C)]], srows[b], sems[b]
                ).wait()
                pltpu.make_async_copy(
                    h_dst.at[didx_v.at[pl.ds(i * _C, _C)]], drows[b], semd[b]
                ).wait()

                @pl.when(i >= 2)
                def _():
                    pltpu.make_async_copy(
                        sbufs[b], out.at[0, pl.ds(wbase + (i - 2) * _C, _C)],
                        semo[b]).wait()

                compute(i, b)
                pltpu.async_copy(
                    sbufs[b], out.at[0, pl.ds(wbase + i * _C, _C)], semo[b])

                @pl.when(i + 2 < nchk)
                def _():
                    start(i + 2, b)
        return 0

    lax.fori_loop(0, (nchk + 1) // 2, pair_body, 0)
    for b in range(2):
        cb = nchk - 1 if (nchk - 1) % 2 == b else nchk - 2
        if cb >= 0:
            pltpu.make_async_copy(
                sbufs[b], out.at[0, pl.ds(wbase + cb * _C, _C)], semo[b]).wait()


def kernel(h_src, h_dst, edge_index):
    n_nodes, d_feat = h_src.shape
    n_edges = edge_index.shape[1]
    assert d_feat == 128

    e_idx = edge_index.astype(jnp.int32)
    def _pack_bf16_pairs(h):
        u = lax.bitcast_convert_type(h, jnp.uint32)
        r = (u + 0x7FFF + ((u >> 16) & 1)) >> 16
        lo, hi = r[:, :64], r[:, 64:]
        return lax.bitcast_convert_type(lo | (hi << 16), jnp.int32)

    h_src = _pack_bf16_pairs(h_src)
    h_dst = _pack_bf16_pairs(h_dst)

    mesh = plsc.VectorSubcoreMesh(core_axis_name="c", subcore_axis_name="s")
    num_cores = mesh.num_cores
    nw = num_cores * mesh.num_subcores
    assert n_edges % (nw * _C) == 0
    epw = n_edges // nw

    sc_fn = pl.kernel(
        functools.partial(_sc_body, epw, num_cores),
        out_type=jax.ShapeDtypeStruct((1, n_edges), jnp.float32),
        mesh=mesh,
        scratch_types=[
            pltpu.VMEM((epw,), jnp.int32),
            pltpu.VMEM((epw,), jnp.int32),
            [pltpu.VMEM((_C, 64), jnp.int32) for _ in range(2)],
            [pltpu.VMEM((_C, 64), jnp.int32) for _ in range(2)],
            pltpu.VMEM((_L * _L,), jnp.float32),
            [pltpu.VMEM((_C,), jnp.float32) for _ in range(2)],
            [pltpu.SemaphoreType.DMA for _ in range(2)],
            [pltpu.SemaphoreType.DMA for _ in range(2)],
            [pltpu.SemaphoreType.DMA for _ in range(2)],
        ],
        compiler_params=pltpu.CompilerParams(
            needs_layout_passes=False, use_tc_tiling_on_sc=False),
    )
    return sc_fn(h_src, h_dst, e_idx).reshape(n_edges, 1)

# --- scband reference (transcript-rebuilt; emitter-appended) ---
"""Pipeline reference for scband-hetero-dot-product-predictor-68092411510983 (READ-ONLY COPY).

The authoritative reference and input builder live on the scoring server;
editing this copy changes nothing except your own understanding.
"""

import jax, jax.numpy as jnp
import numpy as np


def setup_inputs(seed: int = 0) -> dict:
    key = jax.random.key(seed)
    k1, k2, k3 = jax.random.split(key, 3)
    n_nodes = 10000
    n_edges = 320000
    d_feat = 128
    h_src = jax.random.normal(k1, (n_nodes, d_feat), dtype=jnp.float32)
    h_dst = jax.random.normal(k2, (n_nodes, d_feat), dtype=jnp.float32)
    edge_index = jax.random.randint(k3, (2, n_edges), 0, n_nodes, dtype=jnp.int64)
    return {"h_src": h_src, "h_dst": h_dst, "edge_index": edge_index}


def reference(h_src, h_dst, edge_index):
    # DGL u_dot_v('h_src', 'h_dst', 'score'): for each edge (u, v),
    # score[e] = dot(h_src[u], h_dst[v]) with keepdims -> shape [E, 1]
    src_feats = jnp.take(h_src, edge_index[0], axis=0)   # gather src node feats [E, d]
    dst_feats = jnp.take(h_dst, edge_index[1], axis=0)   # gather dst node feats [E, d]
    score = jnp.sum(src_feats * dst_feats, axis=-1, keepdims=True)  # [E, 1]
    return score

if __name__ == "__main__":
    import jax
    _d = setup_inputs()
    print(jax.jit(kernel)(*tuple(_d.values())))

</pallas_src>

<mosaic_0001>
#map = affine_map<(d0, d1) -> (0, 0)>
module attributes {stable_mosaic.version = 14 : i64} {
  func.func @_sc_body(%arg0: i32, %arg1: i32, %arg2: memref<10000x64xi32, #tpu.memory_space<hbm>>, %arg3: memref<10000x64xi32, #tpu.memory_space<hbm>>, %arg4: memref<2x320000xi32, #tpu.memory_space<hbm>>, %arg5: memref<1x320000xf32, #tpu.memory_space<hbm>>, %arg6: memref<10000xi32, #tpu.memory_space<vmem>>, %arg7: memref<10000xi32, #tpu.memory_space<vmem>>, %arg8: memref<400x64xi32, #tpu.memory_space<vmem>>, %arg9: memref<400x64xi32, #tpu.memory_space<vmem>>, %arg10: memref<400x64xi32, #tpu.memory_space<vmem>>, %arg11: memref<400x64xi32, #tpu.memory_space<vmem>>, %arg12: memref<256xf32, #tpu.memory_space<vmem>>, %arg13: memref<400xf32, #tpu.memory_space<vmem>>, %arg14: memref<400xf32, #tpu.memory_space<vmem>>, %arg15: memref<!tpu.dma_semaphore, #tpu.memory_space<semaphore_mem>>, %arg16: memref<!tpu.dma_semaphore, #tpu.memory_space<semaphore_mem>>, %arg17: memref<!tpu.dma_semaphore, #tpu.memory_space<semaphore_mem>>, %arg18: memref<!tpu.dma_semaphore, #tpu.memory_space<semaphore_mem>>, %arg19: memref<!tpu.dma_semaphore, #tpu.memory_space<semaphore_mem>>, %arg20: memref<!tpu.dma_semaphore, #tpu.memory_space<semaphore_mem>>) attributes {dimension_semantics = [#tpu.dimension_semantics<core_parallel>, #tpu.dimension_semantics<subcore_parallel>], iteration_bounds = array<i64: 2, 16>, scalar_prefetch = 0 : i64, scratch_operands = 15 : i64, tpu.core_type = #tpu.core_type<sc_vector_subcore>, window_params = [{transform_indices = #map}, {transform_indices = #map}, {transform_indices = #map}, {transform_indices = #map}]} {
    %mul3A = arith.constant 2 : i32
    %mul3A_0 = arith.muli %arg1, %mul3A : i32
    %add3A = arith.addi %mul3A_0, %arg0 : i32
    %mul3A_1 = arith.constant 10000 : i32
    %mul3A_2 = arith.muli %add3A, %mul3A_1 : i32
    %run_scoped3A = arith.constant 0 : i32
    "tpu.region"() ({
      %run_scoped3A_42 = tpu.sem_alloc : memref<!tpu.dma_semaphore, #tpu.memory_space<semaphore_mem>>
      %dma_start3A_43 = tpu.memref_slice %arg4[%run_scoped3A, %mul3A_2] : memref<2x320000xi32, #tpu.memory_space<hbm>> -> memref<1x10000xi32, #tpu.memory_space<hbm>>
      %dma_start3A_44 = tpu.memref_squeeze %dma_start3A_43 : memref<1x10000xi32, #tpu.memory_space<hbm>> -> memref<10000xi32, #tpu.memory_space<hbm>>
      %dma_start3A_45 = tpu.memref_slice %arg4[%run_scoped3A, %mul3A_2] : memref<2x320000xi32, #tpu.memory_space<hbm>> -> memref<1x10000xi32, #tpu.memory_space<hbm>>
      %dma_start3A_46 = tpu.memref_squeeze %dma_start3A_45 : memref<1x10000xi32, #tpu.memory_space<hbm>> -> memref<10000xi32, #tpu.memory_space<hbm>>
      tpu.enqueue_dma source(%dma_start3A_46 : memref<10000xi32, #tpu.memory_space<hbm>>) target(%arg6 : memref<10000xi32, #tpu.memory_space<vmem>>) target_semaphore(%run_scoped3A_42 : memref<!tpu.dma_semaphore, #tpu.memory_space<semaphore_mem>>)
      %dma_wait3A_47 = tpu.memref_slice %arg4[%run_scoped3A, %mul3A_2] : memref<2x320000xi32, #tpu.memory_space<hbm>> -> memref<1x10000xi32, #tpu.memory_space<hbm>>
      %dma_wait3A_48 = tpu.memref_squeeze %dma_wait3A_47 : memref<1x10000xi32, #tpu.memory_space<hbm>> -> memref<10000xi32, #tpu.memory_space<hbm>>
      %dma_wait3A_49 = tpu.memref_slice %arg4[%run_scoped3A, %mul3A_2] : memref<2x320000xi32, #tpu.memory_space<hbm>> -> memref<1x10000xi32, #tpu.memory_space<hbm>>
      %dma_wait3A_50 = tpu.memref_squeeze %dma_wait3A_49 : memref<1x10000xi32, #tpu.memory_space<hbm>> -> memref<10000xi32, #tpu.memory_space<hbm>>
      tpu.wait_dma2 semaphore(%run_scoped3A_42 : memref<!tpu.dma_semaphore, #tpu.memory_space<semaphore_mem>>) src(%dma_wait3A_50 : memref<10000xi32, #tpu.memory_space<hbm>>) dst(%arg6 : memref<10000xi32, #tpu.memory_space<vmem>>)
      tpu.yield
    }) : () -> ()
    %run_scoped3A_3 = arith.constant 1 : i32
    "tpu.region"() ({
      %run_scoped3A_42 = tpu.sem_alloc : memref<!tpu.dma_semaphore, #tpu.memory_space<semaphore_mem>>
      %dma_start3A_43 = tpu.memref_slice %arg4[%run_scoped3A_3, %mul3A_2] : memref<2x320000xi32, #tpu.memory_space<hbm>> -> memref<1x10000xi32, #tpu.memory_space<hbm>>
      %dma_start3A_44 = tpu.memref_squeeze %dma_start3A_43 : memref<1x10000xi32, #tpu.memory_space<hbm>> -> memref<10000xi32, #tpu.memory_space<hbm>>
      %dma_start3A_45 = tpu.memref_slice %arg4[%run_scoped3A_3, %mul3A_2] : memref<2x320000xi32, #tpu.memory_space<hbm>> -> memref<1x10000xi32, #tpu.memory_space<hbm>>
      %dma_start3A_46 = tpu.memref_squeeze %dma_start3A_45 : memref<1x10000xi32, #tpu.memory_space<hbm>> -> memref<10000xi32, #tpu.memory_space<hbm>>
      tpu.enqueue_dma source(%dma_start3A_46 : memref<10000xi32, #tpu.memory_space<hbm>>) target(%arg7 : memref<10000xi32, #tpu.memory_space<vmem>>) target_semaphore(%run_scoped3A_42 : memref<!tpu.dma_semaphore, #tpu.memory_space<semaphore_mem>>)
      %dma_wait3A_47 = tpu.memref_slice %arg4[%run_scoped3A_3, %mul3A_2] : memref<2x320000xi32, #tpu.memory_space<hbm>> -> memref<1x10000xi32, #tpu.memory_space<hbm>>
      %dma_wait3A_48 = tpu.memref_squeeze %dma_wait3A_47 : memref<1x10000xi32, #tpu.memory_space<hbm>> -> memref<10000xi32, #tpu.memory_space<hbm>>
      %dma_wait3A_49 = tpu.memref_slice %arg4[%run_scoped3A_3, %mul3A_2] : memref<2x320000xi32, #tpu.memory_space<hbm>> -> memref<1x10000xi32, #tpu.memory_space<hbm>>
      %dma_wait3A_50 = tpu.memref_squeeze %dma_wait3A_49 : memref<1x10000xi32, #tpu.memory_space<hbm>> -> memref<10000xi32, #tpu.memory_space<hbm>>
      tpu.wait_dma2 semaphore(%run_scoped3A_42 : memref<!tpu.dma_semaphore, #tpu.memory_space<semaphore_mem>>) src(%dma_wait3A_50 : memref<10000xi32, #tpu.memory_space<hbm>>) dst(%arg7 : memref<10000xi32, #tpu.memory_space<vmem>>)
      tpu.yield
    }) : () -> ()
    %dma_start3A = arith.constant 0 : i32
    %dma_start3A_4 = tpu.memref_slice %arg6[%dma_start3A] : memref<10000xi32, #tpu.memory_space<vmem>> -> memref<400xi32, #tpu.memory_space<vmem>>
    %dma_start3A_5 = arith.constant 0 : i32
    %dma_start3A_6 = arith.constant 0 : i32
    %dma_start3A_7 = tpu.memref_slice %arg2[%dma_start3A_5, %dma_start3A_6] : memref<10000x64xi32, #tpu.memory_space<hbm>> -> memref<10000x64xi32, #tpu.memory_space<hbm>>
    tpu.enqueue_indirect_dma source(%dma_start3A_7 : memref<10000x64xi32, #tpu.memory_space<hbm>>) target(%arg8 : memref<400x64xi32, #tpu.memory_space<vmem>>) offsets(%dma_start3A_4 : memref<400xi32, #tpu.memory_space<vmem>>) semaphore(%arg15 : memref<!tpu.dma_semaphore, #tpu.memory_space<semaphore_mem>>)
    %dma_start3A_8 = arith.constant 0 : i32
    %dma_start3A_9 = tpu.memref_slice %arg7[%dma_start3A_8] : memref<10000xi32, #tpu.memory_space<vmem>> -> memref<400xi32, #tpu.memory_space<vmem>>
    %dma_start3A_10 = arith.constant 0 : i32
    %dma_start3A_11 = arith.constant 0 : i32
    %dma_start3A_12 = tpu.memref_slice %arg3[%dma_start3A_10, %dma_start3A_11] : memref<10000x64xi32, #tpu.memory_space<hbm>> -> memref<10000x64xi32, #tpu.memory_space<hbm>>
    tpu.enqueue_indirect_dma source(%dma_start3A_12 : memref<10000x64xi32, #tpu.memory_space<hbm>>) target(%arg10 : memref<400x64xi32, #tpu.memory_space<vmem>>) offsets(%dma_start3A_9 : memref<400xi32, #tpu.memory_space<vmem>>) semaphore(%arg17 : memref<!tpu.dma_semaphore, #tpu.memory_space<semaphore_mem>>)
    %dma_start3A_13 = arith.constant 400 : i32
    %dma_start3A_14 = tpu.memref_slice %arg6[%dma_start3A_13] : memref<10000xi32, #tpu.memory_space<vmem>> -> memref<400xi32, #tpu.memory_space<vmem>>
    %dma_start3A_15 = arith.constant 0 : i32
    %dma_start3A_16 = arith.constant 0 : i32
    %dma_start3A_17 = tpu.memref_slice %arg2[%dma_start3A_15, %dma_start3A_16] : memref<10000x64xi32, #tpu.memory_space<hbm>> -> memref<10000x64xi32, #tpu.memory_space<hbm>>
    tpu.enqueue_indirect_dma source(%dma_start3A_17 : memref<10000x64xi32, #tpu.memory_space<hbm>>) target(%arg9 : memref<400x64xi32, #tpu.memory_space<vmem>>) offsets(%dma_start3A_14 : memref<400xi32, #tpu.memory_space<vmem>>) semaphore(%arg16 : memref<!tpu.dma_semaphore, #tpu.memory_space<semaphore_mem>>)
    %dma_start3A_18 = arith.constant 400 : i32
    %dma_start3A_19 = tpu.memref_slice %arg7[%dma_start3A_18] : memref<10000xi32, #tpu.memory_space<vmem>> -> memref<400xi32, #tpu.memory_space<vmem>>
    %dma_start3A_20 = arith.constant 0 : i32
    %dma_start3A_21 = arith.constant 0 : i32
    %dma_start3A_22 = tpu.memref_slice %arg3[%dma_start3A_20, %dma_start3A_21] : memref<10000x64xi32, #tpu.memory_space<hbm>> -> memref<10000x64xi32, #tpu.memory_space<hbm>>
    tpu.enqueue_indirect_dma source(%dma_start3A_22 : memref<10000x64xi32, #tpu.memory_space<hbm>>) target(%arg11 : memref<400x64xi32, #tpu.memory_space<vmem>>) offsets(%dma_start3A_19 : memref<400xi32, #tpu.memory_space<vmem>>) semaphore(%arg18 : memref<!tpu.dma_semaphore, #tpu.memory_space<semaphore_mem>>)
    %iota3A = tpu.iota {dimensions = array<i32: 0>} : vector<16xi32>
    %scan3A = arith.constant 0 : i32
    %scan3A_23 = arith.constant 0 : i32
    %scan3A_24 = arith.constant 13 : i32
    %scan3A_25 = arith.addi %scan3A_23, %scan3A_24 : i32
    %scan3A_26 = arith.constant 1 : i32
    %scan3A_27 = scf.for %scan3A_42 = %scan3A_23 to %scan3A_25 step %scan3A_26 iter_args(%scan3A_43 = %scan3A) -> (i32)  : i32 {
      %mul3A_44 = arith.constant 2 : i32
      %mul3A_45 = arith.muli %scan3A_42, %mul3A_44 : i32
      %add3A_46 = arith.constant 0 : i32
      %add3A_47 = arith.addi %mul3A_45, %add3A_46 : i32
      %lt3A = arith.constant 25 : i32
      %lt3A_48 = arith.cmpi slt, %add3A_47, %lt3A : i32
      %convert_element_type3A = arith.extui %lt3A_48 : i1 to i32
      %cond3A = arith.constant 0 : i32
      %cond3A_49 = arith.cmpi ne, %convert_element_type3A, %cond3A : i32
      scf.if %cond3A_49 {
        %mul3A_60 = arith.constant 400 : i32
        %mul3A_61 = arith.muli %add3A_47, %mul3A_60 : i32
        %dma_wait3A_62 = tpu.memref_slice %arg6[%mul3A_61] : memref<10000xi32, #tpu.memory_space<vmem>> -> memref<400xi32, #tpu.memory_space<vmem>>
        %dma_wait3A_63 = arith.constant 0 : i32
        %dma_wait3A_64 = arith.constant 0 : i32
        %dma_wait3A_65 = tpu.memref_slice %arg2[%dma_wait3A_63, %dma_wait3A_64] : memref<10000x64xi32, #tpu.memory_space<hbm>> -> memref<10000x64xi32, #tpu.memory_space<hbm>>
        tpu.wait_indirect_dma semaphore(%arg15 : memref<!tpu.dma_semaphore, #tpu.memory_space<semaphore_mem>>) src(%dma_wait3A_65 : memref<10000x64xi32, #tpu.memory_space<hbm>>) dst(%arg8 : memref<400x64xi32, #tpu.memory_space<vmem>>)
        %mul3A_66 = arith.constant 400 : i32
        %mul3A_67 = arith.muli %add3A_47, %mul3A_66 : i32
        %dma_wait3A_68 = tpu.memref_slice %arg7[%mul3A_67] : memref<10000xi32, #tpu.memory_space<vmem>> -> memref<400xi32, #tpu.memory_space<vmem>>
        %dma_wait3A_69 = arith.constant 0 : i32
        %dma_wait3A_70 = arith.constant 0 : i32
        %dma_wait3A_71 = tpu.memref_slice %arg3[%dma_wait3A_69, %dma_wait3A_70] : memref<10000x64xi32, #tpu.memory_space<hbm>> -> memref<10000x64xi32, #tpu.memory_space<hbm>>
        tpu.wait_indirect_dma semaphore(%arg17 : memref<!tpu.dma_semaphore, #tpu.memory_space<semaphore_mem>>) src(%dma_wait3A_71 : memref<10000x64xi32, #tpu.memory_space<hbm>>) dst(%arg10 : memref<400x64xi32, #tpu.memory_space<vmem>>)
        %ge3A = arith.constant 2 : i32
        %ge3A_72 = arith.cmpi sge, %add3A_47, %ge3A : i32
        %convert_element_type3A_73 = arith.extui %ge3A_72 : i1 to i32
        %cond3A_74 = arith.constant 0 : i32
        %cond3A_75 = arith.cmpi ne, %convert_element_type3A_73, %cond3A_74 : i32
        scf.if %cond3A_75 {
          %sub3A = arith.constant 2 : i32
          %sub3A_98 = arith.subi %add3A_47, %sub3A : i32
          %mul3A_99 = arith.constant 400 : i32
          %mul3A_100 = arith.muli %sub3A_98, %mul3A_99 : i32
          %add3A_101 = arith.addi %mul3A_2, %mul3A_100 : i32
          %dma_wait3A_102 = arith.constant 0 : i32
          %dma_wait3A_103 = tpu.memref_slice %arg5[%dma_wait3A_102, %add3A_101] : memref<1x320000xf32, #tpu.memory_space<hbm>> -> memref<1x400xf32, #tpu.memory_space<hbm>>
          %dma_wait3A_104 = tpu.memref_squeeze %dma_wait3A_103 : memref<1x400xf32, #tpu.memory_space<hbm>> -> memref<400xf32, #tpu.memory_space<hbm>>
          %dma_wait3A_105 = tpu.memref_slice %arg5[%dma_wait3A_102, %add3A_101] : memref<1x320000xf32, #tpu.memory_space<hbm>> -> memref<1x400xf32, #tpu.memory_space<hbm>>
          %dma_wait3A_106 = tpu.memref_squeeze %dma_wait3A_105 : memref<1x400xf32, #tpu.memory_space<hbm>> -> memref<400xf32, #tpu.memory_space<hbm>>
          tpu.wait_dma2 semaphore(%arg19 : memref<!tpu.dma_semaphore, #tpu.memory_space<semaphore_mem>>) src(%arg13 : memref<400xf32, #tpu.memory_space<vmem>>) dst(%dma_wait3A_106 : memref<400xf32, #tpu.memory_space<hbm>>)
        } else {
        }
        %scan3A_76 = arith.constant 0 : i32
        %scan3A_77 = arith.constant 0 : i32
        %scan3A_78 = arith.constant 25 : i32
        %scan3A_79 = arith.addi %scan3A_77, %scan3A_78 : i32
        %scan3A_80 = arith.constant 1 : i32
        %scan3A_81 = scf.for %scan3A_98 = %scan3A_77 to %scan3A_79 step %scan3A_80 iter_args(%scan3A_99 = %scan3A_76) -> (i32)  : i32 {
          %mul3A_100 = arith.constant 16 : i32
          %mul3A_101 = arith.muli %scan3A_98, %mul3A_100 : i32
          %add3A_102 = arith.constant 0 : i32
          %add3A_103 = arith.addi %mul3A_101, %add3A_102 : i32
          %get3A = arith.index_cast %add3A_103 : i32 to index
          %get3A_104 = arith.constant 0 : index
          %get3A_105 = tpu.vector_load %arg8[%get3A, %get3A_104] {strides = array<i32>} : memref<400x64xi32, #tpu.memory_space<vmem>>, vector<16xi32>,
          %bitcast3A = vector.bitcast %get3A_105 : vector<16xi32> to vector<32xbf16>
          %get3A_106 = arith.index_cast %add3A_103 : i32 to index
          %get3A_107 = arith.constant 0 : index
          %get3A_108 = tpu.vector_load %arg10[%get3A_106, %get3A_107] {strides = array<i32>} : memref<400x64xi32, #tpu.memory_space<vmem>>, vector<16xi32>,
          %bitcast3A_109 = vector.bitcast %get3A_108 : vector<16xi32> to vector<32xbf16>
          %mul3A_110 = arith.mulf %bitcast3A, %bitcast3A_109 : vector<32xbf16>
          %unpack3A = tpu.unpack_subelements %mul3A_110, 0 {pack_format = #tpu.pack_format<interleaved>} : vector<32xbf16> -> vector<16xf32>
          %unpack3A_111 = tpu.unpack_subelements %mul3A_110, 1 {pack_format = #tpu.pack_format<interleaved>} : vector<32xbf16> -> vector<16xf32>
          %get3A_112 = arith.index_cast %add3A_103 : i32 to index
          %get3A_113 = arith.constant 16 : index
          %get3A_114 = tpu.vector_load %arg8[%get3A_112, %get3A_113] {strides = array<i32>} : memref<400x64xi32, #tpu.memory_space<vmem>>, vector<16xi32>,
          %bitcast3A_115 = vector.bitcast %get3A_114 : vector<16xi32> to vector<32xbf16>
          %get3A_116 = arith.index_cast %add3A_103 : i32 to index
          %get3A_117 = arith.constant 16 : index
          %get3A_118 = tpu.vector_load %arg10[%get3A_116, %get3A_117] {strides = array<i32>} : memref<400x64xi32, #tpu.memory_space<vmem>>, vector<16xi32>,
          %bitcast3A_119 = vector.bitcast %get3A_118 : vector<16xi32> to vector<32xbf16>
          %mul3A_120 = arith.mulf %bitcast3A_115, %bitcast3A_119 : vector<32xbf16>
          %unpack3A_121 = tpu.unpack_subelements %mul3A_120, 0 {pack_format = #tpu.pack_format<interleaved>} : vector<32xbf16> -> vector<16xf32>
          %unpack3A_122 = tpu.unpack_subelements %mul3A_120, 1 {pack_format = #tpu.pack_format<interleaved>} : vector<32xbf16> -> vector<16xf32>
          %add3A_123 = arith.addf %unpack3A, %unpack3A_121 : vector<16xf32>
          %add3A_124 = arith.addf %unpack3A_111, %unpack3A_122 : vector<16xf32>
          %get3A_125 = arith.index_cast %add3A_103 : i32 to index
          %get3A_126 = arith.constant 32 : index
          %get3A_127 = tpu.vector_load %arg8[%get3A_125, %get3A_126] {strides = array<i32>} : memref<400x64xi32, #tpu.memory_space<vmem>>, vector<16xi32>,
          %bitcast3A_128 = vector.bitcast %get3A_127 : vector<16xi32> to vector<32xbf16>
          %get3A_129 = arith.index_cast %add3A_103 : i32 to index
          %get3A_130 = arith.constant 32 : index
          %get3A_131 = tpu.vector_load %arg10[%get3A_129, %get3A_130] {strides = array<i32>} : memref<400x64xi32, #tpu.memory_space<vmem>>, vector<16xi32>,
          %bitcast3A_132 = vector.bitcast %get3A_131 : vector<16xi32> to vector<32xbf16>
          %mul3A_133 = arith.mulf %bitcast3A_128, %bitcast3A_132 : vector<32xbf16>
          %unpack3A_134 = tpu.unpack_subelements %mul3A_133, 0 {pack_format = #tpu.pack_format<interleaved>} : vector<32xbf16> -> vector<16xf32>
          %unpack3A_135 = tpu.unpack_subelements %mul3A_133, 1 {pack_format = #tpu.pack_format<interleaved>} : vector<32xbf16> -> vector<16xf32>
          %add3A_136 = arith.addf %add3A_123, %unpack3A_134 : vector<16xf32>
          %add3A_137 = arith.addf %add3A_124, %unpack3A_135 : vector<16xf32>
          %get3A_138 = arith.index_cast %add3A_103 : i32 to index
          %get3A_139 = arith.constant 48 : index
          %get3A_140 = tpu.vector_load %arg8[%get3A_138, %get3A_139] {strides = array<i32>} : memref<400x64xi32, #tpu.memory_space<vmem>>, vector<16xi32>,
          %bitcast3A_141 = vector.bitcast %get3A_140 : vector<16xi32> to vector<32xbf16>
          %get3A_142 = arith.index_cast %add3A_103 : i32 to index
          %get3A_143 = arith.constant 48 : index
          %get3A_144 = tpu.vector_load %arg10[%get3A_142, %get3A_143] {strides = array<i32>} : memref<400x64xi32, #tpu.memory_space<vmem>>, vector<16xi32>,
          %bitcast3A_145 = vector.bitcast %get3A_144 : vector<16xi32> to vector<32xbf16>
          %mul3A_146 = arith.mulf %bitcast3A_141, %bitcast3A_145 : vector<32xbf16>
          %unpack3A_147 = tpu.unpack_subelements %mul3A_146, 0 {pack_format = #tpu.pack_format<interleaved>} : vector<32xbf16> -> vector<16xf32>
          %unpack3A_148 = tpu.unpack_subelements %mul3A_146, 1 {pack_format = #tpu.pack_format<interleaved>} : vector<32xbf16> -> vector<16xf32>
          %add3A_149 = arith.addf %add3A_136, %unpack3A_147 : vector<16xf32>
          %add3A_150 = arith.addf %add3A_137, %unpack3A_148 : vector<16xf32>
          %add3A_151 = arith.addf %add3A_149, %add3A_150 : vector<16xf32>
          %mul3A_152 = arith.constant 16 : i32
          %mul3A_153 = arith.muli %scan3A_98, %mul3A_152 : i32
          %add3A_154 = arith.constant 1 : i32
          %add3A_155 = arith.addi %mul3A_153, %add3A_154 : i32
          %get3A_156 = arith.index_cast %add3A_155 : i32 to index
          %get3A_157 = arith.constant 0 : index
          %get3A_158 = tpu.vector_load %arg8[%get3A_156, %get3A_157] {strides = array<i32>} : memref<400x64xi32, #tpu.memory_space<vmem>>, vector<16xi32>,
          %bitcast3A_159 = vector.bitcast %get3A_158 : vector<16xi32> to vector<32xbf16>
          %get3A_160 = arith.index_cast %add3A_155 : i32 to index
          %get3A_161 = arith.constant 0 : index
          %get3A_162 = tpu.vector_load %arg10[%get3A_160, %get3A_161] {strides = array<i32>} : memref<400x64xi32, #tpu.memory_space<vmem>>, vector<16xi32>,
          %bitcast3A_163 = vector.bitcast %get3A_162 : vector<16xi32> to vector<32xbf16>
          %mul3A_164 = arith.mulf %bitcast3A_159, %bitcast3A_163 : vector<32xbf16>
          %unpack3A_165 = tpu.unpack_subelements %mul3A_164, 0 {pack_format = #tpu.pack_format<interleaved>} : vector<32xbf16> -> vector<16xf32>
          %unpack3A_166 = tpu.unpack_subelements %mul3A_164, 1 {pack_format = #tpu.pack_format<interleaved>} : vector<32xbf16> -> vector<16xf32>
          %get3A_167 = arith.index_cast %add3A_155 : i32 to index
          %get3A_168 = arith.constant 16 : index
          %get3A_169 = tpu.vector_load %arg8[%get3A_167, %get3A_168] {strides = array<i32>} : memref<400x64xi32, #tpu.memory_space<vmem>>, vector<16xi32>,
          %bitcast3A_170 = vector.bitcast %get3A_169 : vector<16xi32> to vector<32xbf16>
          %get3A_171 = arith.index_cast %add3A_155 : i32 to index
          %get3A_172 = arith.constant 16 : index
          %get3A_173 = tpu.vector_load %arg10[%get3A_171, %get3A_172] {strides = array<i32>} : memref<400x64xi32, #tpu.memory_space<vmem>>, vector<16xi32>,
          %bitcast3A_174 = vector.bitcast %get3A_173 : vector<16xi32> to vector<32xbf16>
          %mul3A_175 = arith.mulf %bitcast3A_170, %bitcast3A_174 : vector<32xbf16>
          %unpack3A_176 = tpu.unpack_subelements %mul3A_175, 0 {pack_format = #tpu.pack_format<interleaved>} : vector<32xbf16> -> vector<16xf32>
          %unpack3A_177 = tpu.unpack_subelements %mul3A_175, 1 {pack_format = #tpu.pack_format<interleaved>} : vector<32xbf16> -> vector<16xf32>
          %add3A_178 = arith.addf %unpack3A_165, %unpack3A_176 : vector<16xf32>
          %add3A_179 = arith.addf %unpack3A_166, %unpack3A_177 : vector<16xf32>
          %get3A_180 = arith.index_cast %add3A_155 : i32 to index
          %get3A_181 = arith.constant 32 : index
          %get3A_182 = tpu.vector_load %arg8[%get3A_180, %get3A_181] {strides = array<i32>} : memref<400x64xi32, #tpu.memory_space<vmem>>, vector<16xi32>,
          %bitcast3A_183 = vector.bitcast %get3A_182 : vector<16xi32> to vector<32xbf16>
          %get3A_184 = arith.index_cast %add3A_155 : i32 to index
          %get3A_185 = arith.constant 32 : index
          %get3A_186 = tpu.vector_load %arg10[%get3A_184, %get3A_185] {strides = array<i32>} : memref<400x64xi32, #tpu.memory_space<vmem>>, vector<16xi32>,
          %bitcast3A_187 = vector.bitcast %get3A_186 : vector<16xi32> to vector<32xbf16>
          %mul3A_188 = arith.mulf %bitcast3A_183, %bitcast3A_187 : vector<32xbf16>
          %unpack3A_189 = tpu.unpack_subelements %mul3A_188, 0 {pack_format = #tpu.pack_format<interleaved>} : vector<32xbf16> -> vector<16xf32>
          %unpack3A_190 = tpu.unpack_subelements %mul3A_188, 1 {pack_format = #tpu.pack_format<interleaved>} : vector<32xbf16> -> vector<16xf32>
          %add3A_191 = arith.addf %add3A_178, %unpack3A_189 : vector<16xf32>
          %add3A_192 = arith.addf %add3A_179, %unpack3A_190 : vector<16xf32>
          %get3A_193 = arith.index_cast %add3A_155 : i32 to index
          %get3A_194 = arith.constant 48 : index
          %get3A_195 = tpu.vector_load %arg8[%get3A_193, %get3A_194] {strides = array<i32>} : memref<400x64xi32, #tpu.memory_space<vmem>>, vector<16xi32>,
          %bitcast3A_196 = vector.bitcast %get3A_195 : vector<16xi32> to vector<32xbf16>
          %get3A_197 = arith.index_cast %add3A_155 : i32 to index
          %get3A_198 = arith.constant 48 : index
          %get3A_199 = tpu.vector_load %arg10[%get3A_197, %get3A_198] {strides = array<i32>} : memref<400x64xi32, #tpu.memory_space<vmem>>, vector<16xi32>,
          %bitcast3A_200 = vector.bitcast %get3A_199 : vector<16xi32> to vector<32xbf16>
          %mul3A_201 = arith.mulf %bitcast3A_196, %bitcast3A_200 : vector<32xbf16>
          %unpack3A_202 = tpu.unpack_subelements %mul3A_201, 0 {pack_format = #tpu.pack_format<interleaved>} : vector<32xbf16> -> vector<16xf32>
          %unpack3A_203 = tpu.unpack_subelements %mul3A_201, 1 {pack_format = #tpu.pack_format<interleaved>} : vector<32xbf16> -> vector<16xf32>
          %add3A_204 = arith.addf %add3A_191, %unpack3A_202 : vector<16xf32>
          %add3A_205 = arith.addf %add3A_192, %unpack3A_203 : vector<16xf32>
          %add3A_206 = arith.addf %add3A_204, %add3A_205 : vector<16xf32>
          %mul3A_207 = arith.constant 16 : i32
          %mul3A_208 = arith.muli %scan3A_98, %mul3A_207 : i32
          %add3A_209 = arith.constant 2 : i32
          %add3A_210 = arith.addi %mul3A_208, %add3A_209 : i32
          %get3A_211 = arith.index_cast %add3A_210 : i32 to index
          %get3A_212 = arith.constant 0 : index
          %get3A_213 = tpu.vector_load %arg8[%get3A_211, %get3A_212] {strides = array<i32>} : memref<400x64xi32, #tpu.memory_space<vmem>>, vector<16xi32>,
          %bitcast3A_214 = vector.bitcast %get3A_213 : vector<16xi32> to vector<32xbf16>
          %get3A_215 = arith.index_cast %add3A_210 : i32 to index
          %get3A_216 = arith.constant 0 : index
          %get3A_217 = tpu.vector_load %arg10[%get3A_215, %get3A_216] {strides = array<i32>} : memref<400x64xi32, #tpu.memory_space<vmem>>, vector<16xi32>,
          %bitcast3A_218 = vector.bitcast %get3A_217 : vector<16xi32> to vector<32xbf16>
          %mul3A_219 = arith.mulf %bitcast3A_214, %bitcast3A_218 : vector<32xbf16>
          %unpack3A_220 = tpu.unpack_subelements %mul3A_219, 0 {pack_format = #tpu.pack_format<interleaved>} : vector<32xbf16> -> vector<16xf32>
          %unpack3A_221 = tpu.unpack_subelements %mul3A_219, 1 {pack_format = #tpu.pack_format<interleaved>} : vector<32xbf16> -> vector<16xf32>
          %get3A_222 = arith.index_cast %add3A_210 : i32 to index
          %get3A_223 = arith.constant 16 : index
          %get3A_224 = tpu.vector_load %arg8[%get3A_222, %get3A_223] {strides = array<i32>} : memref<400x64xi32, #tpu.memory_space<vmem>>, vector<16xi32>,
          %bitcast3A_225 = vector.bitcast %get3A_224 : vector<16xi32> to vector<32xbf16>
          %get3A_226 = arith.index_cast %add3A_210 : i32 to index
          %get3A_227 = arith.constant 16 : index
          %get3A_228 = tpu.vector_load %arg10[%get3A_226, %get3A_227] {strides = array<i32>} : memref<400x64xi32, #tpu.memory_space<vmem>>, vector<16xi32>,
          %bitcast3A_229 = vector.bitcast %get3A_228 : vector<16xi32> to vector<32xbf16>
          %mul3A_230 = arith.mulf %bitcast3A_225, %bitcast3A_229 : vector<32xbf16>
          %unpack3A_231 = tpu.unpack_subelements %mul3A_230, 0 {pack_format = #tpu.pack_format<interleaved>} : vector<32xbf16> -> vector<16xf32>
          %unpack3A_232 = tpu.unpack_subelements %mul3A_230, 1 {pack_format = #tpu.pack_format<interleaved>} : vector<32xbf16> -> vector<16xf32>
          %add3A_233 = arith.addf %unpack3A_220, %unpack3A_231 : vector<16xf32>
          %add3A_234 = arith.addf %unpack3A_221, %unpack3A_232 : vector<16xf32>
          %get3A_235 = arith.index_cast %add3A_210 : i32 to index
          %get3A_236 = arith.constant 32 : index
          %get3A_237 = tpu.vector_load %arg8[%get3A_235, %get3A_236] {strides = array<i32>} : memref<400x64xi32, #tpu.memory_space<vmem>>, vector<16xi32>,
          %bitcast3A_238 = vector.bitcast %get3A_237 : vector<16xi32> to vector<32xbf16>
          %get3A_239 = arith.index_cast %add3A_210 : i32 to index
          %get3A_240 = arith.constant 32 : index
          %get3A_241 = tpu.vector_load %arg10[%get3A_239, %get3A_240] {strides = array<i32>} : memref<400x64xi32, #tpu.memory_space<vmem>>, vector<16xi32>,
          %bitcast3A_242 = vector.bitcast %get3A_241 : vector<16xi32> to vector<32xbf16>
          %mul3A_243 = arith.mulf %bitcast3A_238, %bitcast3A_242 : vector<32xbf16>
          %unpack3A_244 = tpu.unpack_subelements %mul3A_243, 0 {pack_format = #tpu.pack_format<interleaved>} : vector<32xbf16> -> vector<16xf32>
          %unpack3A_245 = tpu.unpack_subelements %mul3A_243, 1 {pack_format = #tpu.pack_format<interleaved>} : vector<32xbf16> -> vector<16xf32>
          %add3A_246 = arith.addf %add3A_233, %unpack3A_244 : vector<16xf32>
          %add3A_247 = arith.addf %add3A_234, %unpack3A_245 : vector<16xf32>
          %get3A_248 = arith.index_cast %add3A_210 : i32 to index
          %get3A_249 = arith.constant 48 : index
          %get3A_250 = tpu.vector_load %arg8[%get3A_248, %get3A_249] {strides = array<i32>} : memref<400x64xi32, #tpu.memory_space<vmem>>, vector<16xi32>,
          %bitcast3A_251 = vector.bitcast %get3A_250 : vector<16xi32> to vector<32xbf16>
          %get3A_252 = arith.index_cast %add3A_210 : i32 to index
          %get3A_253 = arith.constant 48 : index
          %get3A_254 = tpu.vector_load %arg10[%get3A_252, %get3A_253] {strides = array<i32>} : memref<400x64xi32, #tpu.memory_space<vmem>>, vector<16xi32>,
          %bitcast3A_255 = vector.bitcast %get3A_254 : vector<16xi32> to vector<32xbf16>
          %mul3A_256 = arith.mulf %bitcast3A_251, %bitcast3A_255 : vector<32xbf16>
          %unpack3A_257 = tpu.unpack_subelements %mul3A_256, 0 {pack_format = #tpu.pack_format<interleaved>} : vector<32xbf16> -> vector<16xf32>
          %unpack3A_258 = tpu.unpack_subelements %mul3A_256, 1 {pack_format = #tpu.pack_format<interleaved>} : vector<32xbf16> -> vector<16xf32>
          %add3A_259 = arith.addf %add3A_246, %unpack3A_257 : vector<16xf32>
          %add3A_260 = arith.addf %add3A_247, %unpack3A_258 : vector<16xf32>
          %add3A_261 = arith.addf %add3A_259, %add3A_260 : vector<16xf32>
          %mul3A_262 = arith.constant 16 : i32
          %mul3A_263 = arith.muli %scan3A_98, %mul3A_262 : i32
          %add3A_264 = arith.constant 3 : i32
          %add3A_265 = arith.addi %mul3A_263, %add3A_264 : i32
          %get3A_266 = arith.index_cast %add3A_265 : i32 to index
          %get3A_267 = arith.constant 0 : index
          %get3A_268 = tpu.vector_load %arg8[%get3A_266, %get3A_267] {strides = array<i32>} : memref<400x64xi32, #tpu.memory_space<vmem>>, vector<16xi32>,
          %bitcast3A_269 = vector.bitcast %get3A_268 : vector<16xi32> to vector<32xbf16>
          %get3A_270 = arith.index_cast %add3A_265 : i32 to index
          %get3A_271 = arith.constant 0 : index
          %get3A_272 = tpu.vector_load %arg10[%get3A_270, %get3A_271] {strides = array<i32>} : memref<400x64xi32, #tpu.memory_space<vmem>>, vector<16xi32>,
          %bitcast3A_273 = vector.bitcast %get3A_272 : vector<16xi32> to vector<32xbf16>
          %mul3A_274 = arith.mulf %bitcast3A_269, %bitcast3A_273 : vector<32xbf16>
          %unpack3A_275 = tpu.unpack_subelements %mul3A_274, 0 {pack_format = #tpu.pack_format<interleaved>} : vector<32xbf16> -> vector<16xf32>
          %unpack3A_276 = tpu.unpack_subelements %mul3A_274, 1 {pack_format = #tpu.pack_format<interleaved>} : vector<32xbf16> -> vector<16xf32>
          %get3A_277 = arith.index_cast %add3A_265 : i32 to index
          %get3A_278 = arith.constant 16 : index
          %get3A_279 = tpu.vector_load %arg8[%get3A_277, %get3A_278] {strides = array<i32>} : memref<400x64xi32, #tpu.memory_space<vmem>>, vector<16xi32>,
          %bitcast3A_280 = vector.bitcast %get3A_279 : vector<16xi32> to vector<32xbf16>
          %get3A_281 = arith.index_cast %add3A_265 : i32 to index
          %get3A_282 = arith.constant 16 : index
          %get3A_283 = tpu.vector_load %arg10[%get3A_281, %get3A_282] {strides = array<i32>} : memref<400x64xi32, #tpu.memory_space<vmem>>, vector<16xi32>,
          %bitcast3A_284 = vector.bitcast %get3A_283 : vector<16xi32> to vector<32xbf16>
          %mul3A_285 = arith.mulf %bitcast3A_280, %bitcast3A_284 : vector<32xbf16>
          %unpack3A_286 = tpu.unpack_subelements %mul3A_285, 0 {pack_format = #tpu.pack_format<interleaved>} : vector<32xbf16> -> vector<16xf32>
          %unpack3A_287 = tpu.unpack_subelements %mul3A_285, 1 {pack_format = #tpu.pack_format<interleaved>} : vector<32xbf16> -> vector<16xf32>
          %add3A_288 = arith.addf %unpack3A_275, %unpack3A_286 : vector<16xf32>
          %add3A_289 = arith.addf %unpack3A_276, %unpack3A_287 : vector<16xf32>
          %get3A_290 = arith.index_cast %add3A_265 : i32 to index
          %get3A_291 = arith.constant 32 : index
          %get3A_292 = tpu.vector_load %arg8[%get3A_290, %get3A_291] {strides = array<i32>} : memref<400x64xi32, #tpu.memory_space<vmem>>, vector<16xi32>,
          %bitcast3A_293 = vector.bitcast %get3A_292 : vector<16xi32> to vector<32xbf16>
          %get3A_294 = arith.index_cast %add3A_265 : i32 to index
          %get3A_295 = arith.constant 32 : index
          %get3A_296 = tpu.vector_load %arg10[%get3A_294, %get3A_295] {strides = array<i32>} : memref<400x64xi32, #tpu.memory_space<vmem>>, vector<16xi32>,
          %bitcast3A_297 = vector.bitcast %get3A_296 : vector<16xi32> to vector<32xbf16>
          %mul3A_298 = arith.mulf %bitcast3A_293, %bitcast3A_297 : vector<32xbf16>
          %unpack3A_299 = tpu.unpack_subelements %mul3A_298, 0 {pack_format = #tpu.pack_format<interleaved>} : vector<32xbf16> -> vector<16xf32>
          %unpack3A_300 = tpu.unpack_subelements %mul3A_298, 1 {pack_format = #tpu.pack_format<interleaved>} : vector<32xbf16> -> vector<16xf32>
          %add3A_301 = arith.addf %add3A_288, %unpack3A_299 : vector<16xf32>
          %add3A_302 = arith.addf %add3A_289, %unpack3A_300 : vector<16xf32>
          %get3A_303 = arith.index_cast %add3A_265 : i32 to index
          %get3A_304 = arith.constant 48 : index
          %get3A_305 = tpu.vector_load %arg8[%get3A_303, %get3A_304] {strides = array<i32>} : memref<400x64xi32, #tpu.memory_space<vmem>>, vector<16xi32>,
          %bitcast3A_306 = vector.bitcast %get3A_305 : vector<16xi32> to vector<32xbf16>
          %get3A_307 = arith.index_cast %add3A_265 : i32 to index
          %get3A_308 = arith.constant 48 : index
          %get3A_309 = tpu.vector_load %arg10[%get3A_307, %get3A_308] {strides = array<i32>} : memref<400x64xi32, #tpu.memory_space<vmem>>, vector<16xi32>,
          %bitcast3A_310 = vector.bitcast %get3A_309 : vector<16xi32> to vector<32xbf16>
          %mul3A_311 = arith.mulf %bitcast3A_306, %bitcast3A_310 : vector<32xbf16>
          %unpack3A_312 = tpu.unpack_subelements %mul3A_311, 0 {pack_format = #tpu.pack_format<interleaved>} : vector<32xbf16> -> vector<16xf32>
          %unpack3A_313 = tpu.unpack_subelements %mul3A_311, 1 {pack_format = #tpu.pack_format<interleaved>} : vector<32xbf16> -> vector<16xf32>
          %add3A_314 = arith.addf %add3A_301, %unpack3A_312 : vector<16xf32>
          %add3A_315 = arith.addf %add3A_302, %unpack3A_313 : vector<16xf32>
          %add3A_316 = arith.addf %add3A_314, %add3A_315 : vector<16xf32>
          %mul3A_317 = arith.constant 16 : i32
          %mul3A_318 = arith.muli %scan3A_98, %mul3A_317 : i32
          %add3A_319 = arith.constant 4 : i32
          %add3A_320 = arith.addi %mul3A_318, %add3A_319 : i32
          %get3A_321 = arith.index_cast %add3A_320 : i32 to index
          %get3A_322 = arith.constant 0 : index
          %get3A_323 = tpu.vector_load %arg8[%get3A_321, %get3A_322] {strides = array<i32>} : memref<400x64xi32, #tpu.memory_space<vmem>>, vector<16xi32>,
          %bitcast3A_324 = vector.bitcast %get3A_323 : vector<16xi32> to vector<32xbf16>
          %get3A_325 = arith.index_cast %add3A_320 : i32 to index
          %get3A_326 = arith.constant 0 : index
          %get3A_327 = tpu.vector_load %arg10[%get3A_325, %get3A_326] {strides = array<i32>} : memref<400x64xi32, #tpu.memory_space<vmem>>, vector<16xi32>,
          %bitcast3A_328 = vector.bitcast %get3A_327 : vector<16xi32> to vector<32xbf16>
          %mul3A_329 = arith.mulf %bitcast3A_324, %bitcast3A_328 : vector<32xbf16>
          %unpack3A_330 = tpu.unpack_subelements %mul3A_329, 0 {pack_format = #tpu.pack_format<interleaved>} : vector<32xbf16> -> vector<16xf32>
          %unpack3A_331 = tpu.unpack_subelements %mul3A_329, 1 {pack_format = #tpu.pack_format<interleaved>} : vector<32xbf16> -> vector<16xf32>
          %get3A_332 = arith.index_cast %add3A_320 : i32 to index
          %get3A_333 = arith.constant 16 : index
          %get3A_334 = tpu.vector_load %arg8[%get3A_332, %get3A_333] {strides = array<i32>} : memref<400x64xi32, #tpu.memory_space<vmem>>, vector<16xi32>,
          %bitcast3A_335 = vector.bitcast %get3A_334 : vector<16xi32> to vector<32xbf16>
          %get3A_336 = arith.index_cast %add3A_320 : i32 to index
          %get3A_337 = arith.constant 16 : index
          %get3A_338 = tpu.vector_load %arg10[%get3A_336, %get3A_337] {strides = array<i32>} : memref<400x64xi32, #tpu.memory_space<vmem>>, vector<16xi32>,
          %bitcast3A_339 = vector.bitcast %get3A_338 : vector<16xi32> to vector<32xbf16>
          %mul3A_340 = arith.mulf %bitcast3A_335, %bitcast3A_339 : vector<32xbf16>
          %unpack3A_341 = tpu.unpack_subelements %mul3A_340, 0 {pack_format = #tpu.pack_format<interleaved>} : vector<32xbf16> -> vector<16xf32>
          %unpack3A_342 = tpu.unpack_subelements %mul3A_340, 1 {pack_format = #tpu.pack_format<interleaved>} : vector<32xbf16> -> vector<16xf32>
          %add3A_343 = arith.addf %unpack3A_330, %unpack3A_341 : vector<16xf32>
          %add3A_344 = arith.addf %unpack3A_331, %unpack3A_342 : vector<16xf32>
          %get3A_345 = arith.index_cast %add3A_320 : i32 to index
          %get3A_346 = arith.constant 32 : index
          %get3A_347 = tpu.vector_load %arg8[%get3A_345, %get3A_346] {strides = array<i32>} : memref<400x64xi32, #tpu.memory_space<vmem>>, vector<16xi32>,
          %bitcast3A_348 = vector.bitcast %get3A_347 : vector<16xi32> to vector<32xbf16>
          %get3A_349 = arith.index_cast %add3A_320 : i32 to index
          %get3A_350 = arith.constant 32 : index
          %get3A_351 = tpu.vector_load %arg10[%get3A_349, %get3A_350] {strides = array<i32>} : memref<400x64xi32, #tpu.memory_space<vmem>>, vector<16xi32>,
          %bitcast3A_352 = vector.bitcast %get3A_351 : vector<16xi32> to vector<32xbf16>
          %mul3A_353 = arith.mulf %bitcast3A_348, %bitcast3A_352 : vector<32xbf16>
          %unpack3A_354 = tpu.unpack_subelements %mul3A_353, 0 {pack_format = #tpu.pack_format<interleaved>} : vector<32xbf16> -> vector<16xf32>
          %unpack3A_355 = tpu.unpack_subelements %mul3A_353, 1 {pack_format = #tpu.pack_format<interleaved>} : vector<32xbf16> -> vector<16xf32>
          %add3A_356 = arith.addf %add3A_343, %unpack3A_354 : vector<16xf32>
          %add3A_357 = arith.addf %add3A_344, %unpack3A_355 : vector<16xf32>
          %get3A_358 = arith.index_cast %add3A_320 : i32 to index
          %get3A_359 = arith.constant 48 : index
          %get3A_360 = tpu.vector_load %arg8[%get3A_358, %get3A_359] {strides = array<i32>} : memref<400x64xi32, #tpu.memory_space<vmem>>, vector<16xi32>,
          %bitcast3A_361 = vector.bitcast %get3A_360 : vector<16xi32> to vector<32xbf16>
          %get3A_362 = arith.index_cast %add3A_320 : i32 to index
          %get3A_363 = arith.constant 48 : index
          %get3A_364 = tpu.vector_load %arg10[%get3A_362, %get3A_363] {strides = array<i32>} : memref<400x64xi32, #tpu.memory_space<vmem>>, vector<16xi32>,
          %bitcast3A_365 = vector.bitcast %get3A_364 : vector<16xi32> to vector<32xbf16>
          %mul3A_366 = arith.mulf %bitcast3A_361, %bitcast3A_365 : vector<32xbf16>
          %unpack3A_367 = tpu.unpack_subelements %mul3A_366, 0 {pack_format = #tpu.pack_format<interleaved>} : vector<32xbf16> -> vector<16xf32>
          %unpack3A_368 = tpu.unpack_subelements %mul3A_366, 1 {pack_format = #tpu.pack_format<interleaved>} : vector<32xbf16> -> vector<16xf32>
          %add3A_369 = arith.addf %add3A_356, %unpack3A_367 : vector<16xf32>
          %add3A_370 = arith.addf %add3A_357, %unpack3A_368 : vector<16xf32>
          %add3A_371 = arith.addf %add3A_369, %add3A_370 : vector<16xf32>
          %mul3A_372 = arith.constant 16 : i32
          %mul3A_373 = arith.muli %scan3A_98, %mul3A_372 : i32
          %add3A_374 = arith.constant 5 : i32
          %add3A_375 = arith.addi %mul3A_373, %add3A_374 : i32
          %get3A_376 = arith.index_cast %add3A_375 : i32 to index
          %get3A_377 = arith.constant 0 : index
          %get3A_378 = tpu.vector_load %arg8[%get3A_376, %get3A_377] {strides = array<i32>} : memref<400x64xi32, #tpu.memory_space<vmem>>, vector<16xi32>,
          %bitcast3A_379 = vector.bitcast %get3A_378 : vector<16xi32> to vector<32xbf16>
          %get3A_380 = arith.index_cast %add3A_375 : i32 to index
          %get3A_381 = arith.constant 0 : index
          %get3A_382 = tpu.vector_load %arg10[%get3A_380, %get3A_381] {strides = array<i32>} : memref<400x64xi32, #tpu.memory_space<vmem>>, vector<16xi32>,
          %bitcast3A_383 = vector.bitcast %get3A_382 : vector<16xi32> to vector<32xbf16>
          %mul3A_384 = arith.mulf %bitcast3A_379, %bitcast3A_383 : vector<32xbf16>
          %unpack3A_385 = tpu.unpack_subelements %mul3A_384, 0 {pack_format = #tpu.pack_format<interleaved>} : vector<32xbf16> -> vector<16xf32>
          %unpack3A_386 = tpu.unpack_subelements %mul3A_384, 1 {pack_format = #tpu.pack_format<interleaved>} : vector<32xbf16> -> vector<16xf32>
          %get3A_387 = arith.index_cast %add3A_375 : i32 to index
          %get3A_388 = arith.constant 16 : index
          %get3A_389 = tpu.vector_load %arg8[%get3A_387, %get3A_388] {strides = array<i32>} : memref<400x64xi32, #tpu.memory_space<vmem>>, vector<16xi32>,
          %bitcast3A_390 = vector.bitcast %get3A_389 : vector<16xi32> to vector<32xbf16>
          %get3A_391 = arith.index_cast %add3A_375 : i32 to index
          %get3A_392 = arith.constant 16 : index
          %get3A_393 = tpu.vector_load %arg10[%get3A_391, %get3A_392] {strides = array<i32>} : memref<400x64xi32, #tpu.memory_space<vmem>>, vector<16xi32>,
          %bitcast3A_394 = vector.bitcast %get3A_393 : vector<16xi32> to vector<32xbf16>
          %mul3A_395 = arith.mulf %bitcast3A_390, %bitcast3A_394 : vector<32xbf16>
          %unpack3A_396 = tpu.unpack_subelements %mul3A_395, 0 {pack_format = #tpu.pack_format<interleaved>} : vector<32xbf16> -> vector<16xf32>
          %unpack3A_397 = tpu.unpack_subelements %mul3A_395, 1 {pack_format = #tpu.pack_format<interleaved>} : vector<32xbf16> -> vector<16xf32>
          %add3A_398 = arith.addf %unpack3A_385, %unpack3A_396 : vector<16xf32>
          %add3A_399 = arith.addf %unpack3A_386, %unpack3A_397 : vector<16xf32>
          %get3A_400 = arith.index_cast %add3A_375 : i32 to index
          %get3A_401 = arith.constant 32 : index
          %get3A_402 = tpu.vector_load %arg8[%get3A_400, %get3A_401] {strides = array<i32>} : memref<400x64xi32, #tpu.memory_space<vmem>>, vector<16xi32>,
          %bitcast3A_403 = vector.bitcast %get3A_402 : vector<16xi32> to vector<32xbf16>
          %get3A_404 = arith.index_cast %add3A_375 : i32 to index
          %get3A_405 = arith.constant 32 : index
          %get3A_406 = tpu.vector_load %arg10[%get3A_404, %get3A_405] {strides = array<i32>} : memref<400x64xi32, #tpu.memory_space<vmem>>, vector<16xi32>,
          %bitcast3A_407 = vector.bitcast %get3A_406 : vector<16xi32> to vector<32xbf16>
          %mul3A_408 = arith.mulf %bitcast3A_403, %bitcast3A_407 : vector<32xbf16>
          %unpack3A_409 = tpu.unpack_subelements %mul3A_408, 0 {pack_format = #tpu.pack_format<interleaved>} : vector<32xbf16> -> vector<16xf32>
          %unpack3A_410 = tpu.unpack_subelements %mul3A_408, 1 {pack_format = #tpu.pack_format<interleaved>} : vector<32xbf16> -> vector<16xf32>
          %add3A_411 = arith.addf %add3A_398, %unpack3A_409 : vector<16xf32>
          %add3A_412 = arith.addf %add3A_399, %unpack3A_410 : vector<16xf32>
          %get3A_413 = arith.index_cast %add3A_375 : i32 to index
          %get3A_414 = arith.constant 48 : index
          %get3A_415 = tpu.vector_load %arg8[%get3A_413, %get3A_414] {strides = array<i32>} : memref<400x64xi32, #tpu.memory_space<vmem>>, vector<16xi32>,
          %bitcast3A_416 = vector.bitcast %get3A_415 : vector<16xi32> to vector<32xbf16>
          %get3A_417 = arith.index_cast %add3A_375 : i32 to index
          %get3A_418 = arith.constant 48 : index
          %get3A_419 = tpu.vector_load %arg10[%get3A_417, %get3A_418] {strides = array<i32>} : memref<400x64xi32, #tpu.memory_space<vmem>>, vector<16xi32>,
          %bitcast3A_420 = vector.bitcast %get3A_419 : vector<16xi32> to vector<32xbf16>
          %mul3A_421 = arith.mulf %bitcast3A_416, %bitcast3A_420 : vector<32xbf16>
          %unpack3A_422 = tpu.unpack_subelements %mul3A_421, 0 {pack_format = #tpu.pack_format<interleaved>} : vector<32xbf16> -> vector<16xf32>
          %unpack3A_423 = tpu.unpack_subelements %mul3A_421, 1 {pack_format = #tpu.pack_format<interleaved>} : vector<32xbf16> -> vector<16xf32>
          %add3A_424 = arith.addf %add3A_411, %unpack3A_422 : vector<16xf32>
          %add3A_425 = arith.addf %add3A_412, %unpack3A_423 : vector<16xf32>
          %add3A_426 = arith.addf %add3A_424, %add3A_425 : vector<16xf32>
          %mul3A_427 = arith.constant 16 : i32
          %mul3A_428 = arith.muli %scan3A_98, %mul3A_427 : i32
          %add3A_429 = arith.constant 6 : i32
          %add3A_430 = arith.addi %mul3A_428, %add3A_429 : i32
          %get3A_431 = arith.index_cast %add3A_430 : i32 to index
          %get3A_432 = arith.constant 0 : index
          %get3A_433 = tpu.vector_load %arg8[%get3A_431, %get3A_432] {strides = array<i32>} : memref<400x64xi32, #tpu.memory_space<vmem>>, vector<16xi32>,
          %bitcast3A_434 = vector.bitcast %get3A_433 : vector<16xi32> to vector<32xbf16>
          %get3A_435 = arith.index_cast %add3A_430 : i32 to index
          %get3A_436 = arith.constant 0 : index
          %get3A_437 = tpu.vector_load %arg10[%get3A_435, %get3A_436] {strides = array<i32>} : memref<400x64xi32, #tpu.memory_space<vmem>>, vector<16xi32>,
          %bitcast3A_438 = vector.bitcast %get3A_437 : vector<16xi32> to vector<32xbf16>
          %mul3A_439 = arith.mulf %bitcast3A_434, %bitcast3A_438 : vector<32xbf16>
          %unpack3A_440 = tpu.unpack_subelements %mul3A_439, 0 {pack_format = #tpu.pack_format<interleaved>} : vector<32xbf16> -> vector<16xf32>
          %unpack3A_441 = tpu.unpack_subelements %mul3A_439, 1 {pack_format = #tpu.pack_format<interleaved>} : vector<32xbf16> -> vector<16xf32>
          %get3A_442 = arith.index_cast %add3A_430 : i32 to index
          %get3A_443 = arith.constant 16 : index
          %get3A_444 = tpu.vector_load %arg8[%get3A_442, %get3A_443] {strides = array<i32>} : memref<400x64xi32, #tpu.memory_space<vmem>>, vector<16xi32>,
          %bitcast3A_445 = vector.bitcast %get3A_444 : vector<16xi32> to vector<32xbf16>
          %get3A_446 = arith.index_cast %add3A_430 : i32 to index
          %get3A_447 = arith.constant 16 : index
          %get3A_448 = tpu.vector_load %arg10[%get3A_446, %get3A_447] {strides = array<i32>} : memref<400x64xi32, #tpu.memory_space<vmem>>, vector<16xi32>,
          %bitcast3A_449 = vector.bitcast %get3A_448 : vector<16xi32> to vector<32xbf16>
          %mul3A_450 = arith.mulf %bitcast3A_445, %bitcast3A_449 : vector<32xbf16>
          %unpack3A_451 = tpu.unpack_subelements %mul3A_450, 0 {pack_format = #tpu.pack_format<interleaved>} : vector<32xbf16> -> vector<16xf32>
          %unpack3A_452 = tpu.unpack_subelements %mul3A_450, 1 {pack_format = #tpu.pack_format<interleaved>} : vector<32xbf16> -> vector<16xf32>
          %add3A_453 = arith.addf %unpack3A_440, %unpack3A_451 : vector<16xf32>
          %add3A_454 = arith.addf %unpack3A_441, %unpack3A_452 : vector<16xf32>
          %get3A_455 = arith.index_cast %add3A_430 : i32 to index
          %get3A_456 = arith.constant 32 : index
          %get3A_457 = tpu.vector_load %arg8[%get3A_455, %get3A_456] {strides = array<i32>} : memref<400x64xi32, #tpu.memory_space<vmem>>, vector<16xi32>,
          %bitcast3A_458 = vector.bitcast %get3A_457 : vector<16xi32> to vector<32xbf16>
          %get3A_459 = arith.index_cast %add3A_430 : i32 to index
          %get3A_460 = arith.constant 32 : index
          %get3A_461 = tpu.vector_load %arg10[%get3A_459, %get3A_460] {strides = array<i32>} : memref<400x64xi32, #tpu.memory_space<vmem>>, vector<16xi32>,
          %bitcast3A_462 = vector.bitcast %get3A_461 : vector<16xi32> to vector<32xbf16>
          %mul3A_463 = arith.mulf %bitcast3A_458, %bitcast3A_462 : vector<32xbf16>
          %unpack3A_464 = tpu.unpack_subelements %mul3A_463, 0 {pack_format = #tpu.pack_format<interleaved>} : vector<32xbf16> -> vector<16xf32>
          %unpack3A_465 = tpu.unpack_subelements %mul3A_463, 1 {pack_format = #tpu.pack_format<interleaved>} : vector<32xbf16> -> vector<16xf32>
          %add3A_466 = arith.addf %add3A_453, %unpack3A_464 : vector<16xf32>
          %add3A_467 = arith.addf %add3A_454, %unpack3A_465 : vector<16xf32>
          %get3A_468 = arith.index_cast %add3A_430 : i32 to index
          %get3A_469 = arith.constant 48 : index
          %get3A_470 = tpu.vector_load %arg8[%get3A_468, %get3A_469] {strides = array<i32>} : memref<400x64xi32, #tpu.memory_space<vmem>>, vector<16xi32>,
          %bitcast3A_471 = vector.bitcast %get3A_470 : vector<16xi32> to vector<32xbf16>
          %get3A_472 = arith.index_cast %add3A_430 : i32 to index
          %get3A_473 = arith.constant 48 : index
          %get3A_474 = tpu.vector_load %arg10[%get3A_472, %get3A_473] {strides = array<i32>} : memref<400x64xi32, #tpu.memory_space<vmem>>, vector<16xi32>,
          %bitcast3A_475 = vector.bitcast %get3A_474 : vector<16xi32> to vector<32xbf16>
          %mul3A_476 = arith.mulf %bitcast3A_471, %bitcast3A_475 : vector<32xbf16>
          %unpack3A_477 = tpu.unpack_subelements %mul3A_476, 0 {pack_format = #tpu.pack_format<interleaved>} : vector<32xbf16> -> vector<16xf32>
          %unpack3A_478 = tpu.unpack_subelements %mul3A_476, 1 {pack_format = #tpu.pack_format<interleaved>} : vector<32xbf16> -> vector<16xf32>
          %add3A_479 = arith.addf %add3A_466, %unpack3A_477 : vector<16xf32>
          %add3A_480 = arith.addf %add3A_467, %unpack3A_478 : vector<16xf32>
          %add3A_481 = arith.addf %add3A_479, %add3A_480 : vector<16xf32>
          %mul3A_482 = arith.constant 16 : i32
          %mul3A_483 = arith.muli %scan3A_98, %mul3A_482 : i32
          %add3A_484 = arith.constant 7 : i32
          %add3A_485 = arith.addi %mul3A_483, %add3A_484 : i32
          %get3A_486 = arith.index_cast %add3A_485 : i32 to index
          %get3A_487 = arith.constant 0 : index
          %get3A_488 = tpu.vector_load %arg8[%get3A_486, %get3A_487] {strides = array<i32>} : memref<400x64xi32, #tpu.memory_space<vmem>>, vector<16xi32>,
          %bitcast3A_489 = vector.bitcast %get3A_488 : vector<16xi32> to vector<32xbf16>
          %get3A_490 = arith.index_cast %add3A_485 : i32 to index
          %get3A_491 = arith.constant 0 : index
          %get3A_492 = tpu.vector_load %arg10[%get3A_490, %get3A_491] {strides = array<i32>} : memref<400x64xi32, #tpu.memory_space<vmem>>, vector<16xi32>,
          %bitcast3A_493 = vector.bitcast %get3A_492 : vector<16xi32> to vector<32xbf16>
          %mul3A_494 = arith.mulf %bitcast3A_489, %bitcast3A_493 : vector<32xbf16>
          %unpack3A_495 = tpu.unpack_subelements %mul3A_494, 0 {pack_format = #tpu.pack_format<interleaved>} : vector<32xbf16> -> vector<16xf32>
          %unpack3A_496 = tpu.unpack_subelements %mul3A_494, 1 {pack_format = #tpu.pack_format<interleaved>} : vector<32xbf16> -> vector<16xf32>
          %get3A_497 = arith.index_cast %add3A_485 : i32 to index
          %get3A_498 = arith.constant 16 : index
          %get3A_499 = tpu.vector_load %arg8[%get3A_497, %get3A_498] {strides = array<i32>} : memref<400x64xi32, #tpu.memory_space<vmem>>, vector<16xi32>,
          %bitcast3A_500 = vector.bitcast %get3A_499 : vector<16xi32> to vector<32xbf16>
          %get3A_501 = arith.index_cast %add3A_485 : i32 to index
          %get3A_502 = arith.constant 16 : index
          %get3A_503 = tpu.vector_load %arg10[%get3A_501, %get3A_502] {strides = array<i32>} : memref<400x64xi32, #tpu.memory_space<vmem>>, vector<16xi32>,
          %bitcast3A_504 = vector.bitcast %get3A_503 : vector<16xi32> to vector<32xbf16>
          %mul3A_505 = arith.mulf %bitcast3A_500, %bitcast3A_504 : vector<32xbf16>
          %unpack3A_506 = tpu.unpack_subelements %mul3A_505, 0 {pack_format = #tpu.pack_format<interleaved>} : vector<32xbf16> -> vector<16xf32>
          %unpack3A_507 = tpu.unpack_subelements %mul3A_505, 1 {pack_format = #tpu.pack_format<interleaved>} : vector<32xbf16> -> vector<16xf32>
          %add3A_508 = arith.addf %unpack3A_495, %unpack3A_506 : vector<16xf32>
          %add3A_509 = arith.addf %unpack3A_496, %unpack3A_507 : vector<16xf32>
          %get3A_510 = arith.index_cast %add3A_485 : i32 to index
          %get3A_511 = arith.constant 32 : index
          %get3A_512 = tpu.vector_load %arg8[%get3A_510, %get3A_511] {strides = array<i32>} : memref<400x64xi32, #tpu.memory_space<vmem>>, vector<16xi32>,
          %bitcast3A_513 = vector.bitcast %get3A_512 : vector<16xi32> to vector<32xbf16>
          %get3A_514 = arith.index_cast %add3A_485 : i32 to index
          %get3A_515 = arith.constant 32 : index
          %get3A_516 = tpu.vector_load %arg10[%get3A_514, %get3A_515] {strides = array<i32>} : memref<400x64xi32, #tpu.memory_space<vmem>>, vector<16xi32>,
          %bitcast3A_517 = vector.bitcast %get3A_516 : vector<16xi32> to vector<32xbf16>
          %mul3A_518 = arith.mulf %bitcast3A_513, %bitcast3A_517 : vector<32xbf16>
          %unpack3A_519 = tpu.unpack_subelements %mul3A_518, 0 {pack_format = #tpu.pack_format<interleaved>} : vector<32xbf16> -> vector<16xf32>
          %unpack3A_520 = tpu.unpack_subelements %mul3A_518, 1 {pack_format = #tpu.pack_format<interleaved>} : vector<32xbf16> -> vector<16xf32>
          %add3A_521 = arith.addf %add3A_508, %unpack3A_519 : vector<16xf32>
          %add3A_522 = arith.addf %add3A_509, %unpack3A_520 : vector<16xf32>
          %get3A_523 = arith.index_cast %add3A_485 : i32 to index
          %get3A_524 = arith.constant 48 : index
          %get3A_525 = tpu.vector_load %arg8[%get3A_523, %get3A_524] {strides = array<i32>} : memref<400x64xi32, #tpu.memory_space<vmem>>, vector<16xi32>,
          %bitcast3A_526 = vector.bitcast %get3A_525 : vector<16xi32> to vector<32xbf16>
          %get3A_527 = arith.index_cast %add3A_485 : i32 to index
          %get3A_528 = arith.constant 48 : index
          %get3A_529 = tpu.vector_load %arg10[%get3A_527, %get3A_528] {strides = array<i32>} : memref<400x64xi32, #tpu.memory_space<vmem>>, vector<16xi32>,
          %bitcast3A_530 = vector.bitcast %get3A_529 : vector<16xi32> to vector<32xbf16>
          %mul3A_531 = arith.mulf %bitcast3A_526, %bitcast3A_530 : vector<32xbf16>
          %unpack3A_532 = tpu.unpack_subelements %mul3A_531, 0 {pack_format = #tpu.pack_format<interleaved>} : vector<32xbf16> -> vector<16xf32>
          %unpack3A_533 = tpu.unpack_subelements %mul3A_531, 1 {pack_format = #tpu.pack_format<interleaved>} : vector<32xbf16> -> vector<16xf32>
          %add3A_534 = arith.addf %add3A_521, %unpack3A_532 : vector<16xf32>
          %add3A_535 = arith.addf %add3A_522, %unpack3A_533 : vector<16xf32>
          %add3A_536 = arith.addf %add3A_534, %add3A_535 : vector<16xf32>
          %mul3A_537 = arith.constant 16 : i32
          %mul3A_538 = arith.muli %scan3A_98, %mul3A_537 : i32
          %add3A_539 = arith.constant 8 : i32
          %add3A_540 = arith.addi %mul3A_538, %add3A_539 : i32
          %get3A_541 = arith.index_cast %add3A_540 : i32 to index
          %get3A_542 = arith.constant 0 : index
          %get3A_543 = tpu.vector_load %arg8[%get3A_541, %get3A_542] {strides = array<i32>} : memref<400x64xi32, #tpu.memory_space<vmem>>, vector<16xi32>,
          %bitcast3A_544 = vector.bitcast %get3A_543 : vector<16xi32> to vector<32xbf16>
          %get3A_545 = arith.index_cast %add3A_540 : i32 to index
          %get3A_546 = arith.constant 0 : index
          %get3A_547 = tpu.vector_load %arg10[%get3A_545, %get3A_546] {strides = array<i32>} : memref<400x64xi32, #tpu.memory_space<vmem>>, vector<16xi32>,
          %bitcast3A_548 = vector.bitcast %get3A_547 : vector<16xi32> to vector<32xbf16>
          %mul3A_549 = arith.mulf %bitcast3A_544, %bitcast3A_548 : vector<32xbf16>
          %unpack3A_550 = tpu.unpack_subelements %mul3A_549, 0 {pack_format = #tpu.pack_format<interleaved>} : vector<32xbf16> -> vector<16xf32>
          %unpack3A_551 = tpu.unpack_subelements %mul3A_549, 1 {pack_format = #tpu.pack_format<interleaved>} : vector<32xbf16> -> vector<16xf32>
          %get3A_552 = arith.index_cast %add3A_540 : i32 to index
          %get3A_553 = arith.constant 16 : index
          %get3A_554 = tpu.vector_load %arg8[%get3A_552, %get3A_553] {strides = array<i32>} : memref<400x64xi32, #tpu.memory_space<vmem>>, vector<16xi32>,
          %bitcast3A_555 = vector.bitcast %get3A_554 : vector<16xi32> to vector<32xbf16>
          %get3A_556 = arith.index_cast %add3A_540 : i32 to index
          %get3A_557 = arith.constant 16 : index
          %get3A_558 = tpu.vector_load %arg10[%get3A_556, %get3A_557] {strides = array<i32>} : memref<400x64xi32, #tpu.memory_space<vmem>>, vector<16xi32>,
          %bitcast3A_559 = vector.bitcast %get3A_558 : vector<16xi32> to vector<32xbf16>
          %mul3A_560 = arith.mulf %bitcast3A_555, %bitcast3A_559 : vector<32xbf16>
          %unpack3A_561 = tpu.unpack_subelements %mul3A_560, 0 {pack_format = #tpu.pack_format<interleaved>} : vector<32xbf16> -> vector<16xf32>
          %unpack3A_562 = tpu.unpack_subelements %mul3A_560, 1 {pack_format = #tpu.pack_format<interleaved>} : vector<32xbf16> -> vector<16xf32>
          %add3A_563 = arith.addf %unpack3A_550, %unpack3A_561 : vector<16xf32>
          %add3A_564 = arith.addf %unpack3A_551, %unpack3A_562 : vector<16xf32>
          %get3A_565 = arith.index_cast %add3A_540 : i32 to index
          %get3A_566 = arith.constant 32 : index
          %get3A_567 = tpu.vector_load %arg8[%get3A_565, %get3A_566] {strides = array<i32>} : memref<400x64xi32, #tpu.memory_space<vmem>>, vector<16xi32>,
          %bitcast3A_568 = vector.bitcast %get3A_567 : vector<16xi32> to vector<32xbf16>
          %get3A_569 = arith.index_cast %add3A_540 : i32 to index
          %get3A_570 = arith.constant 32 : index
          %get3A_571 = tpu.vector_load %arg10[%get3A_569, %get3A_570] {strides = array<i32>} : memref<400x64xi32, #tpu.memory_space<vmem>>, vector<16xi32>,
          %bitcast3A_572 = vector.bitcast %get3A_571 : vector<16xi32> to vector<32xbf16>
          %mul3A_573 = arith.mulf %bitcast3A_568, %bitcast3A_572 : vector<32xbf16>
          %unpack3A_574 = tpu.unpack_subelements %mul3A_573, 0 {pack_format = #tpu.pack_format<interleaved>} : vector<32xbf16> -> vector<16xf32>
          %unpack3A_575 = tpu.unpack_subelements %mul3A_573, 1 {pack_format = #tpu.pack_format<interleaved>} : vector<32xbf16> -> vector<16xf32>
          %add3A_576 = arith.addf %add3A_563, %unpack3A_574 : vector<16xf32>
          %add3A_577 = arith.addf %add3A_564, %unpack3A_575 : vector<16xf32>
          %get3A_578 = arith.index_cast %add3A_540 : i32 to index
          %get3A_579 = arith.constant 48 : index
          %get3A_580 = tpu.vector_load %arg8[%get3A_578, %get3A_579] {strides = array<i32>} : memref<400x64xi32, #tpu.memory_space<vmem>>, vector<16xi32>,
          %bitcast3A_581 = vector.bitcast %get3A_580 : vector<16xi32> to vector<32xbf16>
          %get3A_582 = arith.index_cast %add3A_540 : i32 to index
          %get3A_583 = arith.constant 48 : index
          %get3A_584 = tpu.vector_load %arg10[%get3A_582, %get3A_583] {strides = array<i32>} : memref<400x64xi32, #tpu.memory_space<vmem>>, vector<16xi32>,
          %bitcast3A_585 = vector.bitcast %get3A_584 : vector<16xi32> to vector<32xbf16>
          %mul3A_586 = arith.mulf %bitcast3A_581, %bitcast3A_585 : vector<32xbf16>
          %unpack3A_587 = tpu.unpack_subelements %mul3A_586, 0 {pack_format = #tpu.pack_format<interleaved>} : vector<32xbf16> -> vector<16xf32>
          %unpack3A_588 = tpu.unpack_subelements %mul3A_586, 1 {pack_format = #tpu.pack_format<interleaved>} : vector<32xbf16> -> vector<16xf32>
          %add3A_589 = arith.addf %add3A_576, %unpack3A_587 : vector<16xf32>
          %add3A_590 = arith.addf %add3A_577, %unpack3A_588 : vector<16xf32>
          %add3A_591 = arith.addf %add3A_589, %add3A_590 : vector<16xf32>
          %mul3A_592 = arith.constant 16 : i32
          %mul3A_593 = arith.muli %scan3A_98, %mul3A_592 : i32
          %add3A_594 = arith.constant 9 : i32
          %add3A_595 = arith.addi %mul3A_593, %add3A_594 : i32
          %get3A_596 = arith.index_cast %add3A_595 : i32 to index
          %get3A_597 = arith.constant 0 : index
          %get3A_598 = tpu.vector_load %arg8[%get3A_596, %get3A_597] {strides = array<i32>} : memref<400x64xi32, #tpu.memory_space<vmem>>, vector<16xi32>,
          %bitcast3A_599 = vector.bitcast %get3A_598 : vector<16xi32> to vector<32xbf16>
          %get3A_600 = arith.index_cast %add3A_595 : i32 to index
          %get3A_601 = arith.constant 0 : index
          %get3A_602 = tpu.vector_load %arg10[%get3A_600, %get3A_601] {strides = array<i32>} : memref<400x64xi32, #tpu.memory_space<vmem>>, vector<16xi32>,
          %bitcast3A_603 = vector.bitcast %get3A_602 : vector<16xi32> to vector<32xbf16>
          %mul3A_604 = arith.mulf %bitcast3A_599, %bitcast3A_603 : vector<32xbf16>
          %unpack3A_605 = tpu.unpack_subelements %mul3A_604, 0 {pack_format = #tpu.pack_format<interleaved>} : vector<32xbf16> -> vector<16xf32>
          %unpack3A_606 = tpu.unpack_subelements %mul3A_604, 1 {pack_format = #tpu.pack_format<interleaved>} : vector<32xbf16> -> vector<16xf32>
          %get3A_607 = arith.index_cast %add3A_595 : i32 to index
          %get3A_608 = arith.constant 16 : index
          %get3A_609 = tpu.vector_load %arg8[%get3A_607, %get3A_608] {strides = array<i32>} : memref<400x64xi32, #tpu.memory_space<vmem>>, vector<16xi32>,
          %bitcast3A_610 = vector.bitcast %get3A_609 : vector<16xi32> to vector<32xbf16>
          %get3A_611 = arith.index_cast %add3A_595 : i32 to index
          %get3A_612 = arith.constant 16 : index
          %get3A_613 = tpu.vector_load %arg10[%get3A_611, %get3A_612] {strides = array<i32>} : memref<400x64xi32, #tpu.memory_space<vmem>>, vector<16xi32>,
          %bitcast3A_614 = vector.bitcast %get3A_613 : vector<16xi32> to vector<32xbf16>
          %mul3A_615 = arith.mulf %bitcast3A_610, %bitcast3A_614 : vector<32xbf16>
          %unpack3A_616 = tpu.unpack_subelements %mul3A_615, 0 {pack_format = #tpu.pack_format<interleaved>} : vector<32xbf16> -> vector<16xf32>
          %unpack3A_617 = tpu.unpack_subelements %mul3A_615, 1 {pack_format = #tpu.pack_format<interleaved>} : vector<32xbf16> -> vector<16xf32>
          %add3A_618 = arith.addf %unpack3A_605, %unpack3A_616 : vector<16xf32>
          %add3A_619 = arith.addf %unpack3A_606, %unpack3A_617 : vector<16xf32>
          %get3A_620 = arith.index_cast %add3A_595 : i32 to index
          %get3A_621 = arith.constant 32 : index
          %get3A_622 = tpu.vector_load %arg8[%get3A_620, %get3A_621] {strides = array<i32>} : memref<400x64xi32, #tpu.memory_space<vmem>>, vector<16xi32>,
          %bitcast3A_623 = vector.bitcast %get3A_622 : vector<16xi32> to vector<32xbf16>
          %get3A_624 = arith.index_cast %add3A_595 : i32 to index
          %get3A_625 = arith.constant 32 : index
          %get3A_626 = tpu.vector_load %arg10[%get3A_624, %get3A_625] {strides = array<i32>} : memref<400x64xi32, #tpu.memory_space<vmem>>, vector<16xi32>,
          %bitcast3A_627 = vector.bitcast %get3A_626 : vector<16xi32> to vector<32xbf16>
          %mul3A_628 = arith.mulf %bitcast3A_623, %bitcast3A_627 : vector<32xbf16>
          %unpack3A_629 = tpu.unpack_subelements %mul3A_628, 0 {pack_format = #tpu.pack_format<interleaved>} : vector<32xbf16> -> vector<16xf32>
          %unpack3A_630 = tpu.unpack_subelements %mul3A_628, 1 {pack_format = #tpu.pack_format<interleaved>} : vector<32xbf16> -> vector<16xf32>
          %add3A_631 = arith.addf %add3A_618, %unpack3A_629 : vector<16xf32>
          %add3A_632 = arith.addf %add3A_619, %unpack3A_630 : vector<16xf32>
          %get3A_633 = arith.index_cast %add3A_595 : i32 to index
          %get3A_634 = arith.constant 48 : index
          %get3A_635 = tpu.vector_load %arg8[%get3A_633, %get3A_634] {strides = array<i32>} : memref<400x64xi32, #tpu.memory_space<vmem>>, vector<16xi32>,
          %bitcast3A_636 = vector.bitcast %get3A_635 : vector<16xi32> to vector<32xbf16>
          %get3A_637 = arith.index_cast %add3A_595 : i32 to index
          %get3A_638 = arith.constant 48 : index
          %get3A_639 = tpu.vector_load %arg10[%get3A_637, %get3A_638] {strides = array<i32>} : memref<400x64xi32, #tpu.memory_space<vmem>>, vector<16xi32>,
          %bitcast3A_640 = vector.bitcast %get3A_639 : vector<16xi32> to vector<32xbf16>
          %mul3A_641 = arith.mulf %bitcast3A_636, %bitcast3A_640 : vector<32xbf16>
          %unpack3A_642 = tpu.unpack_subelements %mul3A_641, 0 {pack_format = #tpu.pack_format<interleaved>} : vector<32xbf16> -> vector<16xf32>
          %unpack3A_643 = tpu.unpack_subelements %mul3A_641, 1 {pack_format = #tpu.pack_format<interleaved>} : vector<32xbf16> -> vector<16xf32>
          %add3A_644 = arith.addf %add3A_631, %unpack3A_642 : vector<16xf32>
          %add3A_645 = arith.addf %add3A_632, %unpack3A_643 : vector<16xf32>
          %add3A_646 = arith.addf %add3A_644, %add3A_645 : vector<16xf32>
          %mul3A_647 = arith.constant 16 : i32
          %mul3A_648 = arith.muli %scan3A_98, %mul3A_647 : i32
          %add3A_649 = arith.constant 10 : i32
          %add3A_650 = arith.addi %mul3A_648, %add3A_649 : i32
          %get3A_651 = arith.index_cast %add3A_650 : i32 to index
          %get3A_652 = arith.constant 0 : index
          %get3A_653 = tpu.vector_load %arg8[%get3A_651, %get3A_652] {strides = array<i32>} : memref<400x64xi32, #tpu.memory_space<vmem>>, vector<16xi32>,
          %bitcast3A_654 = vector.bitcast %get3A_653 : vector<16xi32> to vector<32xbf16>
          %get3A_655 = arith.index_cast %add3A_650 : i32 to index
          %get3A_656 = arith.constant 0 : index
          %get3A_657 = tpu.vector_load %arg10[%get3A_655, %get3A_656] {strides = array<i32>} : memref<400x64xi32, #tpu.memory_space<vmem>>, vector<16xi32>,
          %bitcast3A_658 = vector.bitcast %get3A_657 : vector<16xi32> to vector<32xbf16>
          %mul3A_659 = arith.mulf %bitcast3A_654, %bitcast3A_658 : vector<32xbf16>
          %unpack3A_660 = tpu.unpack_subelements %mul3A_659, 0 {pack_format = #tpu.pack_format<interleaved>} : vector<32xbf16> -> vector<16xf32>
          %unpack3A_661 = tpu.unpack_subelements %mul3A_659, 1 {pack_format = #tpu.pack_format<interleaved>} : vector<32xbf16> -> vector<16xf32>
          %get3A_662 = arith.index_cast %add3A_650 : i32 to index
          %get3A_663 = arith.constant 16 : index
          %get3A_664 = tpu.vector_load %arg8[%get3A_662, %get3A_663] {strides = array<i32>} : memref<400x64xi32, #tpu.memory_space<vmem>>, vector<16xi32>,
          %bitcast3A_665 = vector.bitcast %get3A_664 : vector<16xi32> to vector<32xbf16>
          %get3A_666 = arith.index_cast %add3A_650 : i32 to index
          %get3A_667 = arith.constant 16 : index
          %get3A_668 = tpu.vector_load %arg10[%get3A_666, %get3A_667] {strides = array<i32>} : memref<400x64xi32, #tpu.memory_space<vmem>>, vector<16xi32>,
          %bitcast3A_669 = vector.bitcast %get3A_668 : vector<16xi32> to vector<32xbf16>
          %mul3A_670 = arith.mulf %bitcast3A_665, %bitcast3A_669 : vector<32xbf16>
          %unpack3A_671 = tpu.unpack_subelements %mul3A_670, 0 {pack_format = #tpu.pack_format<interleaved>} : vector<32xbf16> -> vector<16xf32>
          %unpack3A_672 = tpu.unpack_subelements %mul3A_670, 1 {pack_format = #tpu.pack_format<interleaved>} : vector<32xbf16> -> vector<16xf32>
          %add3A_673 = arith.addf %unpack3A_660, %unpack3A_671 : vector<16xf32>
          %add3A_674 = arith.addf %unpack3A_661, %unpack3A_672 : vector<16xf32>
          %get3A_675 = arith.index_cast %add3A_650 : i32 to index
          %get3A_676 = arith.constant 32 : index
          %get3A_677 = tpu.vector_load %arg8[%get3A_675, %get3A_676] {strides = array<i32>} : memref<400x64xi32, #tpu.memory_space<vmem>>, vector<16xi32>,
          %bitcast3A_678 = vector.bitcast %get3A_677 : vector<16xi32> to vector<32xbf16>
          %get3A_679 = arith.index_cast %add3A_650 : i32 to index
          %get3A_680 = arith.constant 32 : index
          %get3A_681 = tpu.vector_load %arg10[%get3A_679, %get3A_680] {strides = array<i32>} : memref<400x64xi32, #tpu.memory_space<vmem>>, vector<16xi32>,
          %bitcast3A_682 = vector.bitcast %get3A_681 : vector<16xi32> to vector<32xbf16>
          %mul3A_683 = arith.mulf %bitcast3A_678, %bitcast3A_682 : vector<32xbf16>
          %unpack3A_684 = tpu.unpack_subelements %mul3A_683, 0 {pack_format = #tpu.pack_format<interleaved>} : vector<32xbf16> -> vector<16xf32>
          %unpack3A_685 = tpu.unpack_subelements %mul3A_683, 1 {pack_format = #tpu.pack_format<interleaved>} : vector<32xbf16> -> vector<16xf32>
          %add3A_686 = arith.addf %add3A_673, %unpack3A_684 : vector<16xf32>
          %add3A_687 = arith.addf %add3A_674, %unpack3A_685 : vector<16xf32>
          %get3A_688 = arith.index_cast %add3A_650 : i32 to index
          %get3A_689 = arith.constant 48 : index
          %get3A_690 = tpu.vector_load %arg8[%get3A_688, %get3A_689] {strides = array<i32>} : memref<400x64xi32, #tpu.memory_space<vmem>>, vector<16xi32>,
          %bitcast3A_691 = vector.bitcast %get3A_690 : vector<16xi32> to vector<32xbf16>
          %get3A_692 = arith.index_cast %add3A_650 : i32 to index
          %get3A_693 = arith.constant 48 : index
          %get3A_694 = tpu.vector_load %arg10[%get3A_692, %get3A_693] {strides = array<i32>} : memref<400x64xi32, #tpu.memory_space<vmem>>, vector<16xi32>,
          %bitcast3A_695 = vector.bitcast %get3A_694 : vector<16xi32> to vector<32xbf16>
          %mul3A_696 = arith.mulf %bitcast3A_691, %bitcast3A_695 : vector<32xbf16>
          %unpack3A_697 = tpu.unpack_subelements %mul3A_696, 0 {pack_format = #tpu.pack_format<interleaved>} : vector<32xbf16> -> vector<16xf32>
          %unpack3A_698 = tpu.unpack_subelements %mul3A_696, 1 {pack_format = #tpu.pack_format<interleaved>} : vector<32xbf16> -> vector<16xf32>
          %add3A_699 = arith.addf %add3A_686, %unpack3A_697 : vector<16xf32>
          %add3A_700 = arith.addf %add3A_687, %unpack3A_698 : vector<16xf32>
          %add3A_701 = arith.addf %add3A_699, %add3A_700 : vector<16xf32>
          %mul3A_702 = arith.constant 16 : i32
          %mul3A_703 = arith.muli %scan3A_98, %mul3A_702 : i32
          %add3A_704 = arith.constant 11 : i32
          %add3A_705 = arith.addi %mul3A_703, %add3A_704 : i32
          %get3A_706 = arith.index_cast %add3A_705 : i32 to index
          %get3A_707 = arith.constant 0 : index
          %get3A_708 = tpu.vector_load %arg8[%get3A_706, %get3A_707] {strides = array<i32>} : memref<400x64xi32, #tpu.memory_space<vmem>>, vector<16xi32>,
          %bitcast3A_709 = vector.bitcast %get3A_708 : vector<16xi32> to vector<32xbf16>
          %get3A_710 = arith.index_cast %add3A_705 : i32 to index
          %get3A_711 = arith.constant 0 : index
          %get3A_712 = tpu.vector_load %arg10[%get3A_710, %get3A_711] {strides = array<i32>} : memref<400x64xi32, #tpu.memory_space<vmem>>, vector<16xi32>,
          %bitcast3A_713 = vector.bitcast %get3A_712 : vector<16xi32> to vector<32xbf16>
          %mul3A_714 = arith.mulf %bitcast3A_709, %bitcast3A_713 : vector<32xbf16>
          %unpack3A_715 = tpu.unpack_subelements %mul3A_714, 0 {pack_format = #tpu.pack_format<interleaved>} : vector<32xbf16> -> vector<16xf32>
          %unpack3A_716 = tpu.unpack_subelements %mul3A_714, 1 {pack_format = #tpu.pack_format<interleaved>} : vector<32xbf16> -> vector<16xf32>
          %get3A_717 = arith.index_cast %add3A_705 : i32 to index
          %get3A_718 = arith.constant 16 : index
          %get3A_719 = tpu.vector_load %arg8[%get3A_717, %get3A_718] {strides = array<i32>} : memref<400x64xi32, #tpu.memory_space<vmem>>, vector<16xi32>,
          %bitcast3A_720 = vector.bitcast %get3A_719 : vector<16xi32> to vector<32xbf16>
          %get3A_721 = arith.index_cast %add3A_705 : i32 to index
          %get3A_722 = arith.constant 16 : index
          %get3A_723 = tpu.vector_load %arg10[%get3A_721, %get3A_722] {strides = array<i32>} : memref<400x64xi32, #tpu.memory_space<vmem>>, vector<16xi32>,
          %bitcast3A_724 = vector.bitcast %get3A_723 : vector<16xi32> to vector<32xbf16>
          %mul3A_725 = arith.mulf %bitcast3A_720, %bitcast3A_724 : vector<32xbf16>
          %unpack3A_726 = tpu.unpack_subelements %mul3A_725, 0 {pack_format = #tpu.pack_format<interleaved>} : vector<32xbf16> -> vector<16xf32>
          %unpack3A_727 = tpu.unpack_subelements %mul3A_725, 1 {pack_format = #tpu.pack_format<interleaved>} : vector<32xbf16> -> vector<16xf32>
          %add3A_728 = arith.addf %unpack3A_715, %unpack3A_726 : vector<16xf32>
          %add3A_729 = arith.addf %unpack3A_716, %unpack3A_727 : vector<16xf32>
          %get3A_730 = arith.index_cast %add3A_705 : i32 to index
          %get3A_731 = arith.constant 32 : index
          %get3A_732 = tpu.vector_load %arg8[%get3A_730, %get3A_731] {strides = array<i32>} : memref<400x64xi32, #tpu.memory_space<vmem>>, vector<16xi32>,
          %bitcast3A_733 = vector.bitcast %get3A_732 : vector<16xi32> to vector<32xbf16>
          %get3A_734 = arith.index_cast %add3A_705 : i32 to index
          %get3A_735 = arith.constant 32 : index
          %get3A_736 = tpu.vector_load %arg10[%get3A_734, %get3A_735] {strides = array<i32>} : memref<400x64xi32, #tpu.memory_space<vmem>>, vector<16xi32>,
          %bitcast3A_737 = vector.bitcast %get3A_736 : vector<16xi32> to vector<32xbf16>
          %mul3A_738 = arith.mulf %bitcast3A_733, %bitcast3A_737 : vector<32xbf16>
          %unpack3A_739 = tpu.unpack_subelements %mul3A_738, 0 {pack_format = #tpu.pack_format<interleaved>} : vector<32xbf16> -> vector<16xf32>
          %unpack3A_740 = tpu.unpack_subelements %mul3A_738, 1 {pack_format = #tpu.pack_format<interleaved>} : vector<32xbf16> -> vector<16xf32>
          %add3A_741 = arith.addf %add3A_728, %unpack3A_739 : vector<16xf32>
          %add3A_742 = arith.addf %add3A_729, %unpack3A_740 : vector<16xf32>
          %get3A_743 = arith.index_cast %add3A_705 : i32 to index
          %get3A_744 = arith.constant 48 : index
          %get3A_745 = tpu.vector_load %arg8[%get3A_743, %get3A_744] {strides = array<i32>} : memref<400x64xi32, #tpu.memory_space<vmem>>, vector<16xi32>,
          %bitcast3A_746 = vector.bitcast %get3A_745 : vector<16xi32> to vector<32xbf16>
          %get3A_747 = arith.index_cast %add3A_705 : i32 to index
          %get3A_748 = arith.constant 48 : index
          %get3A_749 = tpu.vector_load %arg10[%get3A_747, %get3A_748] {strides = array<i32>} : memref<400x64xi32, #tpu.memory_space<vmem>>, vector<16xi32>,
          %bitcast3A_750 = vector.bitcast %get3A_749 : vector<16xi32> to vector<32xbf16>
          %mul3A_751 = arith.mulf %bitcast3A_746, %bitcast3A_750 : vector<32xbf16>
          %unpack3A_752 = tpu.unpack_subelements %mul3A_751, 0 {pack_format = #tpu.pack_format<interleaved>} : vector<32xbf16> -> vector<16xf32>
          %unpack3A_753 = tpu.unpack_subelements %mul3A_751, 1 {pack_format = #tpu.pack_format<interleaved>} : vector<32xbf16> -> vector<16xf32>
          %add3A_754 = arith.addf %add3A_741, %unpack3A_752 : vector<16xf32>
          %add3A_755 = arith.addf %add3A_742, %unpack3A_753 : vector<16xf32>
          %add3A_756 = arith.addf %add3A_754, %add3A_755 : vector<16xf32>
          %mul3A_757 = arith.constant 16 : i32
          %mul3A_758 = arith.muli %scan3A_98, %mul3A_757 : i32
          %add3A_759 = arith.constant 12 : i32
          %add3A_760 = arith.addi %mul3A_758, %add3A_759 : i32
          %get3A_761 = arith.index_cast %add3A_760 : i32 to index
          %get3A_762 = arith.constant 0 : index
          %get3A_763 = tpu.vector_load %arg8[%get3A_761, %get3A_762] {strides = array<i32>} : memref<400x64xi32, #tpu.memory_space<vmem>>, vector<16xi32>,
          %bitcast3A_764 = vector.bitcast %get3A_763 : vector<16xi32> to vector<32xbf16>
          %get3A_765 = arith.index_cast %add3A_760 : i32 to index
          %get3A_766 = arith.constant 0 : index
          %get3A_767 = tpu.vector_load %arg10[%get3A_765, %get3A_766] {strides = array<i32>} : memref<400x64xi32, #tpu.memory_space<vmem>>, vector<16xi32>,
          %bitcast3A_768 = vector.bitcast %get3A_767 : vector<16xi32> to vector<32xbf16>
          %mul3A_769 = arith.mulf %bitcast3A_764, %bitcast3A_768 : vector<32xbf16>
          %unpack3A_770 = tpu.unpack_subelements %mul3A_769, 0 {pack_format = #tpu.pack_format<interleaved>} : vector<32xbf16> -> vector<16xf32>
          %unpack3A_771 = tpu.unpack_subelements %mul3A_769, 1 {pack_format = #tpu.pack_format<interleaved>} : vector<32xbf16> -> vector<16xf32>
          %get3A_772 = arith.index_cast %add3A_760 : i32 to index
          %get3A_773 = arith.constant 16 : index
          %get3A_774 = tpu.vector_load %arg8[%get3A_772, %get3A_773] {strides = array<i32>} : memref<400x64xi32, #tpu.memory_space<vmem>>, vector<16xi32>,
          %bitcast3A_775 = vector.bitcast %get3A_774 : vector<16xi32> to vector<32xbf16>
          %get3A_776 = arith.index_cast %add3A_760 : i32 to index
          %get3A_777 = arith.constant 16 : index
          %get3A_778 = tpu.vector_load %arg10[%get3A_776, %get3A_777] {strides = array<i32>} : memref<400x64xi32, #tpu.memory_space<vmem>>, vector<16xi32>,
          %bitcast3A_779 = vector.bitcast %get3A_778 : vector<16xi32> to vector<32xbf16>
          %mul3A_780 = arith.mulf %bitcast3A_775, %bitcast3A_779 : vector<32xbf16>
          %unpack3A_781 = tpu.unpack_subelements %mul3A_780, 0 {pack_format = #tpu.pack_format<interleaved>} : vector<32xbf16> -> vector<16xf32>
          %unpack3A_782 = tpu.unpack_subelements %mul3A_780, 1 {pack_format = #tpu.pack_format<interleaved>} : vector<32xbf16> -> vector<16xf32>
          %add3A_783 = arith.addf %unpack3A_770, %unpack3A_781 : vector<16xf32>
          %add3A_784 = arith.addf %unpack3A_771, %unpack3A_782 : vector<16xf32>
          %get3A_785 = arith.index_cast %add3A_760 : i32 to index
          %get3A_786 = arith.constant 32 : index
          %get3A_787 = tpu.vector_load %arg8[%get3A_785, %get3A_786] {strides = array<i32>} : memref<400x64xi32, #tpu.memory_space<vmem>>, vector<16xi32>,
          %bitcast3A_788 = vector.bitcast %get3A_787 : vector<16xi32> to vector<32xbf16>
          %get3A_789 = arith.index_cast %add3A_760 : i32 to index
          %get3A_790 = arith.constant 32 : index
          %get3A_791 = tpu.vector_load %arg10[%get3A_789, %get3A_790] {strides = array<i32>} : memref<400x64xi32, #tpu.memory_space<vmem>>, vector<16xi32>,
          %bitcast3A_792 = vector.bitcast %get3A_791 : vector<16xi32> to vector<32xbf16>
          %mul3A_793 = arith.mulf %bitcast3A_788, %bitcast3A_792 : vector<32xbf16>
          %unpack3A_794 = tpu.unpack_subelements %mul3A_793, 0 {pack_format = #tpu.pack_format<interleaved>} : vector<32xbf16> -> vector<16xf32>
          %unpack3A_795 = tpu.unpack_subelements %mul3A_793, 1 {pack_format = #tpu.pack_format<interleaved>} : vector<32xbf16> -> vector<16xf32>
          %add3A_796 = arith.addf %add3A_783, %unpack3A_794 : vector<16xf32>
          %add3A_797 = arith.addf %add3A_784, %unpack3A_795 : vector<16xf32>
          %get3A_798 = arith.index_cast %add3A_760 : i32 to index
          %get3A_799 = arith.constant 48 : index
          %get3A_800 = tpu.vector_load %arg8[%get3A_798, %get3A_799] {strides = array<i32>} : memref<400x64xi32, #tpu.memory_space<vmem>>, vector<16xi32>,
          %bitcast3A_801 = vector.bitcast %get3A_800 : vector<16xi32> to vector<32xbf16>
          %get3A_802 = arith.index_cast %add3A_760 : i32 to index
          %get3A_803 = arith.constant 48 : index
          %get3A_804 = tpu.vector_load %arg10[%get3A_802, %get3A_803] {strides = array<i32>} : memref<400x64xi32, #tpu.memory_space<vmem>>, vector<16xi32>,
          %bitcast3A_805 = vector.bitcast %get3A_804 : vector<16xi32> to vector<32xbf16>
          %mul3A_806 = arith.mulf %bitcast3A_801, %bitcast3A_805 : vector<32xbf16>
          %unpack3A_807 = tpu.unpack_subelements %mul3A_806, 0 {pack_format = #tpu.pack_format<interleaved>} : vector<32xbf16> -> vector<16xf32>
          %unpack3A_808 = tpu.unpack_subelements %mul3A_806, 1 {pack_format = #tpu.pack_format<interleaved>} : vector<32xbf16> -> vector<16xf32>
          %add3A_809 = arith.addf %add3A_796, %unpack3A_807 : vector<16xf32>
          %add3A_810 = arith.addf %add3A_797, %unpack3A_808 : vector<16xf32>
          %add3A_811 = arith.addf %add3A_809, %add3A_810 : vector<16xf32>
          %mul3A_812 = arith.constant 16 : i32
          %mul3A_813 = arith.muli %scan3A_98, %mul3A_812 : i32
          %add3A_814 = arith.constant 13 : i32
          %add3A_815 = arith.addi %mul3A_813, %add3A_814 : i32
          %get3A_816 = arith.index_cast %add3A_815 : i32 to index
          %get3A_817 = arith.constant 0 : index
          %get3A_818 = tpu.vector_load %arg8[%get3A_816, %get3A_817] {strides = array<i32>} : memref<400x64xi32, #tpu.memory_space<vmem>>, vector<16xi32>,
          %bitcast3A_819 = vector.bitcast %get3A_818 : vector<16xi32> to vector<32xbf16>
          %get3A_820 = arith.index_cast %add3A_815 : i32 to index
          %get3A_821 = arith.constant 0 : index
          %get3A_822 = tpu.vector_load %arg10[%get3A_820, %get3A_821] {strides = array<i32>} : memref<400x64xi32, #tpu.memory_space<vmem>>, vector<16xi32>,
          %bitcast3A_823 = vector.bitcast %get3A_822 : vector<16xi32> to vector<32xbf16>
          %mul3A_824 = arith.mulf %bitcast3A_819, %bitcast3A_823 : vector<32xbf16>
          %unpack3A_825 = tpu.unpack_subelements %mul3A_824, 0 {pack_format = #tpu.pack_format<interleaved>} : vector<32xbf16> -> vector<16xf32>
          %unpack3A_826 = tpu.unpack_subelements %mul3A_824, 1 {pack_format = #tpu.pack_format<interleaved>} : vector<32xbf16> -> vector<16xf32>
          %get3A_827 = arith.index_cast %add3A_815 : i32 to index
          %get3A_828 = arith.constant 16 : index
          %get3A_829 = tpu.vector_load %arg8[%get3A_827, %get3A_828] {strides = array<i32>} : memref<400x64xi32, #tpu.memory_space<vmem>>, vector<16xi32>,
          %bitcast3A_830 = vector.bitcast %get3A_829 : vector<16xi32> to vector<32xbf16>
          %get3A_831 = arith.index_cast %add3A_815 : i32 to index
          %get3A_832 = arith.constant 16 : index
          %get3A_833 = tpu.vector_load %arg10[%get3A_831, %get3A_832] {strides = array<i32>} : memref<400x64xi32, #tpu.memory_space<vmem>>, vector<16xi32>,
          %bitcast3A_834 = vector.bitcast %get3A_833 : vector<16xi32> to vector<32xbf16>
          %mul3A_835 = arith.mulf %bitcast3A_830, %bitcast3A_834 : vector<32xbf16>
          %unpack3A_836 = tpu.unpack_subelements %mul3A_835, 0 {pack_format = #tpu.pack_format<interleaved>} : vector<32xbf16> -> vector<16xf32>
          %unpack3A_837 = tpu.unpack_subelements %mul3A_835, 1 {pack_format = #tpu.pack_format<interleaved>} : vector<32xbf16> -> vector<16xf32>
          %add3A_838 = arith.addf %unpack3A_825, %unpack3A_836 : vector<16xf32>
          %add3A_839 = arith.addf %unpack3A_826, %unpack3A_837 : vector<16xf32>
          %get3A_840 = arith.index_cast %add3A_815 : i32 to index
          %get3A_841 = arith.constant 32 : index
          %get3A_842 = tpu.vector_load %arg8[%get3A_840, %get3A_841] {strides = array<i32>} : memref<400x64xi32, #tpu.memory_space<vmem>>, vector<16xi32>,
          %bitcast3A_843 = vector.bitcast %get3A_842 : vector<16xi32> to vector<32xbf16>
          %get3A_844 = arith.index_cast %add3A_815 : i32 to index
          %get3A_845 = arith.constant 32 : index
          %get3A_846 = tpu.vector_load %arg10[%get3A_844, %get3A_845] {strides = array<i32>} : memref<400x64xi32, #tpu.memory_space<vmem>>, vector<16xi32>,
          %bitcast3A_847 = vector.bitcast %get3A_846 : vector<16xi32> to vector<32xbf16>
          %mul3A_848 = arith.mulf %bitcast3A_843, %bitcast3A_847 : vector<32xbf16>
          %unpack3A_849 = tpu.unpack_subelements %mul3A_848, 0 {pack_format = #tpu.pack_format<interleaved>} : vector<32xbf16> -> vector<16xf32>
          %unpack3A_850 = tpu.unpack_subelements %mul3A_848, 1 {pack_format = #tpu.pack_format<interleaved>} : vector<32xbf16> -> vector<16xf32>
          %add3A_851 = arith.addf %add3A_838, %unpack3A_849 : vector<16xf32>
          %add3A_852 = arith.addf %add3A_839, %unpack3A_850 : vector<16xf32>
          %get3A_853 = arith.index_cast %add3A_815 : i32 to index
          %get3A_854 = arith.constant 48 : index
          %get3A_855 = tpu.vector_load %arg8[%get3A_853, %get3A_854] {strides = array<i32>} : memref<400x64xi32, #tpu.memory_space<vmem>>, vector<16xi32>,
          %bitcast3A_856 = vector.bitcast %get3A_855 : vector<16xi32> to vector<32xbf16>
          %get3A_857 = arith.index_cast %add3A_815 : i32 to index
          %get3A_858 = arith.constant 48 : index
          %get3A_859 = tpu.vector_load %arg10[%get3A_857, %get3A_858] {strides = array<i32>} : memref<400x64xi32, #tpu.memory_space<vmem>>, vector<16xi32>,
          %bitcast3A_860 = vector.bitcast %get3A_859 : vector<16xi32> to vector<32xbf16>
          %mul3A_861 = arith.mulf %bitcast3A_856, %bitcast3A_860 : vector<32xbf16>
          %unpack3A_862 = tpu.unpack_subelements %mul3A_861, 0 {pack_format = #tpu.pack_format<interleaved>} : vector<32xbf16> -> vector<16xf32>
          %unpack3A_863 = tpu.unpack_subelements %mul3A_861, 1 {pack_format = #tpu.pack_format<interleaved>} : vector<32xbf16> -> vector<16xf32>
          %add3A_864 = arith.addf %add3A_851, %unpack3A_862 : vector<16xf32>
          %add3A_865 = arith.addf %add3A_852, %unpack3A_863 : vector<16xf32>
          %add3A_866 = arith.addf %add3A_864, %add3A_865 : vector<16xf32>
          %mul3A_867 = arith.constant 16 : i32
          %mul3A_868 = arith.muli %scan3A_98, %mul3A_867 : i32
          %add3A_869 = arith.constant 14 : i32
          %add3A_870 = arith.addi %mul3A_868, %add3A_869 : i32
          %get3A_871 = arith.index_cast %add3A_870 : i32 to index
          %get3A_872 = arith.constant 0 : index
          %get3A_873 = tpu.vector_load %arg8[%get3A_871, %get3A_872] {strides = array<i32>} : memref<400x64xi32, #tpu.memory_space<vmem>>, vector<16xi32>,
          %bitcast3A_874 = vector.bitcast %get3A_873 : vector<16xi32> to vector<32xbf16>
          %get3A_875 = arith.index_cast %add3A_870 : i32 to index
          %get3A_876 = arith.constant 0 : index
          %get3A_877 = tpu.vector_load %arg10[%get3A_875, %get3A_876] {strides = array<i32>} : memref<400x64xi32, #tpu.memory_space<vmem>>, vector<16xi32>,
          %bitcast3A_878 = vector.bitcast %get3A_877 : vector<16xi32> to vector<32xbf16>
          %mul3A_879 = arith.mulf %bitcast3A_874, %bitcast3A_878 : vector<32xbf16>
          %unpack3A_880 = tpu.unpack_subelements %mul3A_879, 0 {pack_format = #tpu.pack_format<interleaved>} : vector<32xbf16> -> vector<16xf32>
          %unpack3A_881 = tpu.unpack_subelements %mul3A_879, 1 {pack_format = #tpu.pack_format<interleaved>} : vector<32xbf16> -> vector<16xf32>
          %get3A_882 = arith.index_cast %add3A_870 : i32 to index
          %get3A_883 = arith.constant 16 : index
          %get3A_884 = tpu.vector_load %arg8[%get3A_882, %get3A_883] {strides = array<i32>} : memref<400x64xi32, #tpu.memory_space<vmem>>, vector<16xi32>,
          %bitcast3A_885 = vector.bitcast %get3A_884 : vector<16xi32> to vector<32xbf16>
          %get3A_886 = arith.index_cast %add3A_870 : i32 to index
          %get3A_887 = arith.constant 16 : index
          %get3A_888 = tpu.vector_load %arg10[%get3A_886, %get3A_887] {strides = array<i32>} : memref<400x64xi32, #tpu.memory_space<vmem>>, vector<16xi32>,
          %bitcast3A_889 = vector.bitcast %get3A_888 : vector<16xi32> to vector<32xbf16>
          %mul3A_890 = arith.mulf %bitcast3A_885, %bitcast3A_889 : vector<32xbf16>
          %unpack3A_891 = tpu.unpack_subelements %mul3A_890, 0 {pack_format = #tpu.pack_format<interleaved>} : vector<32xbf16> -> vector<16xf32>
          %unpack3A_892 = tpu.unpack_subelements %mul3A_890, 1 {pack_format = #tpu.pack_format<interleaved>} : vector<32xbf16> -> vector<16xf32>
          %add3A_893 = arith.addf %unpack3A_880, %unpack3A_891 : vector<16xf32>
          %add3A_894 = arith.addf %unpack3A_881, %unpack3A_892 : vector<16xf32>
          %get3A_895 = arith.index_cast %add3A_870 : i32 to index
          %get3A_896 = arith.constant 32 : index
          %get3A_897 = tpu.vector_load %arg8[%get3A_895, %get3A_896] {strides = array<i32>} : memref<400x64xi32, #tpu.memory_space<vmem>>, vector<16xi32>,
          %bitcast3A_898 = vector.bitcast %get3A_897 : vector<16xi32> to vector<32xbf16>
          %get3A_899 = arith.index_cast %add3A_870 : i32 to index
          %get3A_900 = arith.constant 32 : index
          %get3A_901 = tpu.vector_load %arg10[%get3A_899, %get3A_900] {strides = array<i32>} : memref<400x64xi32, #tpu.memory_space<vmem>>, vector<16xi32>,
          %bitcast3A_902 = vector.bitcast %get3A_901 : vector<16xi32> to vector<32xbf16>
          %mul3A_903 = arith.mulf %bitcast3A_898, %bitcast3A_902 : vector<32xbf16>
          %unpack3A_904 = tpu.unpack_subelements %mul3A_903, 0 {pack_format = #tpu.pack_format<interleaved>} : vector<32xbf16> -> vector<16xf32>
          %unpack3A_905 = tpu.unpack_subelements %mul3A_903, 1 {pack_format = #tpu.pack_format<interleaved>} : vector<32xbf16> -> vector<16xf32>
          %add3A_906 = arith.addf %add3A_893, %unpack3A_904 : vector<16xf32>
          %add3A_907 = arith.addf %add3A_894, %unpack3A_905 : vector<16xf32>
          %get3A_908 = arith.index_cast %add3A_870 : i32 to index
          %get3A_909 = arith.constant 48 : index
          %get3A_910 = tpu.vector_load %arg8[%get3A_908, %get3A_909] {strides = array<i32>} : memref<400x64xi32, #tpu.memory_space<vmem>>, vector<16xi32>,
          %bitcast3A_911 = vector.bitcast %get3A_910 : vector<16xi32> to vector<32xbf16>
          %get3A_912 = arith.index_cast %add3A_870 : i32 to index
          %get3A_913 = arith.constant 48 : index
          %get3A_914 = tpu.vector_load %arg10[%get3A_912, %get3A_913] {strides = array<i32>} : memref<400x64xi32, #tpu.memory_space<vmem>>, vector<16xi32>,
          %bitcast3A_915 = vector.bitcast %get3A_914 : vector<16xi32> to vector<32xbf16>
          %mul3A_916 = arith.mulf %bitcast3A_911, %bitcast3A_915 : vector<32xbf16>
          %unpack3A_917 = tpu.unpack_subelements %mul3A_916, 0 {pack_format = #tpu.pack_format<interleaved>} : vector<32xbf16> -> vector<16xf32>
          %unpack3A_918 = tpu.unpack_subelements %mul3A_916, 1 {pack_format = #tpu.pack_format<interleaved>} : vector<32xbf16> -> vector<16xf32>
          %add3A_919 = arith.addf %add3A_906, %unpack3A_917 : vector<16xf32>
          %add3A_920 = arith.addf %add3A_907, %unpack3A_918 : vector<16xf32>
          %add3A_921 = arith.addf %add3A_919, %add3A_920 : vector<16xf32>
          %mul3A_922 = arith.constant 16 : i32
          %mul3A_923 = arith.muli %scan3A_98, %mul3A_922 : i32
          %add3A_924 = arith.constant 15 : i32
          %add3A_925 = arith.addi %mul3A_923, %add3A_924 : i32
          %get3A_926 = arith.index_cast %add3A_925 : i32 to index
          %get3A_927 = arith.constant 0 : index
          %get3A_928 = tpu.vector_load %arg8[%get3A_926, %get3A_927] {strides = array<i32>} : memref<400x64xi32, #tpu.memory_space<vmem>>, vector<16xi32>,
          %bitcast3A_929 = vector.bitcast %get3A_928 : vector<16xi32> to vector<32xbf16>
          %get3A_930 = arith.index_cast %add3A_925 : i32 to index
          %get3A_931 = arith.constant 0 : index
          %get3A_932 = tpu.vector_load %arg10[%get3A_930, %get3A_931] {strides = array<i32>} : memref<400x64xi32, #tpu.memory_space<vmem>>, vector<16xi32>,
          %bitcast3A_933 = vector.bitcast %get3A_932 : vector<16xi32> to vector<32xbf16>
          %mul3A_934 = arith.mulf %bitcast3A_929, %bitcast3A_933 : vector<32xbf16>
          %unpack3A_935 = tpu.unpack_subelements %mul3A_934, 0 {pack_format = #tpu.pack_format<interleaved>} : vector<32xbf16> -> vector<16xf32>
          %unpack3A_936 = tpu.unpack_subelements %mul3A_934, 1 {pack_format = #tpu.pack_format<interleaved>} : vector<32xbf16> -> vector<16xf32>
          %get3A_937 = arith.index_cast %add3A_925 : i32 to index
          %get3A_938 = arith.constant 16 : index
          %get3A_939 = tpu.vector_load %arg8[%get3A_937, %get3A_938] {strides = array<i32>} : memref<400x64xi32, #tpu.memory_space<vmem>>, vector<16xi32>,
          %bitcast3A_940 = vector.bitcast %get3A_939 : vector<16xi32> to vector<32xbf16>
          %get3A_941 = arith.index_cast %add3A_925 : i32 to index
          %get3A_942 = arith.constant 16 : index
          %get3A_943 = tpu.vector_load %arg10[%get3A_941, %get3A_942] {strides = array<i32>} : memref<400x64xi32, #tpu.memory_space<vmem>>, vector<16xi32>,
          %bitcast3A_944 = vector.bitcast %get3A_943 : vector<16xi32> to vector<32xbf16>
          %mul3A_945 = arith.mulf %bitcast3A_940, %bitcast3A_944 : vector<32xbf16>
          %unpack3A_946 = tpu.unpack_subelements %mul3A_945, 0 {pack_format = #tpu.pack_format<interleaved>} : vector<32xbf16> -> vector<16xf32>
          %unpack3A_947 = tpu.unpack_subelements %mul3A_945, 1 {pack_format = #tpu.pack_format<interleaved>} : vector<32xbf16> -> vector<16xf32>
          %add3A_948 = arith.addf %unpack3A_935, %unpack3A_946 : vector<16xf32>
          %add3A_949 = arith.addf %unpack3A_936, %unpack3A_947 : vector<16xf32>
          %get3A_950 = arith.index_cast %add3A_925 : i32 to index
          %get3A_951 = arith.constant 32 : index
          %get3A_952 = tpu.vector_load %arg8[%get3A_950, %get3A_951] {strides = array<i32>} : memref<400x64xi32, #tpu.memory_space<vmem>>, vector<16xi32>,
          %bitcast3A_953 = vector.bitcast %get3A_952 : vector<16xi32> to vector<32xbf16>
          %get3A_954 = arith.index_cast %add3A_925 : i32 to index
          %get3A_955 = arith.constant 32 : index
          %get3A_956 = tpu.vector_load %arg10[%get3A_954, %get3A_955] {strides = array<i32>} : memref<400x64xi32, #tpu.memory_space<vmem>>, vector<16xi32>,
          %bitcast3A_957 = vector.bitcast %get3A_956 : vector<16xi32> to vector<32xbf16>
          %mul3A_958 = arith.mulf %bitcast3A_953, %bitcast3A_957 : vector<32xbf16>
          %unpack3A_959 = tpu.unpack_subelements %mul3A_958, 0 {pack_format = #tpu.pack_format<interleaved>} : vector<32xbf16> -> vector<16xf32>
          %unpack3A_960 = tpu.unpack_subelements %mul3A_958, 1 {pack_format = #tpu.pack_format<interleaved>} : vector<32xbf16> -> vector<16xf32>
          %add3A_961 = arith.addf %add3A_948, %unpack3A_959 : vector<16xf32>
          %add3A_962 = arith.addf %add3A_949, %unpack3A_960 : vector<16xf32>
          %get3A_963 = arith.index_cast %add3A_925 : i32 to index
          %get3A_964 = arith.constant 48 : index
          %get3A_965 = tpu.vector_load %arg8[%get3A_963, %get3A_964] {strides = array<i32>} : memref<400x64xi32, #tpu.memory_space<vmem>>, vector<16xi32>,
          %bitcast3A_966 = vector.bitcast %get3A_965 : vector<16xi32> to vector<32xbf16>
          %get3A_967 = arith.index_cast %add3A_925 : i32 to index
          %get3A_968 = arith.constant 48 : index
          %get3A_969 = tpu.vector_load %arg10[%get3A_967, %get3A_968] {strides = array<i32>} : memref<400x64xi32, #tpu.memory_space<vmem>>, vector<16xi32>,
          %bitcast3A_970 = vector.bitcast %get3A_969 : vector<16xi32> to vector<32xbf16>
          %mul3A_971 = arith.mulf %bitcast3A_966, %bitcast3A_970 : vector<32xbf16>
          %unpack3A_972 = tpu.unpack_subelements %mul3A_971, 0 {pack_format = #tpu.pack_format<interleaved>} : vector<32xbf16> -> vector<16xf32>
          %unpack3A_973 = tpu.unpack_subelements %mul3A_971, 1 {pack_format = #tpu.pack_format<interleaved>} : vector<32xbf16> -> vector<16xf32>
          %add3A_974 = arith.addf %add3A_961, %unpack3A_972 : vector<16xf32>
          %add3A_975 = arith.addf %add3A_962, %unpack3A_973 : vector<16xf32>
          %add3A_976 = arith.addf %add3A_974, %add3A_975 : vector<16xf32>
          %swap3A = arith.constant 0 : index
          %swap3A_977 = tpu.vector_load %arg12[%swap3A] {strides = array<i32>} : memref<256xf32, #tpu.memory_space<vmem>>, vector<16xf32>,
          tpu.vector_store %arg12[%swap3A], %add3A_151 {strides = array<i32>} : memref<256xf32, #tpu.memory_space<vmem>>, vector<16xf32>,
          %swap3A_978 = arith.constant 16 : index
          %swap3A_979 = tpu.vector_load %arg12[%swap3A_978] {strides = array<i32>} : memref<256xf32, #tpu.memory_space<vmem>>, vector<16xf32>,
          tpu.vector_store %arg12[%swap3A_978], %add3A_206 {strides = array<i32>} : memref<256xf32, #tpu.memory_space<vmem>>, vector<16xf32>,
          %swap3A_980 = arith.constant 32 : index
          %swap3A_981 = tpu.vector_load %arg12[%swap3A_980] {strides = array<i32>} : memref<256xf32, #tpu.memory_space<vmem>>, vector<16xf32>,
          tpu.vector_store %arg12[%swap3A_980], %add3A_261 {strides = array<i32>} : memref<256xf32, #tpu.memory_space<vmem>>, vector<16xf32>,
          %swap3A_982 = arith.constant 48 : index
          %swap3A_983 = tpu.vector_load %arg12[%swap3A_982] {strides = array<i32>} : memref<256xf32, #tpu.memory_space<vmem>>, vector<16xf32>,
          tpu.vector_store %arg12[%swap3A_982], %add3A_316 {strides = array<i32>} : memref<256xf32, #tpu.memory_space<vmem>>, vector<16xf32>,
          %swap3A_984 = arith.constant 64 : index
          %swap3A_985 = tpu.vector_load %arg12[%swap3A_984] {strides = array<i32>} : memref<256xf32, #tpu.memory_space<vmem>>, vector<16xf32>,
          tpu.vector_store %arg12[%swap3A_984], %add3A_371 {strides = array<i32>} : memref<256xf32, #tpu.memory_space<vmem>>, vector<16xf32>,
          %swap3A_986 = arith.constant 80 : index
          %swap3A_987 = tpu.vector_load %arg12[%swap3A_986] {strides = array<i32>} : memref<256xf32, #tpu.memory_space<vmem>>, vector<16xf32>,
          tpu.vector_store %arg12[%swap3A_986], %add3A_426 {strides = array<i32>} : memref<256xf32, #tpu.memory_space<vmem>>, vector<16xf32>,
          %swap3A_988 = arith.constant 96 : index
          %swap3A_989 = tpu.vector_load %arg12[%swap3A_988] {strides = array<i32>} : memref<256xf32, #tpu.memory_space<vmem>>, vector<16xf32>,
          tpu.vector_store %arg12[%swap3A_988], %add3A_481 {strides = array<i32>} : memref<256xf32, #tpu.memory_space<vmem>>, vector<16xf32>,
          %swap3A_990 = arith.constant 112 : index
          %swap3A_991 = tpu.vector_load %arg12[%swap3A_990] {strides = array<i32>} : memref<256xf32, #tpu.memory_space<vmem>>, vector<16xf32>,
          tpu.vector_store %arg12[%swap3A_990], %add3A_536 {strides = array<i32>} : memref<256xf32, #tpu.memory_space<vmem>>, vector<16xf32>,
          %swap3A_992 = arith.constant 128 : index
          %swap3A_993 = tpu.vector_load %arg12[%swap3A_992] {strides = array<i32>} : memref<256xf32, #tpu.memory_space<vmem>>, vector<16xf32>,
          tpu.vector_store %arg12[%swap3A_992], %add3A_591 {strides = array<i32>} : memref<256xf32, #tpu.memory_space<vmem>>, vector<16xf32>,
          %swap3A_994 = arith.constant 144 : index
          %swap3A_995 = tpu.vector_load %arg12[%swap3A_994] {strides = array<i32>} : memref<256xf32, #tpu.memory_space<vmem>>, vector<16xf32>,
          tpu.vector_store %arg12[%swap3A_994], %add3A_646 {strides = array<i32>} : memref<256xf32, #tpu.memory_space<vmem>>, vector<16xf32>,
          %swap3A_996 = arith.constant 160 : index
          %swap3A_997 = tpu.vector_load %arg12[%swap3A_996] {strides = array<i32>} : memref<256xf32, #tpu.memory_space<vmem>>, vector<16xf32>,
          tpu.vector_store %arg12[%swap3A_996], %add3A_701 {strides = array<i32>} : memref<256xf32, #tpu.memory_space<vmem>>, vector<16xf32>,
          %swap3A_998 = arith.constant 176 : index
          %swap3A_999 = tpu.vector_load %arg12[%swap3A_998] {strides = array<i32>} : memref<256xf32, #tpu.memory_space<vmem>>, vector<16xf32>,
          tpu.vector_store %arg12[%swap3A_998], %add3A_756 {strides = array<i32>} : memref<256xf32, #tpu.memory_space<vmem>>, vector<16xf32>,
          %swap3A_1000 = arith.constant 192 : index
          %swap3A_1001 = tpu.vector_load %arg12[%swap3A_1000] {strides = array<i32>} : memref<256xf32, #tpu.memory_space<vmem>>, vector<16xf32>,
          tpu.vector_store %arg12[%swap3A_1000], %add3A_811 {strides = array<i32>} : memref<256xf32, #tpu.memory_space<vmem>>, vector<16xf32>,
          %swap3A_1002 = arith.constant 208 : index
          %swap3A_1003 = tpu.vector_load %arg12[%swap3A_1002] {strides = array<i32>} : memref<256xf32, #tpu.memory_space<vmem>>, vector<16xf32>,
          tpu.vector_store %arg12[%swap3A_1002], %add3A_866 {strides = array<i32>} : memref<256xf32, #tpu.memory_space<vmem>>, vector<16xf32>,
          %swap3A_1004 = arith.constant 224 : index
          %swap3A_1005 = tpu.vector_load %arg12[%swap3A_1004] {strides = array<i32>} : memref<256xf32, #tpu.memory_space<vmem>>, vector<16xf32>,
          tpu.vector_store %arg12[%swap3A_1004], %add3A_921 {strides = array<i32>} : memref<256xf32, #tpu.memory_space<vmem>>, vector<16xf32>,
          %swap3A_1006 = arith.constant 240 : index
          %swap3A_1007 = tpu.vector_load %arg12[%swap3A_1006] {strides = array<i32>} : memref<256xf32, #tpu.memory_space<vmem>>, vector<16xf32>,
          tpu.vector_store %arg12[%swap3A_1006], %add3A_976 {strides = array<i32>} : memref<256xf32, #tpu.memory_space<vmem>>, vector<16xf32>,
          %mul3A_1008 = arith.constant 16 : i32
          %mul3A_1009 = vector.broadcast %mul3A_1008 : i32 to vector<16xi32>
          %mul3A_1010 = arith.muli %iota3A, %mul3A_1009 : vector<16xi32>
          %gather3A = tpu.vector_load_idx %arg12[%mul3A_1010] : memref<256xf32, #tpu.memory_space<vmem>>[vector<16xi32>], vector<16xf32>,
          %mul3A_1011 = arith.constant 16 : i32
          %mul3A_1012 = vector.broadcast %mul3A_1011 : i32 to vector<16xi32>
          %mul3A_1013 = arith.muli %iota3A, %mul3A_1012 : vector<16xi32>
          %add3A_1014 = arith.constant 1 : i32
          %add3A_1015 = vector.broadcast %add3A_1014 : i32 to vector<16xi32>
          %add3A_1016 = arith.addi %mul3A_1013, %add3A_1015 : vector<16xi32>
          %gather3A_1017 = tpu.vector_load_idx %arg12[%add3A_1016] : memref<256xf32, #tpu.memory_space<vmem>>[vector<16xi32>], vector<16xf32>,
          %add3A_1018 = arith.addf %gather3A, %gather3A_1017 : vector<16xf32>
          %mul3A_1019 = arith.constant 16 : i32
          %mul3A_1020 = vector.broadcast %mul3A_1019 : i32 to vector<16xi32>
          %mul3A_1021 = arith.muli %iota3A, %mul3A_1020 : vector<16xi32>
          %add3A_1022 = arith.constant 2 : i32
          %add3A_1023 = vector.broadcast %add3A_1022 : i32 to vector<16xi32>
          %add3A_1024 = arith.addi %mul3A_1021, %add3A_1023 : vector<16xi32>
          %gather3A_1025 = tpu.vector_load_idx %arg12[%add3A_1024] : memref<256xf32, #tpu.memory_space<vmem>>[vector<16xi32>], vector<16xf32>,
          %add3A_1026 = arith.addf %add3A_1018, %gather3A_1025 : vector<16xf32>
          %mul3A_1027 = arith.constant 16 : i32
          %mul3A_1028 = vector.broadcast %mul3A_1027 : i32 to vector<16xi32>
          %mul3A_1029 = arith.muli %iota3A, %mul3A_1028 : vector<16xi32>
          %add3A_1030 = arith.constant 3 : i32
          %add3A_1031 = vector.broadcast %add3A_1030 : i32 to vector<16xi32>
          %add3A_1032 = arith.addi %mul3A_1029, %add3A_1031 : vector<16xi32>
          %gather3A_1033 = tpu.vector_load_idx %arg12[%add3A_1032] : memref<256xf32, #tpu.memory_space<vmem>>[vector<16xi32>], vector<16xf32>,
          %add3A_1034 = arith.addf %add3A_1026, %gather3A_1033 : vector<16xf32>
          %mul3A_1035 = arith.constant 16 : i32
          %mul3A_1036 = vector.broadcast %mul3A_1035 : i32 to vector<16xi32>
          %mul3A_1037 = arith.muli %iota3A, %mul3A_1036 : vector<16xi32>
          %add3A_1038 = arith.constant 4 : i32
          %add3A_1039 = vector.broadcast %add3A_1038 : i32 to vector<16xi32>
          %add3A_1040 = arith.addi %mul3A_1037, %add3A_1039 : vector<16xi32>
          %gather3A_1041 = tpu.vector_load_idx %arg12[%add3A_1040] : memref<256xf32, #tpu.memory_space<vmem>>[vector<16xi32>], vector<16xf32>,
          %add3A_1042 = arith.addf %add3A_1034, %gather3A_1041 : vector<16xf32>
          %mul3A_1043 = arith.constant 16 : i32
          %mul3A_1044 = vector.broadcast %mul3A_1043 : i32 to vector<16xi32>
          %mul3A_1045 = arith.muli %iota3A, %mul3A_1044 : vector<16xi32>
          %add3A_1046 = arith.constant 5 : i32
          %add3A_1047 = vector.broadcast %add3A_1046 : i32 to vector<16xi32>
          %add3A_1048 = arith.addi %mul3A_1045, %add3A_1047 : vector<16xi32>
          %gather3A_1049 = tpu.vector_load_idx %arg12[%add3A_1048] : memref<256xf32, #tpu.memory_space<vmem>>[vector<16xi32>], vector<16xf32>,
          %add3A_1050 = arith.addf %add3A_1042, %gather3A_1049 : vector<16xf32>
          %mul3A_1051 = arith.constant 16 : i32
          %mul3A_1052 = vector.broadcast %mul3A_1051 : i32 to vector<16xi32>
          %mul3A_1053 = arith.muli %iota3A, %mul3A_1052 : vector<16xi32>
          %add3A_1054 = arith.constant 6 : i32
          %add3A_1055 = vector.broadcast %add3A_1054 : i32 to vector<16xi32>
          %add3A_1056 = arith.addi %mul3A_1053, %add3A_1055 : vector<16xi32>
          %gather3A_1057 = tpu.vector_load_idx %arg12[%add3A_1056] : memref<256xf32, #tpu.memory_space<vmem>>[vector<16xi32>], vector<16xf32>,
          %add3A_1058 = arith.addf %add3A_1050, %gather3A_1057 : vector<16xf32>
          %mul3A_1059 = arith.constant 16 : i32
          %mul3A_1060 = vector.broadcast %mul3A_1059 : i32 to vector<16xi32>
          %mul3A_1061 = arith.muli %iota3A, %mul3A_1060 : vector<16xi32>
          %add3A_1062 = arith.constant 7 : i32
          %add3A_1063 = vector.broadcast %add3A_1062 : i32 to vector<16xi32>
          %add3A_1064 = arith.addi %mul3A_1061, %add3A_1063 : vector<16xi32>
          %gather3A_1065 = tpu.vector_load_idx %arg12[%add3A_1064] : memref<256xf32, #tpu.memory_space<vmem>>[vector<16xi32>], vector<16xf32>,
          %add3A_1066 = arith.addf %add3A_1058, %gather3A_1065 : vector<16xf32>
          %mul3A_1067 = arith.constant 16 : i32
          %mul3A_1068 = vector.broadcast %mul3A_1067 : i32 to vector<16xi32>
          %mul3A_1069 = arith.muli %iota3A, %mul3A_1068 : vector<16xi32>
          %add3A_1070 = arith.constant 8 : i32
          %add3A_1071 = vector.broadcast %add3A_1070 : i32 to vector<16xi32>
          %add3A_1072 = arith.addi %mul3A_1069, %add3A_1071 : vector<16xi32>
          %gather3A_1073 = tpu.vector_load_idx %arg12[%add3A_1072] : memref<256xf32, #tpu.memory_space<vmem>>[vector<16xi32>], vector<16xf32>,
          %add3A_1074 = arith.addf %add3A_1066, %gather3A_1073 : vector<16xf32>
          %mul3A_1075 = arith.constant 16 : i32
          %mul3A_1076 = vector.broadcast %mul3A_1075 : i32 to vector<16xi32>
          %mul3A_1077 = arith.muli %iota3A, %mul3A_1076 : vector<16xi32>
          %add3A_1078 = arith.constant 9 : i32
          %add3A_1079 = vector.broadcast %add3A_1078 : i32 to vector<16xi32>
          %add3A_1080 = arith.addi %mul3A_1077, %add3A_1079 : vector<16xi32>
          %gather3A_1081 = tpu.vector_load_idx %arg12[%add3A_1080] : memref<256xf32, #tpu.memory_space<vmem>>[vector<16xi32>], vector<16xf32>,
          %add3A_1082 = arith.addf %add3A_1074, %gather3A_1081 : vector<16xf32>
          %mul3A_1083 = arith.constant 16 : i32
          %mul3A_1084 = vector.broadcast %mul3A_1083 : i32 to vector<16xi32>
          %mul3A_1085 = arith.muli %iota3A, %mul3A_1084 : vector<16xi32>
          %add3A_1086 = arith.constant 10 : i32
          %add3A_1087 = vector.broadcast %add3A_1086 : i32 to vector<16xi32>
          %add3A_1088 = arith.addi %mul3A_1085, %add3A_1087 : vector<16xi32>
          %gather3A_1089 = tpu.vector_load_idx %arg12[%add3A_1088] : memref<256xf32, #tpu.memory_space<vmem>>[vector<16xi32>], vector<16xf32>,
          %add3A_1090 = arith.addf %add3A_1082, %gather3A_1089 : vector<16xf32>
          %mul3A_1091 = arith.constant 16 : i32
          %mul3A_1092 = vector.broadcast %mul3A_1091 : i32 to vector<16xi32>
          %mul3A_1093 = arith.muli %iota3A, %mul3A_1092 : vector<16xi32>
          %add3A_1094 = arith.constant 11 : i32
          %add3A_1095 = vector.broadcast %add3A_1094 : i32 to vector<16xi32>
          %add3A_1096 = arith.addi %mul3A_1093, %add3A_1095 : vector<16xi32>
          %gather3A_1097 = tpu.vector_load_idx %arg12[%add3A_1096] : memref<256xf32, #tpu.memory_space<vmem>>[vector<16xi32>], vector<16xf32>,
          %add3A_1098 = arith.addf %add3A_1090, %gather3A_1097 : vector<16xf32>
          %mul3A_1099 = arith.constant 16 : i32
          %mul3A_1100 = vector.broadcast %mul3A_1099 : i32 to vector<16xi32>
          %mul3A_1101 = arith.muli %iota3A, %mul3A_1100 : vector<16xi32>
          %add3A_1102 = arith.constant 12 : i32
          %add3A_1103 = vector.broadcast %add3A_1102 : i32 to vector<16xi32>
          %add3A_1104 = arith.addi %mul3A_1101, %add3A_1103 : vector<16xi32>
          %gather3A_1105 = tpu.vector_load_idx %arg12[%add3A_1104] : memref<256xf32, #tpu.memory_space<vmem>>[vector<16xi32>], vector<16xf32>,
          %add3A_1106 = arith.addf %add3A_1098, %gather3A_1105 : vector<16xf32>
          %mul3A_1107 = arith.constant 16 : i32
          %mul3A_1108 = vector.broadcast %mul3A_1107 : i32 to vector<16xi32>
          %mul3A_1109 = arith.muli %iota3A, %mul3A_1108 : vector<16xi32>
          %add3A_1110 = arith.constant 13 : i32
          %add3A_1111 = vector.broadcast %add3A_1110 : i32 to vector<16xi32>
          %add3A_1112 = arith.addi %mul3A_1109, %add3A_1111 : vector<16xi32>
          %gather3A_1113 = tpu.vector_load_idx %arg12[%add3A_1112] : memref<256xf32, #tpu.memory_space<vmem>>[vector<16xi32>], vector<16xf32>,
          %add3A_1114 = arith.addf %add3A_1106, %gather3A_1113 : vector<16xf32>
          %mul3A_1115 = arith.constant 16 : i32
          %mul3A_1116 = vector.broadcast %mul3A_1115 : i32 to vector<16xi32>
          %mul3A_1117 = arith.muli %iota3A, %mul3A_1116 : vector<16xi32>
          %add3A_1118 = arith.constant 14 : i32
          %add3A_1119 = vector.broadcast %add3A_1118 : i32 to vector<16xi32>
          %add3A_1120 = arith.addi %mul3A_1117, %add3A_1119 : vector<16xi32>
          %gather3A_1121 = tpu.vector_load_idx %arg12[%add3A_1120] : memref<256xf32, #tpu.memory_space<vmem>>[vector<16xi32>], vector<16xf32>,
          %add3A_1122 = arith.addf %add3A_1114, %gather3A_1121 : vector<16xf32>
          %mul3A_1123 = arith.constant 16 : i32
          %mul3A_1124 = vector.broadcast %mul3A_1123 : i32 to vector<16xi32>
          %mul3A_1125 = arith.muli %iota3A, %mul3A_1124 : vector<16xi32>
          %add3A_1126 = arith.constant 15 : i32
          %add3A_1127 = vector.broadcast %add3A_1126 : i32 to vector<16xi32>
          %add3A_1128 = arith.addi %mul3A_1125, %add3A_1127 : vector<16xi32>
          %gather3A_1129 = tpu.vector_load_idx %arg12[%add3A_1128] : memref<256xf32, #tpu.memory_space<vmem>>[vector<16xi32>], vector<16xf32>,
          %add3A_1130 = arith.addf %add3A_1122, %gather3A_1129 : vector<16xf32>
          %mul3A_1131 = arith.constant 16 : i32
          %mul3A_1132 = arith.muli %scan3A_98, %mul3A_1131 : i32
          %swap3A_1133 = arith.index_cast %mul3A_1132 : i32 to index
          %swap3A_1134 = tpu.vector_load %arg13[%swap3A_1133] {strides = array<i32>} : memref<400xf32, #tpu.memory_space<vmem>>, vector<16xf32>,
          tpu.vector_store %arg13[%swap3A_1133], %add3A_1130 {strides = array<i32>} : memref<400xf32, #tpu.memory_space<vmem>>, vector<16xf32>,
          %scan3A_1135 = arith.constant 0 : i32
          scf.yield %scan3A_1135 : i32
        }
        %scan3A_82 = arith.constant 25 : i32
        %mul3A_83 = arith.constant 400 : i32
        %mul3A_84 = arith.muli %add3A_47, %mul3A_83 : i32
        %add3A_85 = arith.addi %mul3A_2, %mul3A_84 : i32
        %dma_start3A_86 = arith.constant 0 : i32
        %dma_start3A_87 = tpu.memref_slice %arg5[%dma_start3A_86, %add3A_85] : memref<1x320000xf32, #tpu.memory_space<hbm>> -> memref<1x400xf32, #tpu.memory_space<hbm>>
        %dma_start3A_88 = tpu.memref_squeeze %dma_start3A_87 : memref<1x400xf32, #tpu.memory_space<hbm>> -> memref<400xf32, #tpu.memory_space<hbm>>
        %dma_start3A_89 = tpu.memref_slice %arg5[%dma_start3A_86, %add3A_85] : memref<1x320000xf32, #tpu.memory_space<hbm>> -> memref<1x400xf32, #tpu.memory_space<hbm>>
        %dma_start3A_90 = tpu.memref_squeeze %dma_start3A_89 : memref<1x400xf32, #tpu.memory_space<hbm>> -> memref<400xf32, #tpu.memory_space<hbm>>
        tpu.enqueue_dma source(%arg13 : memref<400xf32, #tpu.memory_space<vmem>>) target(%dma_start3A_90 : memref<400xf32, #tpu.memory_space<hbm>>) target_semaphore(%arg19 : memref<!tpu.dma_semaphore, #tpu.memory_space<semaphore_mem>>)
        %add3A_91 = arith.constant 2 : i32
        %add3A_92 = arith.addi %add3A_47, %add3A_91 : i32
        %lt3A_93 = arith.constant 25 : i32
        %lt3A_94 = arith.cmpi slt, %add3A_92, %lt3A_93 : i32
        %convert_element_type3A_95 = arith.extui %lt3A_94 : i1 to i32
        %cond3A_96 = arith.constant 0 : i32
        %cond3A_97 = arith.cmpi ne, %convert_element_type3A_95, %cond3A_96 : i32
        scf.if %cond3A_97 {
          %add3A_98 = arith.constant 2 : i32
          %add3A_99 = arith.addi %add3A_47, %add3A_98 : i32
          %mul3A_100 = arith.constant 400 : i32
          %mul3A_101 = arith.muli %add3A_99, %mul3A_100 : i32
          %dma_start3A_102 = tpu.memref_slice %arg6[%mul3A_101] : memref<10000xi32, #tpu.memory_space<vmem>> -> memref<400xi32, #tpu.memory_space<vmem>>
          %dma_start3A_103 = arith.constant 0 : i32
          %dma_start3A_104 = arith.constant 0 : i32
          %dma_start3A_105 = tpu.memref_slice %arg2[%dma_start3A_103, %dma_start3A_104] : memref<10000x64xi32, #tpu.memory_space<hbm>> -> memref<10000x64xi32, #tpu.memory_space<hbm>>
          tpu.enqueue_indirect_dma source(%dma_start3A_105 : memref<10000x64xi32, #tpu.memory_space<hbm>>) target(%arg8 : memref<400x64xi32, #tpu.memory_space<vmem>>) offsets(%dma_start3A_102 : memref<400xi32, #tpu.memory_space<vmem>>) semaphore(%arg15 : memref<!tpu.dma_semaphore, #tpu.memory_space<semaphore_mem>>)
          %mul3A_106 = arith.constant 400 : i32
          %mul3A_107 = arith.muli %add3A_99, %mul3A_106 : i32
          %dma_start3A_108 = tpu.memref_slice %arg7[%mul3A_107] : memref<10000xi32, #tpu.memory_space<vmem>> -> memref<400xi32, #tpu.memory_space<vmem>>
          %dma_start3A_109 = arith.constant 0 : i32
          %dma_start3A_110 = arith.constant 0 : i32
          %dma_start3A_111 = tpu.memref_slice %arg3[%dma_start3A_109, %dma_start3A_110] : memref<10000x64xi32, #tpu.memory_space<hbm>> -> memref<10000x64xi32, #tpu.memory_space<hbm>>
          tpu.enqueue_indirect_dma source(%dma_start3A_111 : memref<10000x64xi32, #tpu.memory_space<hbm>>) target(%arg10 : memref<400x64xi32, #tpu.memory_space<vmem>>) offsets(%dma_start3A_108 : memref<400xi32, #tpu.memory_space<vmem>>) semaphore(%arg17 : memref<!tpu.dma_semaphore, #tpu.memory_space<semaphore_mem>>)
        } else {
        }
      } else {
      }
      %mul3A_50 = arith.constant 2 : i32
      %mul3A_51 = arith.muli %scan3A_42, %mul3A_50 : i32
      %add3A_52 = arith.constant 1 : i32
      %add3A_53 = arith.addi %mul3A_51, %add3A_52 : i32
      %lt3A_54 = arith.constant 25 : i32
      %lt3A_55 = arith.cmpi slt, %add3A_53, %lt3A_54 : i32
      %convert_element_type3A_56 = arith.extui %lt3A_55 : i1 to i32
      %cond3A_57 = arith.constant 0 : i32
      %cond3A_58 = arith.cmpi ne, %convert_element_type3A_56, %cond3A_57 : i32
      scf.if %cond3A_58 {
        %mul3A_60 = arith.constant 400 : i32
        %mul3A_61 = arith.muli %add3A_53, %mul3A_60 : i32
        %dma_wait3A_62 = tpu.memref_slice %arg6[%mul3A_61] : memref<10000xi32, #tpu.memory_space<vmem>> -> memref<400xi32, #tpu.memory_space<vmem>>
        %dma_wait3A_63 = arith.constant 0 : i32
        %dma_wait3A_64 = arith.constant 0 : i32
        %dma_wait3A_65 = tpu.memref_slice %arg2[%dma_wait3A_63, %dma_wait3A_64] : memref<10000x64xi32, #tpu.memory_space<hbm>> -> memref<10000x64xi32, #tpu.memory_space<hbm>>
        tpu.wait_indirect_dma semaphore(%arg16 : memref<!tpu.dma_semaphore, #tpu.memory_space<semaphore_mem>>) src(%dma_wait3A_65 : memref<10000x64xi32, #tpu.memory_space<hbm>>) dst(%arg9 : memref<400x64xi32, #tpu.memory_space<vmem>>)
        %mul3A_66 = arith.constant 400 : i32
        %mul3A_67 = arith.muli %add3A_53, %mul3A_66 : i32
        %dma_wait3A_68 = tpu.memref_slice %arg7[%mul3A_67] : memref<10000xi32, #tpu.memory_space<vmem>> -> memref<400xi32, #tpu.memory_space<vmem>>
        %dma_wait3A_69 = arith.constant 0 : i32
        %dma_wait3A_70 = arith.constant 0 : i32
        %dma_wait3A_71 = tpu.memref_slice %arg3[%dma_wait3A_69, %dma_wait3A_70] : memref<10000x64xi32, #tpu.memory_space<hbm>> -> memref<10000x64xi32, #tpu.memory_space<hbm>>
        tpu.wait_indirect_dma semaphore(%arg18 : memref<!tpu.dma_semaphore, #tpu.memory_space<semaphore_mem>>) src(%dma_wait3A_71 : memref<10000x64xi32, #tpu.memory_space<hbm>>) dst(%arg11 : memref<400x64xi32, #tpu.memory_space<vmem>>)
        %ge3A = arith.constant 2 : i32
        %ge3A_72 = arith.cmpi sge, %add3A_53, %ge3A : i32
        %convert_element_type3A_73 = arith.extui %ge3A_72 : i1 to i32
        %cond3A_74 = arith.constant 0 : i32
        %cond3A_75 = arith.cmpi ne, %convert_element_type3A_73, %cond3A_74 : i32
        scf.if %cond3A_75 {
          %sub3A = arith.constant 2 : i32
          %sub3A_98 = arith.subi %add3A_53, %sub3A : i32
          %mul3A_99 = arith.constant 400 : i32
          %mul3A_100 = arith.muli %sub3A_98, %mul3A_99 : i32
          %add3A_101 = arith.addi %mul3A_2, %mul3A_100 : i32
          %dma_wait3A_102 = arith.constant 0 : i32
          %dma_wait3A_103 = tpu.memref_slice %arg5[%dma_wait3A_102, %add3A_101] : memref<1x320000xf32, #tpu.memory_space<hbm>> -> memref<1x400xf32, #tpu.memory_space<hbm>>
          %dma_wait3A_104 = tpu.memref_squeeze %dma_wait3A_103 : memref<1x400xf32, #tpu.memory_space<hbm>> -> memref<400xf32, #tpu.memory_space<hbm>>
          %dma_wait3A_105 = tpu.memref_slice %arg5[%dma_wait3A_102, %add3A_101] : memref<1x320000xf32, #tpu.memory_space<hbm>> -> memref<1x400xf32, #tpu.memory_space<hbm>>
          %dma_wait3A_106 = tpu.memref_squeeze %dma_wait3A_105 : memref<1x400xf32, #tpu.memory_space<hbm>> -> memref<400xf32, #tpu.memory_space<hbm>>
          tpu.wait_dma2 semaphore(%arg20 : memref<!tpu.dma_semaphore, #tpu.memory_space<semaphore_mem>>) src(%arg14 : memref<400xf32, #tpu.memory_space<vmem>>) dst(%dma_wait3A_106 : memref<400xf32, #tpu.memory_space<hbm>>)
        } else {
        }
        %scan3A_76 = arith.constant 0 : i32
        %scan3A_77 = arith.constant 0 : i32
        %scan3A_78 = arith.constant 25 : i32
        %scan3A_79 = arith.addi %scan3A_77, %scan3A_78 : i32
        %scan3A_80 = arith.constant 1 : i32
        %scan3A_81 = scf.for %scan3A_98 = %scan3A_77 to %scan3A_79 step %scan3A_80 iter_args(%scan3A_99 = %scan3A_76) -> (i32)  : i32 {
          %mul3A_100 = arith.constant 16 : i32
          %mul3A_101 = arith.muli %scan3A_98, %mul3A_100 : i32
          %add3A_102 = arith.constant 0 : i32
          %add3A_103 = arith.addi %mul3A_101, %add3A_102 : i32
          %get3A = arith.index_cast %add3A_103 : i32 to index
          %get3A_104 = arith.constant 0 : index
          %get3A_105 = tpu.vector_load %arg9[%get3A, %get3A_104] {strides = array<i32>} : memref<400x64xi32, #tpu.memory_space<vmem>>, vector<16xi32>,
          %bitcast3A = vector.bitcast %get3A_105 : vector<16xi32> to vector<32xbf16>
          %get3A_106 = arith.index_cast %add3A_103 : i32 to index
          %get3A_107 = arith.constant 0 : index
          %get3A_108 = tpu.vector_load %arg11[%get3A_106, %get3A_107] {strides = array<i32>} : memref<400x64xi32, #tpu.memory_space<vmem>>, vector<16xi32>,
          %bitcast3A_109 = vector.bitcast %get3A_108 : vector<16xi32> to vector<32xbf16>
          %mul3A_110 = arith.mulf %bitcast3A, %bitcast3A_109 : vector<32xbf16>
          %unpack3A = tpu.unpack_subelements %mul3A_110, 0 {pack_format = #tpu.pack_format<interleaved>} : vector<32xbf16> -> vector<16xf32>
          %unpack3A_111 = tpu.unpack_subelements %mul3A_110, 1 {pack_format = #tpu.pack_format<interleaved>} : vector<32xbf16> -> vector<16xf32>
          %get3A_112 = arith.index_cast %add3A_103 : i32 to index
          %get3A_113 = arith.constant 16 : index
          %get3A_114 = tpu.vector_load %arg9[%get3A_112, %get3A_113] {strides = array<i32>} : memref<400x64xi32, #tpu.memory_space<vmem>>, vector<16xi32>,
          %bitcast3A_115 = vector.bitcast %get3A_114 : vector<16xi32> to vector<32xbf16>
          %get3A_116 = arith.index_cast %add3A_103 : i32 to index
          %get3A_117 = arith.constant 16 : index
          %get3A_118 = tpu.vector_load %arg11[%get3A_116, %get3A_117] {strides = array<i32>} : memref<400x64xi32, #tpu.memory_space<vmem>>, vector<16xi32>,
          %bitcast3A_119 = vector.bitcast %get3A_118 : vector<16xi32> to vector<32xbf16>
          %mul3A_120 = arith.mulf %bitcast3A_115, %bitcast3A_119 : vector<32xbf16>
          %unpack3A_121 = tpu.unpack_subelements %mul3A_120, 0 {pack_format = #tpu.pack_format<interleaved>} : vector<32xbf16> -> vector<16xf32>
          %unpack3A_122 = tpu.unpack_subelements %mul3A_120, 1 {pack_format = #tpu.pack_format<interleaved>} : vector<32xbf16> -> vector<16xf32>
          %add3A_123 = arith.addf %unpack3A, %unpack3A_121 : vector<16xf32>
          %add3A_124 = arith.addf %unpack3A_111, %unpack3A_122 : vector<16xf32>
          %get3A_125 = arith.index_cast %add3A_103 : i32 to index
          %get3A_126 = arith.constant 32 : index
          %get3A_127 = tpu.vector_load %arg9[%get3A_125, %get3A_126] {strides = array<i32>} : memref<400x64xi32, #tpu.memory_space<vmem>>, vector<16xi32>,
          %bitcast3A_128 = vector.bitcast %get3A_127 : vector<16xi32> to vector<32xbf16>
          %get3A_129 = arith.index_cast %add3A_103 : i32 to index
          %get3A_130 = arith.constant 32 : index
          %get3A_131 = tpu.vector_load %arg11[%get3A_129, %get3A_130] {strides = array<i32>} : memref<400x64xi32, #tpu.memory_space<vmem>>, vector<16xi32>,
          %bitcast3A_132 = vector.bitcast %get3A_131 : vector<16xi32> to vector<32xbf16>
          %mul3A_133 = arith.mulf %bitcast3A_128, %bitcast3A_132 : vector<32xbf16>
          %unpack3A_134 = tpu.unpack_subelements %mul3A_133, 0 {pack_format = #tpu.pack_format<interleaved>} : vector<32xbf16> -> vector<16xf32>
          %unpack3A_135 = tpu.unpack_subelements %mul3A_133, 1 {pack_format = #tpu.pack_format<interleaved>} : vector<32xbf16> -> vector<16xf32>
          %add3A_136 = arith.addf %add3A_123, %unpack3A_134 : vector<16xf32>
          %add3A_137 = arith.addf %add3A_124, %unpack3A_135 : vector<16xf32>
          %get3A_138 = arith.index_cast %add3A_103 : i32 to index
          %get3A_139 = arith.constant 48 : index
          %get3A_140 = tpu.vector_load %arg9[%get3A_138, %get3A_139] {strides = array<i32>} : memref<400x64xi32, #tpu.memory_space<vmem>>, vector<16xi32>,
          %bitcast3A_141 = vector.bitcast %get3A_140 : vector<16xi32> to vector<32xbf16>
          %get3A_142 = arith.index_cast %add3A_103 : i32 to index
          %get3A_143 = arith.constant 48 : index
          %get3A_144 = tpu.vector_load %arg11[%get3A_142, %get3A_143] {strides = array<i32>} : memref<400x64xi32, #tpu.memory_space<vmem>>, vector<16xi32>,
          %bitcast3A_145 = vector.bitcast %get3A_144 : vector<16xi32> to vector<32xbf16>
          %mul3A_146 = arith.mulf %bitcast3A_141, %bitcast3A_145 : vector<32xbf16>
          %unpack3A_147 = tpu.unpack_subelements %mul3A_146, 0 {pack_format = #tpu.pack_format<interleaved>} : vector<32xbf16> -> vector<16xf32>
          %unpack3A_148 = tpu.unpack_subelements %mul3A_146, 1 {pack_format = #tpu.pack_format<interleaved>} : vector<32xbf16> -> vector<16xf32>
          %add3A_149 = arith.addf %add3A_136, %unpack3A_147 : vector<16xf32>
          %add3A_150 = arith.addf %add3A_137, %unpack3A_148 : vector<16xf32>
          %add3A_151 = arith.addf %add3A_149, %add3A_150 : vector<16xf32>
          %mul3A_152 = arith.constant 16 : i32
          %mul3A_153 = arith.muli %scan3A_98, %mul3A_152 : i32
          %add3A_154 = arith.constant 1 : i32
          %add3A_155 = arith.addi %mul3A_153, %add3A_154 : i32
          %get3A_156 = arith.index_cast %add3A_155 : i32 to index
          %get3A_157 = arith.constant 0 : index
          %get3A_158 = tpu.vector_load %arg9[%get3A_156, %get3A_157] {strides = array<i32>} : memref<400x64xi32, #tpu.memory_space<vmem>>, vector<16xi32>,
          %bitcast3A_159 = vector.bitcast %get3A_158 : vector<16xi32> to vector<32xbf16>
          %get3A_160 = arith.index_cast %add3A_155 : i32 to index
          %get3A_161 = arith.constant 0 : index
          %get3A_162 = tpu.vector_load %arg11[%get3A_160, %get3A_161] {strides = array<i32>} : memref<400x64xi32, #tpu.memory_space<vmem>>, vector<16xi32>,
          %bitcast3A_163 = vector.bitcast %get3A_162 : vector<16xi32> to vector<32xbf16>
          %mul3A_164 = arith.mulf %bitcast3A_159, %bitcast3A_163 : vector<32xbf16>
          %unpack3A_165 = tpu.unpack_subelements %mul3A_164, 0 {pack_format = #tpu.pack_format<interleaved>} : vector<32xbf16> -> vector<16xf32>
          %unpack3A_166 = tpu.unpack_subelements %mul3A_164, 1 {pack_format = #tpu.pack_format<interleaved>} : vector<32xbf16> -> vector<16xf32>
          %get3A_167 = arith.index_cast %add3A_155 : i32 to index
          %get3A_168 = arith.constant 16 : index
          %get3A_169 = tpu.vector_load %arg9[%get3A_167, %get3A_168] {strides = array<i32>} : memref<400x64xi32, #tpu.memory_space<vmem>>, vector<16xi32>,
          %bitcast3A_170 = vector.bitcast %get3A_169 : vector<16xi32> to vector<32xbf16>
          %get3A_171 = arith.index_cast %add3A_155 : i32 to index
          %get3A_172 = arith.constant 16 : index
          %get3A_173 = tpu.vector_load %arg11[%get3A_171, %get3A_172] {strides = array<i32>} : memref<400x64xi32, #tpu.memory_space<vmem>>, vector<16xi32>,
          %bitcast3A_174 = vector.bitcast %get3A_173 : vector<16xi32> to vector<32xbf16>
          %mul3A_175 = arith.mulf %bitcast3A_170, %bitcast3A_174 : vector<32xbf16>
          %unpack3A_176 = tpu.unpack_subelements %mul3A_175, 0 {pack_format = #tpu.pack_format<interleaved>} : vector<32xbf16> -> vector<16xf32>
          %unpack3A_177 = tpu.unpack_subelements %mul3A_175, 1 {pack_format = #tpu.pack_format<interleaved>} : vector<32xbf16> -> vector<16xf32>
          %add3A_178 = arith.addf %unpack3A_165, %unpack3A_176 : vector<16xf32>
          %add3A_179 = arith.addf %unpack3A_166, %unpack3A_177 : vector<16xf32>
          %get3A_180 = arith.index_cast %add3A_155 : i32 to index
          %get3A_181 = arith.constant 32 : index
          %get3A_182 = tpu.vector_load %arg9[%get3A_180, %get3A_181] {strides = array<i32>} : memref<400x64xi32, #tpu.memory_space<vmem>>, vector<16xi32>,
          %bitcast3A_183 = vector.bitcast %get3A_182 : vector<16xi32> to vector<32xbf16>
          %get3A_184 = arith.index_cast %add3A_155 : i32 to index
          %get3A_185 = arith.constant 32 : index
          %get3A_186 = tpu.vector_load %arg11[%get3A_184, %get3A_185] {strides = array<i32>} : memref<400x64xi32, #tpu.memory_space<vmem>>, vector<16xi32>,
          %bitcast3A_187 = vector.bitcast %get3A_186 : vector<16xi32> to vector<32xbf16>
          %mul3A_188 = arith.mulf %bitcast3A_183, %bitcast3A_187 : vector<32xbf16>
          %unpack3A_189 = tpu.unpack_subelements %mul3A_188, 0 {pack_format = #tpu.pack_format<interleaved>} : vector<32xbf16> -> vector<16xf32>
          %unpack3A_190 = tpu.unpack_subelements %mul3A_188, 1 {pack_format = #tpu.pack_format<interleaved>} : vector<32xbf16> -> vector<16xf32>
          %add3A_191 = arith.addf %add3A_178, %unpack3A_189 : vector<16xf32>
          %add3A_192 = arith.addf %add3A_179, %unpack3A_190 : vector<16xf32>
          %get3A_193 = arith.index_cast %add3A_155 : i32 to index
          %get3A_194 = arith.constant 48 : index
          %get3A_195 = tpu.vector_load %arg9[%get3A_193, %get3A_194] {strides = array<i32>} : memref<400x64xi32, #tpu.memory_space<vmem>>, vector<16xi32>,
          %bitcast3A_196 = vector.bitcast %get3A_195 : vector<16xi32> to vector<32xbf16>
          %get3A_197 = arith.index_cast %add3A_155 : i32 to index
          %get3A_198 = arith.constant 48 : index
          %get3A_199 = tpu.vector_load %arg11[%get3A_197, %get3A_198] {strides = array<i32>} : memref<400x64xi32, #tpu.memory_space<vmem>>, vector<16xi32>,
          %bitcast3A_200 = vector.bitcast %get3A_199 : vector<16xi32> to vector<32xbf16>
          %mul3A_201 = arith.mulf %bitcast3A_196, %bitcast3A_200 : vector<32xbf16>
          %unpack3A_202 = tpu.unpack_subelements %mul3A_201, 0 {pack_format = #tpu.pack_format<interleaved>} : vector<32xbf16> -> vector<16xf32>
          %unpack3A_203 = tpu.unpack_subelements %mul3A_201, 1 {pack_format = #tpu.pack_format<interleaved>} : vector<32xbf16> -> vector<16xf32>
          %add3A_204 = arith.addf %add3A_191, %unpack3A_202 : vector<16xf32>
          %add3A_205 = arith.addf %add3A_192, %unpack3A_203 : vector<16xf32>
          %add3A_206 = arith.addf %add3A_204, %add3A_205 : vector<16xf32>
          %mul3A_207 = arith.constant 16 : i32
          %mul3A_208 = arith.muli %scan3A_98, %mul3A_207 : i32
          %add3A_209 = arith.constant 2 : i32
          %add3A_210 = arith.addi %mul3A_208, %add3A_209 : i32
          %get3A_211 = arith.index_cast %add3A_210 : i32 to index
          %get3A_212 = arith.constant 0 : index
          %get3A_213 = tpu.vector_load %arg9[%get3A_211, %get3A_212] {strides = array<i32>} : memref<400x64xi32, #tpu.memory_space<vmem>>, vector<16xi32>,
          %bitcast3A_214 = vector.bitcast %get3A_213 : vector<16xi32> to vector<32xbf16>
          %get3A_215 = arith.index_cast %add3A_210 : i32 to index
          %get3A_216 = arith.constant 0 : index
          %get3A_217 = tpu.vector_load %arg11[%get3A_215, %get3A_216] {strides = array<i32>} : memref<400x64xi32, #tpu.memory_space<vmem>>, vector<16xi32>,
          %bitcast3A_218 = vector.bitcast %get3A_217 : vector<16xi32> to vector<32xbf16>
          %mul3A_219 = arith.mulf %bitcast3A_214, %bitcast3A_218 : vector<32xbf16>
          %unpack3A_220 = tpu.unpack_subelements %mul3A_219, 0 {pack_format = #tpu.pack_format<interleaved>} : vector<32xbf16> -> vector<16xf32>
          %unpack3A_221 = tpu.unpack_subelements %mul3A_219, 1 {pack_format = #tpu.pack_format<interleaved>} : vector<32xbf16> -> vector<16xf32>
          %get3A_222 = arith.index_cast %add3A_210 : i32 to index
          %get3A_223 = arith.constant 16 : index
          %get3A_224 = tpu.vector_load %arg9[%get3A_222, %get3A_223] {strides = array<i32>} : memref<400x64xi32, #tpu.memory_space<vmem>>, vector<16xi32>,
          %bitcast3A_225 = vector.bitcast %get3A_224 : vector<16xi32> to vector<32xbf16>
          %get3A_226 = arith.index_cast %add3A_210 : i32 to index
          %get3A_227 = arith.constant 16 : index
          %get3A_228 = tpu.vector_load %arg11[%get3A_226, %get3A_227] {strides = array<i32>} : memref<400x64xi32, #tpu.memory_space<vmem>>, vector<16xi32>,
          %bitcast3A_229 = vector.bitcast %get3A_228 : vector<16xi32> to vector<32xbf16>
          %mul3A_230 = arith.mulf %bitcast3A_225, %bitcast3A_229 : vector<32xbf16>
          %unpack3A_231 = tpu.unpack_subelements %mul3A_230, 0 {pack_format = #tpu.pack_format<interleaved>} : vector<32xbf16> -> vector<16xf32>
          %unpack3A_232 = tpu.unpack_subelements %mul3A_230, 1 {pack_format = #tpu.pack_format<interleaved>} : vector<32xbf16> -> vector<16xf32>
          %add3A_233 = arith.addf %unpack3A_220, %unpack3A_231 : vector<16xf32>
          %add3A_234 = arith.addf %unpack3A_221, %unpack3A_232 : vector<16xf32>
          %get3A_235 = arith.index_cast %add3A_210 : i32 to index
          %get3A_236 = arith.constant 32 : index
          %get3A_237 = tpu.vector_load %arg9[%get3A_235, %get3A_236] {strides = array<i32>} : memref<400x64xi32, #tpu.memory_space<vmem>>, vector<16xi32>,
          %bitcast3A_238 = vector.bitcast %get3A_237 : vector<16xi32> to vector<32xbf16>
          %get3A_239 = arith.index_cast %add3A_210 : i32 to index
          %get3A_240 = arith.constant 32 : index
          %get3A_241 = tpu.vector_load %arg11[%get3A_239, %get3A_240] {strides = array<i32>} : memref<400x64xi32, #tpu.memory_space<vmem>>, vector<16xi32>,
          %bitcast3A_242 = vector.bitcast %get3A_241 : vector<16xi32> to vector<32xbf16>
          %mul3A_243 = arith.mulf %bitcast3A_238, %bitcast3A_242 : vector<32xbf16>
          %unpack3A_244 = tpu.unpack_subelements %mul3A_243, 0 {pack_format = #tpu.pack_format<interleaved>} : vector<32xbf16> -> vector<16xf32>
          %unpack3A_245 = tpu.unpack_subelements %mul3A_243, 1 {pack_format = #tpu.pack_format<interleaved>} : vector<32xbf16> -> vector<16xf32>
          %add3A_246 = arith.addf %add3A_233, %unpack3A_244 : vector<16xf32>
          %add3A_247 = arith.addf %add3A_234, %unpack3A_245 : vector<16xf32>
          %get3A_248 = arith.index_cast %add3A_210 : i32 to index
          %get3A_249 = arith.constant 48 : index
          %get3A_250 = tpu.vector_load %arg9[%get3A_248, %get3A_249] {strides = array<i32>} : memref<400x64xi32, #tpu.memory_space<vmem>>, vector<16xi32>,
          %bitcast3A_251 = vector.bitcast %get3A_250 : vector<16xi32> to vector<32xbf16>
          %get3A_252 = arith.index_cast %add3A_210 : i32 to index
          %get3A_253 = arith.constant 48 : index
          %get3A_254 = tpu.vector_load %arg11[%get3A_252, %get3A_253] {strides = array<i32>} : memref<400x64xi32, #tpu.memory_space<vmem>>, vector<16xi32>,
          %bitcast3A_255 = vector.bitcast %get3A_254 : vector<16xi32> to vector<32xbf16>
          %mul3A_256 = arith.mulf %bitcast3A_251, %bitcast3A_255 : vector<32xbf16>
          %unpack3A_257 = tpu.unpack_subelements %mul3A_256, 0 {pack_format = #tpu.pack_format<interleaved>} : vector<32xbf16> -> vector<16xf32>
          %unpack3A_258 = tpu.unpack_subelements %mul3A_256, 1 {pack_format = #tpu.pack_format<interleaved>} : vector<32xbf16> -> vector<16xf32>
          %add3A_259 = arith.addf %add3A_246, %unpack3A_257 : vector<16xf32>
          %add3A_260 = arith.addf %add3A_247, %unpack3A_258 : vector<16xf32>
          %add3A_261 = arith.addf %add3A_259, %add3A_260 : vector<16xf32>
          %mul3A_262 = arith.constant 16 : i32
          %mul3A_263 = arith.muli %scan3A_98, %mul3A_262 : i32
          %add3A_264 = arith.constant 3 : i32
          %add3A_265 = arith.addi %mul3A_263, %add3A_264 : i32
          %get3A_266 = arith.index_cast %add3A_265 : i32 to index
          %get3A_267 = arith.constant 0 : index
          %get3A_268 = tpu.vector_load %arg9[%get3A_266, %get3A_267] {strides = array<i32>} : memref<400x64xi32, #tpu.memory_space<vmem>>, vector<16xi32>,
          %bitcast3A_269 = vector.bitcast %get3A_268 : vector<16xi32> to vector<32xbf16>
          %get3A_270 = arith.index_cast %add3A_265 : i32 to index
          %get3A_271 = arith.constant 0 : index
          %get3A_272 = tpu.vector_load %arg11[%get3A_270, %get3A_271] {strides = array<i32>} : memref<400x64xi32, #tpu.memory_space<vmem>>, vector<16xi32>,
          %bitcast3A_273 = vector.bitcast %get3A_272 : vector<16xi32> to vector<32xbf16>
          %mul3A_274 = arith.mulf %bitcast3A_269, %bitcast3A_273 : vector<32xbf16>
          %unpack3A_275 = tpu.unpack_subelements %mul3A_274, 0 {pack_format = #tpu.pack_format<interleaved>} : vector<32xbf16> -> vector<16xf32>
          %unpack3A_276 = tpu.unpack_subelements %mul3A_274, 1 {pack_format = #tpu.pack_format<interleaved>} : vector<32xbf16> -> vector<16xf32>
          %get3A_277 = arith.index_cast %add3A_265 : i32 to index
          %get3A_278 = arith.constant 16 : index
          %get3A_279 = tpu.vector_load %arg9[%get3A_277, %get3A_278] {strides = array<i32>} : memref<400x64xi32, #tpu.memory_space<vmem>>, vector<16xi32>,
          %bitcast3A_280 = vector.bitcast %get3A_279 : vector<16xi32> to vector<32xbf16>
          %get3A_281 = arith.index_cast %add3A_265 : i32 to index
          %get3A_282 = arith.constant 16 : index
          %get3A_283 = tpu.vector_load %arg11[%get3A_281, %get3A_282] {strides = array<i32>} : memref<400x64xi32, #tpu.memory_space<vmem>>, vector<16xi32>,
          %bitcast3A_284 = vector.bitcast %get3A_283 : vector<16xi32> to vector<32xbf16>
          %mul3A_285 = arith.mulf %bitcast3A_280, %bitcast3A_284 : vector<32xbf16>
          %unpack3A_286 = tpu.unpack_subelements %mul3A_285, 0 {pack_format = #tpu.pack_format<interleaved>} : vector<32xbf16> -> vector<16xf32>
          %unpack3A_287 = tpu.unpack_subelements %mul3A_285, 1 {pack_format = #tpu.pack_format<interleaved>} : vector<32xbf16> -> vector<16xf32>
          %add3A_288 = arith.addf %unpack3A_275, %unpack3A_286 : vector<16xf32>
          %add3A_289 = arith.addf %unpack3A_276, %unpack3A_287 : vector<16xf32>
          %get3A_290 = arith.index_cast %add3A_265 : i32 to index
          %get3A_291 = arith.constant 32 : index
          %get3A_292 = tpu.vector_load %arg9[%get3A_290, %get3A_291] {strides = array<i32>} : memref<400x64xi32, #tpu.memory_space<vmem>>, vector<16xi32>,
          %bitcast3A_293 = vector.bitcast %get3A_292 : vector<16xi32> to vector<32xbf16>
          %get3A_294 = arith.index_cast %add3A_265 : i32 to index
          %get3A_295 = arith.constant 32 : index
          %get3A_296 = tpu.vector_load %arg11[%get3A_294, %get3A_295] {strides = array<i32>} : memref<400x64xi32, #tpu.memory_space<vmem>>, vector<16xi32>,
          %bitcast3A_297 = vector.bitcast %get3A_296 : vector<16xi32> to vector<32xbf16>
          %mul3A_298 = arith.mulf %bitcast3A_293, %bitcast3A_297 : vector<32xbf16>
          %unpack3A_299 = tpu.unpack_subelements %mul3A_298, 0 {pack_format = #tpu.pack_format<interleaved>} : vector<32xbf16> -> vector<16xf32>
          %unpack3A_300 = tpu.unpack_subelements %mul3A_298, 1 {pack_format = #tpu.pack_format<interleaved>} : vector<32xbf16> -> vector<16xf32>
          %add3A_301 = arith.addf %add3A_288, %unpack3A_299 : vector<16xf32>
          %add3A_302 = arith.addf %add3A_289, %unpack3A_300 : vector<16xf32>
          %get3A_303 = arith.index_cast %add3A_265 : i32 to index
          %get3A_304 = arith.constant 48 : index
          %get3A_305 = tpu.vector_load %arg9[%get3A_303, %get3A_304] {strides = array<i32>} : memref<400x64xi32, #tpu.memory_space<vmem>>, vector<16xi32>,
          %bitcast3A_306 = vector.bitcast %get3A_305 : vector<16xi32> to vector<32xbf16>
          %get3A_307 = arith.index_cast %add3A_265 : i32 to index
          %get3A_308 = arith.constant 48 : index
          %get3A_309 = tpu.vector_load %arg11[%get3A_307, %get3A_308] {strides = array<i32>} : memref<400x64xi32, #tpu.memory_space<vmem>>, vector<16xi32>,
          %bitcast3A_310 = vector.bitcast %get3A_309 : vector<16xi32> to vector<32xbf16>
          %mul3A_311 = arith.mulf %bitcast3A_306, %bitcast3A_310 : vector<32xbf16>
          %unpack3A_312 = tpu.unpack_subelements %mul3A_311, 0 {pack_format = #tpu.pack_format<interleaved>} : vector<32xbf16> -> vector<16xf32>
          %unpack3A_313 = tpu.unpack_subelements %mul3A_311, 1 {pack_format = #tpu.pack_format<interleaved>} : vector<32xbf16> -> vector<16xf32>
          %add3A_314 = arith.addf %add3A_301, %unpack3A_312 : vector<16xf32>
          %add3A_315 = arith.addf %add3A_302, %unpack3A_313 : vector<16xf32>
          %add3A_316 = arith.addf %add3A_314, %add3A_315 : vector<16xf32>
          %mul3A_317 = arith.constant 16 : i32
          %mul3A_318 = arith.muli %scan3A_98, %mul3A_317 : i32
          %add3A_319 = arith.constant 4 : i32
          %add3A_320 = arith.addi %mul3A_318, %add3A_319 : i32
          %get3A_321 = arith.index_cast %add3A_320 : i32 to index
          %get3A_322 = arith.constant 0 : index
          %get3A_323 = tpu.vector_load %arg9[%get3A_321, %get3A_322] {strides = array<i32>} : memref<400x64xi32, #tpu.memory_space<vmem>>, vector<16xi32>,
          %bitcast3A_324 = vector.bitcast %get3A_323 : vector<16xi32> to vector<32xbf16>
          %get3A_325 = arith.index_cast %add3A_320 : i32 to index
          %get3A_326 = arith.constant 0 : index
          %get3A_327 = tpu.vector_load %arg11[%get3A_325, %get3A_326] {strides = array<i32>} : memref<400x64xi32, #tpu.memory_space<vmem>>, vector<16xi32>,
          %bitcast3A_328 = vector.bitcast %get3A_327 : vector<16xi32> to vector<32xbf16>
          %mul3A_329 = arith.mulf %bitcast3A_324, %bitcast3A_328 : vector<32xbf16>
          %unpack3A_330 = tpu.unpack_subelements %mul3A_329, 0 {pack_format = #tpu.pack_format<interleaved>} : vector<32xbf16> -> vector<16xf32>
          %unpack3A_331 = tpu.unpack_subelements %mul3A_329, 1 {pack_format = #tpu.pack_format<interleaved>} : vector<32xbf16> -> vector<16xf32>
          %get3A_332 = arith.index_cast %add3A_320 : i32 to index
          %get3A_333 = arith.constant 16 : index
          %get3A_334 = tpu.vector_load %arg9[%get3A_332, %get3A_333] {strides = array<i32>} : memref<400x64xi32, #tpu.memory_space<vmem>>, vector<16xi32>,
          %bitcast3A_335 = vector.bitcast %get3A_334 : vector<16xi32> to vector<32xbf16>
          %get3A_336 = arith.index_cast %add3A_320 : i32 to index
          %get3A_337 = arith.constant 16 : index
          %get3A_338 = tpu.vector_load %arg11[%get3A_336, %get3A_337] {strides = array<i32>} : memref<400x64xi32, #tpu.memory_space<vmem>>, vector<16xi32>,
          %bitcast3A_339 = vector.bitcast %get3A_338 : vector<16xi32> to vector<32xbf16>
          %mul3A_340 = arith.mulf %bitcast3A_335, %bitcast3A_339 : vector<32xbf16>
          %unpack3A_341 = tpu.unpack_subelements %mul3A_340, 0 {pack_format = #tpu.pack_format<interleaved>} : vector<32xbf16> -> vector<16xf32>
          %unpack3A_342 = tpu.unpack_subelements %mul3A_340, 1 {pack_format = #tpu.pack_format<interleaved>} : vector<32xbf16> -> vector<16xf32>
          %add3A_343 = arith.addf %unpack3A_330, %unpack3A_341 : vector<16xf32>
          %add3A_344 = arith.addf %unpack3A_331, %unpack3A_342 : vector<16xf32>
          %get3A_345 = arith.index_cast %add3A_320 : i32 to index
          %get3A_346 = arith.constant 32 : index
          %get3A_347 = tpu.vector_load %arg9[%get3A_345, %get3A_346] {strides = array<i32>} : memref<400x64xi32, #tpu.memory_space<vmem>>, vector<16xi32>,
          %bitcast3A_348 = vector.bitcast %get3A_347 : vector<16xi32> to vector<32xbf16>
          %get3A_349 = arith.index_cast %add3A_320 : i32 to index
          %get3A_350 = arith.constant 32 : index
          %get3A_351 = tpu.vector_load %arg11[%get3A_349, %get3A_350] {strides = array<i32>} : memref<400x64xi32, #tpu.memory_space<vmem>>, vector<16xi32>,
          %bitcast3A_352 = vector.bitcast %get3A_351 : vector<16xi32> to vector<32xbf16>
          %mul3A_353 = arith.mulf %bitcast3A_348, %bitcast3A_352 : vector<32xbf16>
          %unpack3A_354 = tpu.unpack_subelements %mul3A_353, 0 {pack_format = #tpu.pack_format<interleaved>} : vector<32xbf16> -> vector<16xf32>
          %unpack3A_355 = tpu.unpack_subelements %mul3A_353, 1 {pack_format = #tpu.pack_format<interleaved>} : vector<32xbf16> -> vector<16xf32>
          %add3A_356 = arith.addf %add3A_343, %unpack3A_354 : vector<16xf32>
          %add3A_357 = arith.addf %add3A_344, %unpack3A_355 : vector<16xf32>
          %get3A_358 = arith.index_cast %add3A_320 : i32 to index
          %get3A_359 = arith.constant 48 : index
          %get3A_360 = tpu.vector_load %arg9[%get3A_358, %get3A_359] {strides = array<i32>} : memref<400x64xi32, #tpu.memory_space<vmem>>, vector<16xi32>,
          %bitcast3A_361 = vector.bitcast %get3A_360 : vector<16xi32> to vector<32xbf16>
          %get3A_362 = arith.index_cast %add3A_320 : i32 to index
          %get3A_363 = arith.constant 48 : index
          %get3A_364 = tpu.vector_load %arg11[%get3A_362, %get3A_363] {strides = array<i32>} : memref<400x64xi32, #tpu.memory_space<vmem>>, vector<16xi32>,
          %bitcast3A_365 = vector.bitcast %get3A_364 : vector<16xi32> to vector<32xbf16>
          %mul3A_366 = arith.mulf %bitcast3A_361, %bitcast3A_365 : vector<32xbf16>
          %unpack3A_367 = tpu.unpack_subelements %mul3A_366, 0 {pack_format = #tpu.pack_format<interleaved>} : vector<32xbf16> -> vector<16xf32>
          %unpack3A_368 = tpu.unpack_subelements %mul3A_366, 1 {pack_format = #tpu.pack_format<interleaved>} : vector<32xbf16> -> vector<16xf32>
          %add3A_369 = arith.addf %add3A_356, %unpack3A_367 : vector<16xf32>
          %add3A_370 = arith.addf %add3A_357, %unpack3A_368 : vector<16xf32>
          %add3A_371 = arith.addf %add3A_369, %add3A_370 : vector<16xf32>
          %mul3A_372 = arith.constant 16 : i32
          %mul3A_373 = arith.muli %scan3A_98, %mul3A_372 : i32
          %add3A_374 = arith.constant 5 : i32
          %add3A_375 = arith.addi %mul3A_373, %add3A_374 : i32
          %get3A_376 = arith.index_cast %add3A_375 : i32 to index
          %get3A_377 = arith.constant 0 : index
          %get3A_378 = tpu.vector_load %arg9[%get3A_376, %get3A_377] {strides = array<i32>} : memref<400x64xi32, #tpu.memory_space<vmem>>, vector<16xi32>,
          %bitcast3A_379 = vector.bitcast %get3A_378 : vector<16xi32> to vector<32xbf16>
          %get3A_380 = arith.index_cast %add3A_375 : i32 to index
          %get3A_381 = arith.constant 0 : index
          %get3A_382 = tpu.vector_load %arg11[%get3A_380, %get3A_381] {strides = array<i32>} : memref<400x64xi32, #tpu.memory_space<vmem>>, vector<16xi32>,
          %bitcast3A_383 = vector.bitcast %get3A_382 : vector<16xi32> to vector<32xbf16>
          %mul3A_384 = arith.mulf %bitcast3A_379, %bitcast3A_383 : vector<32xbf16>
          %unpack3A_385 = tpu.unpack_subelements %mul3A_384, 0 {pack_format = #tpu.pack_format<interleaved>} : vector<32xbf16> -> vector<16xf32>
          %unpack3A_386 = tpu.unpack_subelements %mul3A_384, 1 {pack_format = #tpu.pack_format<interleaved>} : vector<32xbf16> -> vector<16xf32>
          %get3A_387 = arith.index_cast %add3A_375 : i32 to index
          %get3A_388 = arith.constant 16 : index
          %get3A_389 = tpu.vector_load %arg9[%get3A_387, %get3A_388] {strides = array<i32>} : memref<400x64xi32, #tpu.memory_space<vmem>>, vector<16xi32>,
          %bitcast3A_390 = vector.bitcast %get3A_389 : vector<16xi32> to vector<32xbf16>
          %get3A_391 = arith.index_cast %add3A_375 : i32 to index
          %get3A_392 = arith.constant 16 : index
          %get3A_393 = tpu.vector_load %arg11[%get3A_391, %get3A_392] {strides = array<i32>} : memref<400x64xi32, #tpu.memory_space<vmem>>, vector<16xi32>,
          %bitcast3A_394 = vector.bitcast %get3A_393 : vector<16xi32> to vector<32xbf16>
          %mul3A_395 = arith.mulf %bitcast3A_390, %bitcast3A_394 : vector<32xbf16>
          %unpack3A_396 = tpu.unpack_subelements %mul3A_395, 0 {pack_format = #tpu.pack_format<interleaved>} : vector<32xbf16> -> vector<16xf32>
          %unpack3A_397 = tpu.unpack_subelements %mul3A_395, 1 {pack_format = #tpu.pack_format<interleaved>} : vector<32xbf16> -> vector<16xf32>
          %add3A_398 = arith.addf %unpack3A_385, %unpack3A_396 : vector<16xf32>
          %add3A_399 = arith.addf %unpack3A_386, %unpack3A_397 : vector<16xf32>
          %get3A_400 = arith.index_cast %add3A_375 : i32 to index
          %get3A_401 = arith.constant 32 : index
          %get3A_402 = tpu.vector_load %arg9[%get3A_400, %get3A_401] {strides = array<i32>} : memref<400x64xi32, #tpu.memory_space<vmem>>, vector<16xi32>,
          %bitcast3A_403 = vector.bitcast %get3A_402 : vector<16xi32> to vector<32xbf16>
          %get3A_404 = arith.index_cast %add3A_375 : i32 to index
          %get3A_405 = arith.constant 32 : index
          %get3A_406 = tpu.vector_load %arg11[%get3A_404, %get3A_405] {strides = array<i32>} : memref<400x64xi32, #tpu.memory_space<vmem>>, vector<16xi32>,
          %bitcast3A_407 = vector.bitcast %get3A_406 : vector<16xi32> to vector<32xbf16>
          %mul3A_408 = arith.mulf %bitcast3A_403, %bitcast3A_407 : vector<32xbf16>
          %unpack3A_409 = tpu.unpack_subelements %mul3A_408, 0 {pack_format = #tpu.pack_format<interleaved>} : vector<32xbf16> -> vector<16xf32>
          %unpack3A_410 = tpu.unpack_subelements %mul3A_408, 1 {pack_format = #tpu.pack_format<interleaved>} : vector<32xbf16> -> vector<16xf32>
          %add3A_411 = arith.addf %add3A_398, %unpack3A_409 : vector<16xf32>
          %add3A_412 = arith.addf %add3A_399, %unpack3A_410 : vector<16xf32>
          %get3A_413 = arith.index_cast %add3A_375 : i32 to index
          %get3A_414 = arith.constant 48 : index
          %get3A_415 = tpu.vector_load %arg9[%get3A_413, %get3A_414] {strides = array<i32>} : memref<400x64xi32, #tpu.memory_space<vmem>>, vector<16xi32>,
          %bitcast3A_416 = vector.bitcast %get3A_415 : vector<16xi32> to vector<32xbf16>
          %get3A_417 = arith.index_cast %add3A_375 : i32 to index
          %get3A_418 = arith.constant 48 : index
          %get3A_419 = tpu.vector_load %arg11[%get3A_417, %get3A_418] {strides = array<i32>} : memref<400x64xi32, #tpu.memory_space<vmem>>, vector<16xi32>,
          %bitcast3A_420 = vector.bitcast %get3A_419 : vector<16xi32> to vector<32xbf16>
          %mul3A_421 = arith.mulf %bitcast3A_416, %bitcast3A_420 : vector<32xbf16>
          %unpack3A_422 = tpu.unpack_subelements %mul3A_421, 0 {pack_format = #tpu.pack_format<interleaved>} : vector<32xbf16> -> vector<16xf32>
          %unpack3A_423 = tpu.unpack_subelements %mul3A_421, 1 {pack_format = #tpu.pack_format<interleaved>} : vector<32xbf16> -> vector<16xf32>
          %add3A_424 = arith.addf %add3A_411, %unpack3A_422 : vector<16xf32>
          %add3A_425 = arith.addf %add3A_412, %unpack3A_423 : vector<16xf32>
          %add3A_426 = arith.addf %add3A_424, %add3A_425 : vector<16xf32>
          %mul3A_427 = arith.constant 16 : i32
          %mul3A_428 = arith.muli %scan3A_98, %mul3A_427 : i32
          %add3A_429 = arith.constant 6 : i32
          %add3A_430 = arith.addi %mul3A_428, %add3A_429 : i32
          %get3A_431 = arith.index_cast %add3A_430 : i32 to index
          %get3A_432 = arith.constant 0 : index
          %get3A_433 = tpu.vector_load %arg9[%get3A_431, %get3A_432] {strides = array<i32>} : memref<400x64xi32, #tpu.memory_space<vmem>>, vector<16xi32>,
          %bitcast3A_434 = vector.bitcast %get3A_433 : vector<16xi32> to vector<32xbf16>
          %get3A_435 = arith.index_cast %add3A_430 : i32 to index
          %get3A_436 = arith.constant 0 : index
          %get3A_437 = tpu.vector_load %arg11[%get3A_435, %get3A_436] {strides = array<i32>} : memref<400x64xi32, #tpu.memory_space<vmem>>, vector<16xi32>,
          %bitcast3A_438 = vector.bitcast %get3A_437 : vector<16xi32> to vector<32xbf16>
          %mul3A_439 = arith.mulf %bitcast3A_434, %bitcast3A_438 : vector<32xbf16>
          %unpack3A_440 = tpu.unpack_subelements %mul3A_439, 0 {pack_format = #tpu.pack_format<interleaved>} : vector<32xbf16> -> vector<16xf32>
          %unpack3A_441 = tpu.unpack_subelements %mul3A_439, 1 {pack_format = #tpu.pack_format<interleaved>} : vector<32xbf16> -> vector<16xf32>
          %get3A_442 = arith.index_cast %add3A_430 : i32 to index
          %get3A_443 = arith.constant 16 : index
          %get3A_444 = tpu.vector_load %arg9[%get3A_442, %get3A_443] {strides = array<i32>} : memref<400x64xi32, #tpu.memory_space<vmem>>, vector<16xi32>,
          %bitcast3A_445 = vector.bitcast %get3A_444 : vector<16xi32> to vector<32xbf16>
          %get3A_446 = arith.index_cast %add3A_430 : i32 to index
          %get3A_447 = arith.constant 16 : index
          %get3A_448 = tpu.vector_load %arg11[%get3A_446, %get3A_447] {strides = array<i32>} : memref<400x64xi32, #tpu.memory_space<vmem>>, vector<16xi32>,
          %bitcast3A_449 = vector.bitcast %get3A_448 : vector<16xi32> to vector<32xbf16>
          %mul3A_450 = arith.mulf %bitcast3A_445, %bitcast3A_449 : vector<32xbf16>
          %unpack3A_451 = tpu.unpack_subelements %mul3A_450, 0 {pack_format = #tpu.pack_format<interleaved>} : vector<32xbf16> -> vector<16xf32>
          %unpack3A_452 = tpu.unpack_subelements %mul3A_450, 1 {pack_format = #tpu.pack_format<interleaved>} : vector<32xbf16> -> vector<16xf32>
          %add3A_453 = arith.addf %unpack3A_440, %unpack3A_451 : vector<16xf32>
          %add3A_454 = arith.addf %unpack3A_441, %unpack3A_452 : vector<16xf32>
          %get3A_455 = arith.index_cast %add3A_430 : i32 to index
          %get3A_456 = arith.constant 32 : index
          %get3A_457 = tpu.vector_load %arg9[%get3A_455, %get3A_456] {strides = array<i32>} : memref<400x64xi32, #tpu.memory_space<vmem>>, vector<16xi32>,
          %bitcast3A_458 = vector.bitcast %get3A_457 : vector<16xi32> to vector<32xbf16>
          %get3A_459 = arith.index_cast %add3A_430 : i32 to index
          %get3A_460 = arith.constant 32 : index
          %get3A_461 = tpu.vector_load %arg11[%get3A_459, %get3A_460] {strides = array<i32>} : memref<400x64xi32, #tpu.memory_space<vmem>>, vector<16xi32>,
          %bitcast3A_462 = vector.bitcast %get3A_461 : vector<16xi32> to vector<32xbf16>
          %mul3A_463 = arith.mulf %bitcast3A_458, %bitcast3A_462 : vector<32xbf16>
          %unpack3A_464 = tpu.unpack_subelements %mul3A_463, 0 {pack_format = #tpu.pack_format<interleaved>} : vector<32xbf16> -> vector<16xf32>
          %unpack3A_465 = tpu.unpack_subelements %mul3A_463, 1 {pack_format = #tpu.pack_format<interleaved>} : vector<32xbf16> -> vector<16xf32>
          %add3A_466 = arith.addf %add3A_453, %unpack3A_464 : vector<16xf32>
          %add3A_467 = arith.addf %add3A_454, %unpack3A_465 : vector<16xf32>
          %get3A_468 = arith.index_cast %add3A_430 : i32 to index
          %get3A_469 = arith.constant 48 : index
          %get3A_470 = tpu.vector_load %arg9[%get3A_468, %get3A_469] {strides = array<i32>} : memref<400x64xi32, #tpu.memory_space<vmem>>, vector<16xi32>,
          %bitcast3A_471 = vector.bitcast %get3A_470 : vector<16xi32> to vector<32xbf16>
          %get3A_472 = arith.index_cast %add3A_430 : i32 to index
          %get3A_473 = arith.constant 48 : index
          %get3A_474 = tpu.vector_load %arg11[%get3A_472, %get3A_473] {strides = array<i32>} : memref<400x64xi32, #tpu.memory_space<vmem>>, vector<16xi32>,
          %bitcast3A_475 = vector.bitcast %get3A_474 : vector<16xi32> to vector<32xbf16>
          %mul3A_476 = arith.mulf %bitcast3A_471, %bitcast3A_475 : vector<32xbf16>
          %unpack3A_477 = tpu.unpack_subelements %mul3A_476, 0 {pack_format = #tpu.pack_format<interleaved>} : vector<32xbf16> -> vector<16xf32>
          %unpack3A_478 = tpu.unpack_subelements %mul3A_476, 1 {pack_format = #tpu.pack_format<interleaved>} : vector<32xbf16> -> vector<16xf32>
          %add3A_479 = arith.addf %add3A_466, %unpack3A_477 : vector<16xf32>
          %add3A_480 = arith.addf %add3A_467, %unpack3A_478 : vector<16xf32>
          %add3A_481 = arith.addf %add3A_479, %add3A_480 : vector<16xf32>
          %mul3A_482 = arith.constant 16 : i32
          %mul3A_483 = arith.muli %scan3A_98, %mul3A_482 : i32
          %add3A_484 = arith.constant 7 : i32
          %add3A_485 = arith.addi %mul3A_483, %add3A_484 : i32
          %get3A_486 = arith.index_cast %add3A_485 : i32 to index
          %get3A_487 = arith.constant 0 : index
          %get3A_488 = tpu.vector_load %arg9[%get3A_486, %get3A_487] {strides = array<i32>} : memref<400x64xi32, #tpu.memory_space<vmem>>, vector<16xi32>,
          %bitcast3A_489 = vector.bitcast %get3A_488 : vector<16xi32> to vector<32xbf16>
          %get3A_490 = arith.index_cast %add3A_485 : i32 to index
          %get3A_491 = arith.constant 0 : index
          %get3A_492 = tpu.vector_load %arg11[%get3A_490, %get3A_491] {strides = array<i32>} : memref<400x64xi32, #tpu.memory_space<vmem>>, vector<16xi32>,
          %bitcast3A_493 = vector.bitcast %get3A_492 : vector<16xi32> to vector<32xbf16>
          %mul3A_494 = arith.mulf %bitcast3A_489, %bitcast3A_493 : vector<32xbf16>
          %unpack3A_495 = tpu.unpack_subelements %mul3A_494, 0 {pack_format = #tpu.pack_format<interleaved>} : vector<32xbf16> -> vector<16xf32>
          %unpack3A_496 = tpu.unpack_subelements %mul3A_494, 1 {pack_format = #tpu.pack_format<interleaved>} : vector<32xbf16> -> vector<16xf32>
          %get3A_497 = arith.index_cast %add3A_485 : i32 to index
          %get3A_498 = arith.constant 16 : index
          %get3A_499 = tpu.vector_load %arg9[%get3A_497, %get3A_498] {strides = array<i32>} : memref<400x64xi32, #tpu.memory_space<vmem>>, vector<16xi32>,
          %bitcast3A_500 = vector.bitcast %get3A_499 : vector<16xi32> to vector<32xbf16>
          %get3A_501 = arith.index_cast %add3A_485 : i32 to index
          %get3A_502 = arith.constant 16 : index
          %get3A_503 = tpu.vector_load %arg11[%get3A_501, %get3A_502] {strides = array<i32>} : memref<400x64xi32, #tpu.memory_space<vmem>>, vector<16xi32>,
          %bitcast3A_504 = vector.bitcast %get3A_503 : vector<16xi32> to vector<32xbf16>
          %mul3A_505 = arith.mulf %bitcast3A_500, %bitcast3A_504 : vector<32xbf16>
          %unpack3A_506 = tpu.unpack_subelements %mul3A_505, 0 {pack_format = #tpu.pack_format<interleaved>} : vector<32xbf16> -> vector<16xf32>
          %unpack3A_507 = tpu.unpack_subelements %mul3A_505, 1 {pack_format = #tpu.pack_format<interleaved>} : vector<32xbf16> -> vector<16xf32>
          %add3A_508 = arith.addf %unpack3A_495, %unpack3A_506 : vector<16xf32>
          %add3A_509 = arith.addf %unpack3A_496, %unpack3A_507 : vector<16xf32>
          %get3A_510 = arith.index_cast %add3A_485 : i32 to index
          %get3A_511 = arith.constant 32 : index
          %get3A_512 = tpu.vector_load %arg9[%get3A_510, %get3A_511] {strides = array<i32>} : memref<400x64xi32, #tpu.memory_space<vmem>>, vector<16xi32>,
          %bitcast3A_513 = vector.bitcast %get3A_512 : vector<16xi32> to vector<32xbf16>
          %get3A_514 = arith.index_cast %add3A_485 : i32 to index
          %get3A_515 = arith.constant 32 : index
          %get3A_516 = tpu.vector_load %arg11[%get3A_514, %get3A_515] {strides = array<i32>} : memref<400x64xi32, #tpu.memory_space<vmem>>, vector<16xi32>,
          %bitcast3A_517 = vector.bitcast %get3A_516 : vector<16xi32> to vector<32xbf16>
          %mul3A_518 = arith.mulf %bitcast3A_513, %bitcast3A_517 : vector<32xbf16>
          %unpack3A_519 = tpu.unpack_subelements %mul3A_518, 0 {pack_format = #tpu.pack_format<interleaved>} : vector<32xbf16> -> vector<16xf32>
          %unpack3A_520 = tpu.unpack_subelements %mul3A_518, 1 {pack_format = #tpu.pack_format<interleaved>} : vector<32xbf16> -> vector<16xf32>
          %add3A_521 = arith.addf %add3A_508, %unpack3A_519 : vector<16xf32>
          %add3A_522 = arith.addf %add3A_509, %unpack3A_520 : vector<16xf32>
          %get3A_523 = arith.index_cast %add3A_485 : i32 to index
          %get3A_524 = arith.constant 48 : index
          %get3A_525 = tpu.vector_load %arg9[%get3A_523, %get3A_524] {strides = array<i32>} : memref<400x64xi32, #tpu.memory_space<vmem>>, vector<16xi32>,
          %bitcast3A_526 = vector.bitcast %get3A_525 : vector<16xi32> to vector<32xbf16>
          %get3A_527 = arith.index_cast %add3A_485 : i32 to index
          %get3A_528 = arith.constant 48 : index
          %get3A_529 = tpu.vector_load %arg11[%get3A_527, %get3A_528] {strides = array<i32>} : memref<400x64xi32, #tpu.memory_space<vmem>>, vector<16xi32>,
          %bitcast3A_530 = vector.bitcast %get3A_529 : vector<16xi32> to vector<32xbf16>
          %mul3A_531 = arith.mulf %bitcast3A_526, %bitcast3A_530 : vector<32xbf16>
          %unpack3A_532 = tpu.unpack_subelements %mul3A_531, 0 {pack_format = #tpu.pack_format<interleaved>} : vector<32xbf16> -> vector<16xf32>
          %unpack3A_533 = tpu.unpack_subelements %mul3A_531, 1 {pack_format = #tpu.pack_format<interleaved>} : vector<32xbf16> -> vector<16xf32>
          %add3A_534 = arith.addf %add3A_521, %unpack3A_532 : vector<16xf32>
          %add3A_535 = arith.addf %add3A_522, %unpack3A_533 : vector<16xf32>
          %add3A_536 = arith.addf %add3A_534, %add3A_535 : vector<16xf32>
          %mul3A_537 = arith.constant 16 : i32
          %mul3A_538 = arith.muli %scan3A_98, %mul3A_537 : i32
          %add3A_539 = arith.constant 8 : i32
          %add3A_540 = arith.addi %mul3A_538, %add3A_539 : i32
          %get3A_541 = arith.index_cast %add3A_540 : i32 to index
          %get3A_542 = arith.constant 0 : index
          %get3A_543 = tpu.vector_load %arg9[%get3A_541, %get3A_542] {strides = array<i32>} : memref<400x64xi32, #tpu.memory_space<vmem>>, vector<16xi32>,
          %bitcast3A_544 = vector.bitcast %get3A_543 : vector<16xi32> to vector<32xbf16>
          %get3A_545 = arith.index_cast %add3A_540 : i32 to index
          %get3A_546 = arith.constant 0 : index
          %get3A_547 = tpu.vector_load %arg11[%get3A_545, %get3A_546] {strides = array<i32>} : memref<400x64xi32, #tpu.memory_space<vmem>>, vector<16xi32>,
          %bitcast3A_548 = vector.bitcast %get3A_547 : vector<16xi32> to vector<32xbf16>
          %mul3A_549 = arith.mulf %bitcast3A_544, %bitcast3A_548 : vector<32xbf16>
          %unpack3A_550 = tpu.unpack_subelements %mul3A_549, 0 {pack_format = #tpu.pack_format<interleaved>} : vector<32xbf16> -> vector<16xf32>
          %unpack3A_551 = tpu.unpack_subelements %mul3A_549, 1 {pack_format = #tpu.pack_format<interleaved>} : vector<32xbf16> -> vector<16xf32>
          %get3A_552 = arith.index_cast %add3A_540 : i32 to index
          %get3A_553 = arith.constant 16 : index
          %get3A_554 = tpu.vector_load %arg9[%get3A_552, %get3A_553] {strides = array<i32>} : memref<400x64xi32, #tpu.memory_space<vmem>>, vector<16xi32>,
          %bitcast3A_555 = vector.bitcast %get3A_554 : vector<16xi32> to vector<32xbf16>
          %get3A_556 = arith.index_cast %add3A_540 : i32 to index
          %get3A_557 = arith.constant 16 : index
          %get3A_558 = tpu.vector_load %arg11[%get3A_556, %get3A_557] {strides = array<i32>} : memref<400x64xi32, #tpu.memory_space<vmem>>, vector<16xi32>,
          %bitcast3A_559 = vector.bitcast %get3A_558 : vector<16xi32> to vector<32xbf16>
          %mul3A_560 = arith.mulf %bitcast3A_555, %bitcast3A_559 : vector<32xbf16>
          %unpack3A_561 = tpu.unpack_subelements %mul3A_560, 0 {pack_format = #tpu.pack_format<interleaved>} : vector<32xbf16> -> vector<16xf32>
          %unpack3A_562 = tpu.unpack_subelements %mul3A_560, 1 {pack_format = #tpu.pack_format<interleaved>} : vector<32xbf16> -> vector<16xf32>
          %add3A_563 = arith.addf %unpack3A_550, %unpack3A_561 : vector<16xf32>
          %add3A_564 = arith.addf %unpack3A_551, %unpack3A_562 : vector<16xf32>
          %get3A_565 = arith.index_cast %add3A_540 : i32 to index
          %get3A_566 = arith.constant 32 : index
          %get3A_567 = tpu.vector_load %arg9[%get3A_565, %get3A_566] {strides = array<i32>} : memref<400x64xi32, #tpu.memory_space<vmem>>, vector<16xi32>,
          %bitcast3A_568 = vector.bitcast %get3A_567 : vector<16xi32> to vector<32xbf16>
          %get3A_569 = arith.index_cast %add3A_540 : i32 to index
          %get3A_570 = arith.constant 32 : index
          %get3A_571 = tpu.vector_load %arg11[%get3A_569, %get3A_570] {strides = array<i32>} : memref<400x64xi32, #tpu.memory_space<vmem>>, vector<16xi32>,
          %bitcast3A_572 = vector.bitcast %get3A_571 : vector<16xi32> to vector<32xbf16>
          %mul3A_573 = arith.mulf %bitcast3A_568, %bitcast3A_572 : vector<32xbf16>
          %unpack3A_574 = tpu.unpack_subelements %mul3A_573, 0 {pack_format = #tpu.pack_format<interleaved>} : vector<32xbf16> -> vector<16xf32>
          %unpack3A_575 = tpu.unpack_subelements %mul3A_573, 1 {pack_format = #tpu.pack_format<interleaved>} : vector<32xbf16> -> vector<16xf32>
          %add3A_576 = arith.addf %add3A_563, %unpack3A_574 : vector<16xf32>
          %add3A_577 = arith.addf %add3A_564, %unpack3A_575 : vector<16xf32>
          %get3A_578 = arith.index_cast %add3A_540 : i32 to index
          %get3A_579 = arith.constant 48 : index
          %get3A_580 = tpu.vector_load %arg9[%get3A_578, %get3A_579] {strides = array<i32>} : memref<400x64xi32, #tpu.memory_space<vmem>>, vector<16xi32>,
          %bitcast3A_581 = vector.bitcast %get3A_580 : vector<16xi32> to vector<32xbf16>
          %get3A_582 = arith.index_cast %add3A_540 : i32 to index
          %get3A_583 = arith.constant 48 : index
          %get3A_584 = tpu.vector_load %arg11[%get3A_582, %get3A_583] {strides = array<i32>} : memref<400x64xi32, #tpu.memory_space<vmem>>, vector<16xi32>,
          %bitcast3A_585 = vector.bitcast %get3A_584 : vector<16xi32> to vector<32xbf16>
          %mul3A_586 = arith.mulf %bitcast3A_581, %bitcast3A_585 : vector<32xbf16>
          %unpack3A_587 = tpu.unpack_subelements %mul3A_586, 0 {pack_format = #tpu.pack_format<interleaved>} : vector<32xbf16> -> vector<16xf32>
          %unpack3A_588 = tpu.unpack_subelements %mul3A_586, 1 {pack_format = #tpu.pack_format<interleaved>} : vector<32xbf16> -> vector<16xf32>
          %add3A_589 = arith.addf %add3A_576, %unpack3A_587 : vector<16xf32>
          %add3A_590 = arith.addf %add3A_577, %unpack3A_588 : vector<16xf32>
          %add3A_591 = arith.addf %add3A_589, %add3A_590 : vector<16xf32>
          %mul3A_592 = arith.constant 16 : i32
          %mul3A_593 = arith.muli %scan3A_98, %mul3A_592 : i32
          %add3A_594 = arith.constant 9 : i32
          %add3A_595 = arith.addi %mul3A_593, %add3A_594 : i32
          %get3A_596 = arith.index_cast %add3A_595 : i32 to index
          %get3A_597 = arith.constant 0 : index
          %get3A_598 = tpu.vector_load %arg9[%get3A_596, %get3A_597] {strides = array<i32>} : memref<400x64xi32, #tpu.memory_space<vmem>>, vector<16xi32>,
          %bitcast3A_599 = vector.bitcast %get3A_598 : vector<16xi32> to vector<32xbf16>
          %get3A_600 = arith.index_cast %add3A_595 : i32 to index
          %get3A_601 = arith.constant 0 : index
          %get3A_602 = tpu.vector_load %arg11[%get3A_600, %get3A_601] {strides = array<i32>} : memref<400x64xi32, #tpu.memory_space<vmem>>, vector<16xi32>,
          %bitcast3A_603 = vector.bitcast %get3A_602 : vector<16xi32> to vector<32xbf16>
          %mul3A_604 = arith.mulf %bitcast3A_599, %bitcast3A_603 : vector<32xbf16>
          %unpack3A_605 = tpu.unpack_subelements %mul3A_604, 0 {pack_format = #tpu.pack_format<interleaved>} : vector<32xbf16> -> vector<16xf32>
          %unpack3A_606 = tpu.unpack_subelements %mul3A_604, 1 {pack_format = #tpu.pack_format<interleaved>} : vector<32xbf16> -> vector<16xf32>
          %get3A_607 = arith.index_cast %add3A_595 : i32 to index
          %get3A_608 = arith.constant 16 : index
          %get3A_609 = tpu.vector_load %arg9[%get3A_607, %get3A_608] {strides = array<i32>} : memref<400x64xi32, #tpu.memory_space<vmem>>, vector<16xi32>,
          %bitcast3A_610 = vector.bitcast %get3A_609 : vector<16xi32> to vector<32xbf16>
          %get3A_611 = arith.index_cast %add3A_595 : i32 to index
          %get3A_612 = arith.constant 16 : index
          %get3A_613 = tpu.vector_load %arg11[%get3A_611, %get3A_612] {strides = array<i32>} : memref<400x64xi32, #tpu.memory_space<vmem>>, vector<16xi32>,
          %bitcast3A_614 = vector.bitcast %get3A_613 : vector<16xi32> to vector<32xbf16>
          %mul3A_615 = arith.mulf %bitcast3A_610, %bitcast3A_614 : vector<32xbf16>
          %unpack3A_616 = tpu.unpack_subelements %mul3A_615, 0 {pack_format = #tpu.pack_format<interleaved>} : vector<32xbf16> -> vector<16xf32>
          %unpack3A_617 = tpu.unpack_subelements %mul3A_615, 1 {pack_format = #tpu.pack_format<interleaved>} : vector<32xbf16> -> vector<16xf32>
          %add3A_618 = arith.addf %unpack3A_605, %unpack3A_616 : vector<16xf32>
          %add3A_619 = arith.addf %unpack3A_606, %unpack3A_617 : vector<16xf32>
          %get3A_620 = arith.index_cast %add3A_595 : i32 to index
          %get3A_621 = arith.constant 32 : index
          %get3A_622 = tpu.vector_load %arg9[%get3A_620, %get3A_621] {strides = array<i32>} : memref<400x64xi32, #tpu.memory_space<vmem>>, vector<16xi32>,
          %bitcast3A_623 = vector.bitcast %get3A_622 : vector<16xi32> to vector<32xbf16>
          %get3A_624 = arith.index_cast %add3A_595 : i32 to index
          %get3A_625 = arith.constant 32 : index
          %get3A_626 = tpu.vector_load %arg11[%get3A_624, %get3A_625] {strides = array<i32>} : memref<400x64xi32, #tpu.memory_space<vmem>>, vector<16xi32>,
          %bitcast3A_627 = vector.bitcast %get3A_626 : vector<16xi32> to vector<32xbf16>
          %mul3A_628 = arith.mulf %bitcast3A_623, %bitcast3A_627 : vector<32xbf16>
          %unpack3A_629 = tpu.unpack_subelements %mul3A_628, 0 {pack_format = #tpu.pack_format<interleaved>} : vector<32xbf16> -> vector<16xf32>
          %unpack3A_630 = tpu.unpack_subelements %mul3A_628, 1 {pack_format = #tpu.pack_format<interleaved>} : vector<32xbf16> -> vector<16xf32>
          %add3A_631 = arith.addf %add3A_618, %unpack3A_629 : vector<16xf32>
          %add3A_632 = arith.addf %add3A_619, %unpack3A_630 : vector<16xf32>
          %get3A_633 = arith.index_cast %add3A_595 : i32 to index
          %get3A_634 = arith.constant 48 : index
          %get3A_635 = tpu.vector_load %arg9[%get3A_633, %get3A_634] {strides = array<i32>} : memref<400x64xi32, #tpu.memory_space<vmem>>, vector<16xi32>,
          %bitcast3A_636 = vector.bitcast %get3A_635 : vector<16xi32> to vector<32xbf16>
          %get3A_637 = arith.index_cast %add3A_595 : i32 to index
          %get3A_638 = arith.constant 48 : index
          %get3A_639 = tpu.vector_load %arg11[%get3A_637, %get3A_638] {strides = array<i32>} : memref<400x64xi32, #tpu.memory_space<vmem>>, vector<16xi32>,
          %bitcast3A_640 = vector.bitcast %get3A_639 : vector<16xi32> to vector<32xbf16>
          %mul3A_641 = arith.mulf %bitcast3A_636, %bitcast3A_640 : vector<32xbf16>
          %unpack3A_642 = tpu.unpack_subelements %mul3A_641, 0 {pack_format = #tpu.pack_format<interleaved>} : vector<32xbf16> -> vector<16xf32>
          %unpack3A_643 = tpu.unpack_subelements %mul3A_641, 1 {pack_format = #tpu.pack_format<interleaved>} : vector<32xbf16> -> vector<16xf32>
          %add3A_644 = arith.addf %add3A_631, %unpack3A_642 : vector<16xf32>
          %add3A_645 = arith.addf %add3A_632, %unpack3A_643 : vector<16xf32>
          %add3A_646 = arith.addf %add3A_644, %add3A_645 : vector<16xf32>
          %mul3A_647 = arith.constant 16 : i32
          %mul3A_648 = arith.muli %scan3A_98, %mul3A_647 : i32
          %add3A_649 = arith.constant 10 : i32
          %add3A_650 = arith.addi %mul3A_648, %add3A_649 : i32
          %get3A_651 = arith.index_cast %add3A_650 : i32 to index
          %get3A_652 = arith.constant 0 : index
          %get3A_653 = tpu.vector_load %arg9[%get3A_651, %get3A_652] {strides = array<i32>} : memref<400x64xi32, #tpu.memory_space<vmem>>, vector<16xi32>,
          %bitcast3A_654 = vector.bitcast %get3A_653 : vector<16xi32> to vector<32xbf16>
          %get3A_655 = arith.index_cast %add3A_650 : i32 to index
          %get3A_656 = arith.constant 0 : index
          %get3A_657 = tpu.vector_load %arg11[%get3A_655, %get3A_656] {strides = array<i32>} : memref<400x64xi32, #tpu.memory_space<vmem>>, vector<16xi32>,
          %bitcast3A_658 = vector.bitcast %get3A_657 : vector<16xi32> to vector<32xbf16>
          %mul3A_659 = arith.mulf %bitcast3A_654, %bitcast3A_658 : vector<32xbf16>
          %unpack3A_660 = tpu.unpack_subelements %mul3A_659, 0 {pack_format = #tpu.pack_format<interleaved>} : vector<32xbf16> -> vector<16xf32>
          %unpack3A_661 = tpu.unpack_subelements %mul3A_659, 1 {pack_format = #tpu.pack_format<interleaved>} : vector<32xbf16> -> vector<16xf32>
          %get3A_662 = arith.index_cast %add3A_650 : i32 to index
          %get3A_663 = arith.constant 16 : index
          %get3A_664 = tpu.vector_load %arg9[%get3A_662, %get3A_663] {strides = array<i32>} : memref<400x64xi32, #tpu.memory_space<vmem>>, vector<16xi32>,
          %bitcast3A_665 = vector.bitcast %get3A_664 : vector<16xi32> to vector<32xbf16>
          %get3A_666 = arith.index_cast %add3A_650 : i32 to index
          %get3A_667 = arith.constant 16 : index
          %get3A_668 = tpu.vector_load %arg11[%get3A_666, %get3A_667] {strides = array<i32>} : memref<400x64xi32, #tpu.memory_space<vmem>>, vector<16xi32>,
          %bitcast3A_669 = vector.bitcast %get3A_668 : vector<16xi32> to vector<32xbf16>
          %mul3A_670 = arith.mulf %bitcast3A_665, %bitcast3A_669 : vector<32xbf16>
          %unpack3A_671 = tpu.unpack_subelements %mul3A_670, 0 {pack_format = #tpu.pack_format<interleaved>} : vector<32xbf16> -> vector<16xf32>
          %unpack3A_672 = tpu.unpack_subelements %mul3A_670, 1 {pack_format = #tpu.pack_format<interleaved>} : vector<32xbf16> -> vector<16xf32>
          %add3A_673 = arith.addf %unpack3A_660, %unpack3A_671 : vector<16xf32>
          %add3A_674 = arith.addf %unpack3A_661, %unpack3A_672 : vector<16xf32>
          %get3A_675 = arith.index_cast %add3A_650 : i32 to index
          %get3A_676 = arith.constant 32 : index
          %get3A_677 = tpu.vector_load %arg9[%get3A_675, %get3A_676] {strides = array<i32>} : memref<400x64xi32, #tpu.memory_space<vmem>>, vector<16xi32>,
          %bitcast3A_678 = vector.bitcast %get3A_677 : vector<16xi32> to vector<32xbf16>
          %get3A_679 = arith.index_cast %add3A_650 : i32 to index
          %get3A_680 = arith.constant 32 : index
          %get3A_681 = tpu.vector_load %arg11[%get3A_679, %get3A_680] {strides = array<i32>} : memref<400x64xi32, #tpu.memory_space<vmem>>, vector<16xi32>,
          %bitcast3A_682 = vector.bitcast %get3A_681 : vector<16xi32> to vector<32xbf16>
          %mul3A_683 = arith.mulf %bitcast3A_678, %bitcast3A_682 : vector<32xbf16>
          %unpack3A_684 = tpu.unpack_subelements %mul3A_683, 0 {pack_format = #tpu.pack_format<interleaved>} : vector<32xbf16> -> vector<16xf32>
          %unpack3A_685 = tpu.unpack_subelements %mul3A_683, 1 {pack_format = #tpu.pack_format<interleaved>} : vector<32xbf16> -> vector<16xf32>
          %add3A_686 = arith.addf %add3A_673, %unpack3A_684 : vector<16xf32>
          %add3A_687 = arith.addf %add3A_674, %unpack3A_685 : vector<16xf32>
          %get3A_688 = arith.index_cast %add3A_650 : i32 to index
          %get3A_689 = arith.constant 48 : index
          %get3A_690 = tpu.vector_load %arg9[%get3A_688, %get3A_689] {strides = array<i32>} : memref<400x64xi32, #tpu.memory_space<vmem>>, vector<16xi32>,
          %bitcast3A_691 = vector.bitcast %get3A_690 : vector<16xi32> to vector<32xbf16>
          %get3A_692 = arith.index_cast %add3A_650 : i32 to index
          %get3A_693 = arith.constant 48 : index
          %get3A_694 = tpu.vector_load %arg11[%get3A_692, %get3A_693] {strides = array<i32>} : memref<400x64xi32, #tpu.memory_space<vmem>>, vector<16xi32>,
          %bitcast3A_695 = vector.bitcast %get3A_694 : vector<16xi32> to vector<32xbf16>
          %mul3A_696 = arith.mulf %bitcast3A_691, %bitcast3A_695 : vector<32xbf16>
          %unpack3A_697 = tpu.unpack_subelements %mul3A_696, 0 {pack_format = #tpu.pack_format<interleaved>} : vector<32xbf16> -> vector<16xf32>
          %unpack3A_698 = tpu.unpack_subelements %mul3A_696, 1 {pack_format = #tpu.pack_format<interleaved>} : vector<32xbf16> -> vector<16xf32>
          %add3A_699 = arith.addf %add3A_686, %unpack3A_697 : vector<16xf32>
          %add3A_700 = arith.addf %add3A_687, %unpack3A_698 : vector<16xf32>
          %add3A_701 = arith.addf %add3A_699, %add3A_700 : vector<16xf32>
          %mul3A_702 = arith.constant 16 : i32
          %mul3A_703 = arith.muli %scan3A_98, %mul3A_702 : i32
          %add3A_704 = arith.constant 11 : i32
          %add3A_705 = arith.addi %mul3A_703, %add3A_704 : i32
          %get3A_706 = arith.index_cast %add3A_705 : i32 to index
          %get3A_707 = arith.constant 0 : index
          %get3A_708 = tpu.vector_load %arg9[%get3A_706, %get3A_707] {strides = array<i32>} : memref<400x64xi32, #tpu.memory_space<vmem>>, vector<16xi32>,
          %bitcast3A_709 = vector.bitcast %get3A_708 : vector<16xi32> to vector<32xbf16>
          %get3A_710 = arith.index_cast %add3A_705 : i32 to index
          %get3A_711 = arith.constant 0 : index
          %get3A_712 = tpu.vector_load %arg11[%get3A_710, %get3A_711] {strides = array<i32>} : memref<400x64xi32, #tpu.memory_space<vmem>>, vector<16xi32>,
          %bitcast3A_713 = vector.bitcast %get3A_712 : vector<16xi32> to vector<32xbf16>
          %mul3A_714 = arith.mulf %bitcast3A_709, %bitcast3A_713 : vector<32xbf16>
          %unpack3A_715 = tpu.unpack_subelements %mul3A_714, 0 {pack_format = #tpu.pack_format<interleaved>} : vector<32xbf16> -> vector<16xf32>
          %unpack3A_716 = tpu.unpack_subelements %mul3A_714, 1 {pack_format = #tpu.pack_format<interleaved>} : vector<32xbf16> -> vector<16xf32>
          %get3A_717 = arith.index_cast %add3A_705 : i32 to index
          %get3A_718 = arith.constant 16 : index
          %get3A_719 = tpu.vector_load %arg9[%get3A_717, %get3A_718] {strides = array<i32>} : memref<400x64xi32, #tpu.memory_space<vmem>>, vector<16xi32>,
          %bitcast3A_720 = vector.bitcast %get3A_719 : vector<16xi32> to vector<32xbf16>
          %get3A_721 = arith.index_cast %add3A_705 : i32 to index
          %get3A_722 = arith.constant 16 : index
          %get3A_723 = tpu.vector_load %arg11[%get3A_721, %get3A_722] {strides = array<i32>} : memref<400x64xi32, #tpu.memory_space<vmem>>, vector<16xi32>,
          %bitcast3A_724 = vector.bitcast %get3A_723 : vector<16xi32> to vector<32xbf16>
          %mul3A_725 = arith.mulf %bitcast3A_720, %bitcast3A_724 : vector<32xbf16>
          %unpack3A_726 = tpu.unpack_subelements %mul3A_725, 0 {pack_format = #tpu.pack_format<interleaved>} : vector<32xbf16> -> vector<16xf32>
          %unpack3A_727 = tpu.unpack_subelements %mul3A_725, 1 {pack_format = #tpu.pack_format<interleaved>} : vector<32xbf16> -> vector<16xf32>
          %add3A_728 = arith.addf %unpack3A_715, %unpack3A_726 : vector<16xf32>
          %add3A_729 = arith.addf %unpack3A_716, %unpack3A_727 : vector<16xf32>
          %get3A_730 = arith.index_cast %add3A_705 : i32 to index
          %get3A_731 = arith.constant 32 : index
          %get3A_732 = tpu.vector_load %arg9[%get3A_730, %get3A_731] {strides = array<i32>} : memref<400x64xi32, #tpu.memory_space<vmem>>, vector<16xi32>,
          %bitcast3A_733 = vector.bitcast %get3A_732 : vector<16xi32> to vector<32xbf16>
          %get3A_734 = arith.index_cast %add3A_705 : i32 to index
          %get3A_735 = arith.constant 32 : index
          %get3A_736 = tpu.vector_load %arg11[%get3A_734, %get3A_735] {strides = array<i32>} : memref<400x64xi32, #tpu.memory_space<vmem>>, vector<16xi32>,
          %bitcast3A_737 = vector.bitcast %get3A_736 : vector<16xi32> to vector<32xbf16>
          %mul3A_738 = arith.mulf %bitcast3A_733, %bitcast3A_737 : vector<32xbf16>
          %unpack3A_739 = tpu.unpack_subelements %mul3A_738, 0 {pack_format = #tpu.pack_format<interleaved>} : vector<32xbf16> -> vector<16xf32>
          %unpack3A_740 = tpu.unpack_subelements %mul3A_738, 1 {pack_format = #tpu.pack_format<interleaved>} : vector<32xbf16> -> vector<16xf32>
          %add3A_741 = arith.addf %add3A_728, %unpack3A_739 : vector<16xf32>
          %add3A_742 = arith.addf %add3A_729, %unpack3A_740 : vector<16xf32>
          %get3A_743 = arith.index_cast %add3A_705 : i32 to index
          %get3A_744 = arith.constant 48 : index
          %get3A_745 = tpu.vector_load %arg9[%get3A_743, %get3A_744] {strides = array<i32>} : memref<400x64xi32, #tpu.memory_space<vmem>>, vector<16xi32>,
          %bitcast3A_746 = vector.bitcast %get3A_745 : vector<16xi32> to vector<32xbf16>
          %get3A_747 = arith.index_cast %add3A_705 : i32 to index
          %get3A_748 = arith.constant 48 : index
          %get3A_749 = tpu.vector_load %arg11[%get3A_747, %get3A_748] {strides = array<i32>} : memref<400x64xi32, #tpu.memory_space<vmem>>, vector<16xi32>,
          %bitcast3A_750 = vector.bitcast %get3A_749 : vector<16xi32> to vector<32xbf16>
          %mul3A_751 = arith.mulf %bitcast3A_746, %bitcast3A_750 : vector<32xbf16>
          %unpack3A_752 = tpu.unpack_subelements %mul3A_751, 0 {pack_format = #tpu.pack_format<interleaved>} : vector<32xbf16> -> vector<16xf32>
          %unpack3A_753 = tpu.unpack_subelements %mul3A_751, 1 {pack_format = #tpu.pack_format<interleaved>} : vector<32xbf16> -> vector<16xf32>
          %add3A_754 = arith.addf %add3A_741, %unpack3A_752 : vector<16xf32>
          %add3A_755 = arith.addf %add3A_742, %unpack3A_753 : vector<16xf32>
          %add3A_756 = arith.addf %add3A_754, %add3A_755 : vector<16xf32>
          %mul3A_757 = arith.constant 16 : i32
          %mul3A_758 = arith.muli %scan3A_98, %mul3A_757 : i32
          %add3A_759 = arith.constant 12 : i32
          %add3A_760 = arith.addi %mul3A_758, %add3A_759 : i32
          %get3A_761 = arith.index_cast %add3A_760 : i32 to index
          %get3A_762 = arith.constant 0 : index
          %get3A_763 = tpu.vector_load %arg9[%get3A_761, %get3A_762] {strides = array<i32>} : memref<400x64xi32, #tpu.memory_space<vmem>>, vector<16xi32>,
          %bitcast3A_764 = vector.bitcast %get3A_763 : vector<16xi32> to vector<32xbf16>
          %get3A_765 = arith.index_cast %add3A_760 : i32 to index
          %get3A_766 = arith.constant 0 : index
          %get3A_767 = tpu.vector_load %arg11[%get3A_765, %get3A_766] {strides = array<i32>} : memref<400x64xi32, #tpu.memory_space<vmem>>, vector<16xi32>,
          %bitcast3A_768 = vector.bitcast %get3A_767 : vector<16xi32> to vector<32xbf16>
          %mul3A_769 = arith.mulf %bitcast3A_764, %bitcast3A_768 : vector<32xbf16>
          %unpack3A_770 = tpu.unpack_subelements %mul3A_769, 0 {pack_format = #tpu.pack_format<interleaved>} : vector<32xbf16> -> vector<16xf32>
          %unpack3A_771 = tpu.unpack_subelements %mul3A_769, 1 {pack_format = #tpu.pack_format<interleaved>} : vector<32xbf16> -> vector<16xf32>
          %get3A_772 = arith.index_cast %add3A_760 : i32 to index
          %get3A_773 = arith.constant 16 : index
          %get3A_774 = tpu.vector_load %arg9[%get3A_772, %get3A_773] {strides = array<i32>} : memref<400x64xi32, #tpu.memory_space<vmem>>, vector<16xi32>,
          %bitcast3A_775 = vector.bitcast %get3A_774 : vector<16xi32> to vector<32xbf16>
          %get3A_776 = arith.index_cast %add3A_760 : i32 to index
          %get3A_777 = arith.constant 16 : index
          %get3A_778 = tpu.vector_load %arg11[%get3A_776, %get3A_777] {strides = array<i32>} : memref<400x64xi32, #tpu.memory_space<vmem>>, vector<16xi32>,
          %bitcast3A_779 = vector.bitcast %get3A_778 : vector<16xi32> to vector<32xbf16>
          %mul3A_780 = arith.mulf %bitcast3A_775, %bitcast3A_779 : vector<32xbf16>
          %unpack3A_781 = tpu.unpack_subelements %mul3A_780, 0 {pack_format = #tpu.pack_format<interleaved>} : vector<32xbf16> -> vector<16xf32>
          %unpack3A_782 = tpu.unpack_subelements %mul3A_780, 1 {pack_format = #tpu.pack_format<interleaved>} : vector<32xbf16> -> vector<16xf32>
          %add3A_783 = arith.addf %unpack3A_770, %unpack3A_781 : vector<16xf32>
          %add3A_784 = arith.addf %unpack3A_771, %unpack3A_782 : vector<16xf32>
          %get3A_785 = arith.index_cast %add3A_760 : i32 to index
          %get3A_786 = arith.constant 32 : index
          %get3A_787 = tpu.vector_load %arg9[%get3A_785, %get3A_786] {strides = array<i32>} : memref<400x64xi32, #tpu.memory_space<vmem>>, vector<16xi32>,
          %bitcast3A_788 = vector.bitcast %get3A_787 : vector<16xi32> to vector<32xbf16>
          %get3A_789 = arith.index_cast %add3A_760 : i32 to index
          %get3A_790 = arith.constant 32 : index
          %get3A_791 = tpu.vector_load %arg11[%get3A_789, %get3A_790] {strides = array<i32>} : memref<400x64xi32, #tpu.memory_space<vmem>>, vector<16xi32>,
          %bitcast3A_792 = vector.bitcast %get3A_791 : vector<16xi32> to vector<32xbf16>
          %mul3A_793 = arith.mulf %bitcast3A_788, %bitcast3A_792 : vector<32xbf16>
          %unpack3A_794 = tpu.unpack_subelements %mul3A_793, 0 {pack_format = #tpu.pack_format<interleaved>} : vector<32xbf16> -> vector<16xf32>
          %unpack3A_795 = tpu.unpack_subelements %mul3A_793, 1 {pack_format = #tpu.pack_format<interleaved>} : vector<32xbf16> -> vector<16xf32>
          %add3A_796 = arith.addf %add3A_783, %unpack3A_794 : vector<16xf32>
          %add3A_797 = arith.addf %add3A_784, %unpack3A_795 : vector<16xf32>
          %get3A_798 = arith.index_cast %add3A_760 : i32 to index
          %get3A_799 = arith.constant 48 : index
          %get3A_800 = tpu.vector_load %arg9[%get3A_798, %get3A_799] {strides = array<i32>} : memref<400x64xi32, #tpu.memory_space<vmem>>, vector<16xi32>,
          %bitcast3A_801 = vector.bitcast %get3A_800 : vector<16xi32> to vector<32xbf16>
          %get3A_802 = arith.index_cast %add3A_760 : i32 to index
          %get3A_803 = arith.constant 48 : index
          %get3A_804 = tpu.vector_load %arg11[%get3A_802, %get3A_803] {strides = array<i32>} : memref<400x64xi32, #tpu.memory_space<vmem>>, vector<16xi32>,
          %bitcast3A_805 = vector.bitcast %get3A_804 : vector<16xi32> to vector<32xbf16>
          %mul3A_806 = arith.mulf %bitcast3A_801, %bitcast3A_805 : vector<32xbf16>
          %unpack3A_807 = tpu.unpack_subelements %mul3A_806, 0 {pack_format = #tpu.pack_format<interleaved>} : vector<32xbf16> -> vector<16xf32>
          %unpack3A_808 = tpu.unpack_subelements %mul3A_806, 1 {pack_format = #tpu.pack_format<interleaved>} : vector<32xbf16> -> vector<16xf32>
          %add3A_809 = arith.addf %add3A_796, %unpack3A_807 : vector<16xf32>
          %add3A_810 = arith.addf %add3A_797, %unpack3A_808 : vector<16xf32>
          %add3A_811 = arith.addf %add3A_809, %add3A_810 : vector<16xf32>
          %mul3A_812 = arith.constant 16 : i32
          %mul3A_813 = arith.muli %scan3A_98, %mul3A_812 : i32
          %add3A_814 = arith.constant 13 : i32
          %add3A_815 = arith.addi %mul3A_813, %add3A_814 : i32
          %get3A_816 = arith.index_cast %add3A_815 : i32 to index
          %get3A_817 = arith.constant 0 : index
          %get3A_818 = tpu.vector_load %arg9[%get3A_816, %get3A_817] {strides = array<i32>} : memref<400x64xi32, #tpu.memory_space<vmem>>, vector<16xi32>,
          %bitcast3A_819 = vector.bitcast %get3A_818 : vector<16xi32> to vector<32xbf16>
          %get3A_820 = arith.index_cast %add3A_815 : i32 to index
          %get3A_821 = arith.constant 0 : index
          %get3A_822 = tpu.vector_load %arg11[%get3A_820, %get3A_821] {strides = array<i32>} : memref<400x64xi32, #tpu.memory_space<vmem>>, vector<16xi32>,
          %bitcast3A_823 = vector.bitcast %get3A_822 : vector<16xi32> to vector<32xbf16>
          %mul3A_824 = arith.mulf %bitcast3A_819, %bitcast3A_823 : vector<32xbf16>
          %unpack3A_825 = tpu.unpack_subelements %mul3A_824, 0 {pack_format = #tpu.pack_format<interleaved>} : vector<32xbf16> -> vector<16xf32>
          %unpack3A_826 = tpu.unpack_subelements %mul3A_824, 1 {pack_format = #tpu.pack_format<interleaved>} : vector<32xbf16> -> vector<16xf32>
          %get3A_827 = arith.index_cast %add3A_815 : i32 to index
          %get3A_828 = arith.constant 16 : index
          %get3A_829 = tpu.vector_load %arg9[%get3A_827, %get3A_828] {strides = array<i32>} : memref<400x64xi32, #tpu.memory_space<vmem>>, vector<16xi32>,
          %bitcast3A_830 = vector.bitcast %get3A_829 : vector<16xi32> to vector<32xbf16>
          %get3A_831 = arith.index_cast %add3A_815 : i32 to index
          %get3A_832 = arith.constant 16 : index
          %get3A_833 = tpu.vector_load %arg11[%get3A_831, %get3A_832] {strides = array<i32>} : memref<400x64xi32, #tpu.memory_space<vmem>>, vector<16xi32>,
          %bitcast3A_834 = vector.bitcast %get3A_833 : vector<16xi32> to vector<32xbf16>
          %mul3A_835 = arith.mulf %bitcast3A_830, %bitcast3A_834 : vector<32xbf16>
          %unpack3A_836 = tpu.unpack_subelements %mul3A_835, 0 {pack_format = #tpu.pack_format<interleaved>} : vector<32xbf16> -> vector<16xf32>
          %unpack3A_837 = tpu.unpack_subelements %mul3A_835, 1 {pack_format = #tpu.pack_format<interleaved>} : vector<32xbf16> -> vector<16xf32>
          %add3A_838 = arith.addf %unpack3A_825, %unpack3A_836 : vector<16xf32>
          %add3A_839 = arith.addf %unpack3A_826, %unpack3A_837 : vector<16xf32>
          %get3A_840 = arith.index_cast %add3A_815 : i32 to index
          %get3A_841 = arith.constant 32 : index
          %get3A_842 = tpu.vector_load %arg9[%get3A_840, %get3A_841] {strides = array<i32>} : memref<400x64xi32, #tpu.memory_space<vmem>>, vector<16xi32>,
          %bitcast3A_843 = vector.bitcast %get3A_842 : vector<16xi32> to vector<32xbf16>
          %get3A_844 = arith.index_cast %add3A_815 : i32 to index
          %get3A_845 = arith.constant 32 : index
          %get3A_846 = tpu.vector_load %arg11[%get3A_844, %get3A_845] {strides = array<i32>} : memref<400x64xi32, #tpu.memory_space<vmem>>, vector<16xi32>,
          %bitcast3A_847 = vector.bitcast %get3A_846 : vector<16xi32> to vector<32xbf16>
          %mul3A_848 = arith.mulf %bitcast3A_843, %bitcast3A_847 : vector<32xbf16>
          %unpack3A_849 = tpu.unpack_subelements %mul3A_848, 0 {pack_format = #tpu.pack_format<interleaved>} : vector<32xbf16> -> vector<16xf32>
          %unpack3A_850 = tpu.unpack_subelements %mul3A_848, 1 {pack_format = #tpu.pack_format<interleaved>} : vector<32xbf16> -> vector<16xf32>
          %add3A_851 = arith.addf %add3A_838, %unpack3A_849 : vector<16xf32>
          %add3A_852 = arith.addf %add3A_839, %unpack3A_850 : vector<16xf32>
          %get3A_853 = arith.index_cast %add3A_815 : i32 to index
          %get3A_854 = arith.constant 48 : index
          %get3A_855 = tpu.vector_load %arg9[%get3A_853, %get3A_854] {strides = array<i32>} : memref<400x64xi32, #tpu.memory_space<vmem>>, vector<16xi32>,
          %bitcast3A_856 = vector.bitcast %get3A_855 : vector<16xi32> to vector<32xbf16>
          %get3A_857 = arith.index_cast %add3A_815 : i32 to index
          %get3A_858 = arith.constant 48 : index
          %get3A_859 = tpu.vector_load %arg11[%get3A_857, %get3A_858] {strides = array<i32>} : memref<400x64xi32, #tpu.memory_space<vmem>>, vector<16xi32>,
          %bitcast3A_860 = vector.bitcast %get3A_859 : vector<16xi32> to vector<32xbf16>
          %mul3A_861 = arith.mulf %bitcast3A_856, %bitcast3A_860 : vector<32xbf16>
          %unpack3A_862 = tpu.unpack_subelements %mul3A_861, 0 {pack_format = #tpu.pack_format<interleaved>} : vector<32xbf16> -> vector<16xf32>
          %unpack3A_863 = tpu.unpack_subelements %mul3A_861, 1 {pack_format = #tpu.pack_format<interleaved>} : vector<32xbf16> -> vector<16xf32>
          %add3A_864 = arith.addf %add3A_851, %unpack3A_862 : vector<16xf32>
          %add3A_865 = arith.addf %add3A_852, %unpack3A_863 : vector<16xf32>
          %add3A_866 = arith.addf %add3A_864, %add3A_865 : vector<16xf32>
          %mul3A_867 = arith.constant 16 : i32
          %mul3A_868 = arith.muli %scan3A_98, %mul3A_867 : i32
          %add3A_869 = arith.constant 14 : i32
          %add3A_870 = arith.addi %mul3A_868, %add3A_869 : i32
          %get3A_871 = arith.index_cast %add3A_870 : i32 to index
          %get3A_872 = arith.constant 0 : index
          %get3A_873 = tpu.vector_load %arg9[%get3A_871, %get3A_872] {strides = array<i32>} : memref<400x64xi32, #tpu.memory_space<vmem>>, vector<16xi32>,
          %bitcast3A_874 = vector.bitcast %get3A_873 : vector<16xi32> to vector<32xbf16>
          %get3A_875 = arith.index_cast %add3A_870 : i32 to index
          %get3A_876 = arith.constant 0 : index
          %get3A_877 = tpu.vector_load %arg11[%get3A_875, %get3A_876] {strides = array<i32>} : memref<400x64xi32, #tpu.memory_space<vmem>>, vector<16xi32>,
          %bitcast3A_878 = vector.bitcast %get3A_877 : vector<16xi32> to vector<32xbf16>
          %mul3A_879 = arith.mulf %bitcast3A_874, %bitcast3A_878 : vector<32xbf16>
          %unpack3A_880 = tpu.unpack_subelements %mul3A_879, 0 {pack_format = #tpu.pack_format<interleaved>} : vector<32xbf16> -> vector<16xf32>
          %unpack3A_881 = tpu.unpack_subelements %mul3A_879, 1 {pack_format = #tpu.pack_format<interleaved>} : vector<32xbf16> -> vector<16xf32>
          %get3A_882 = arith.index_cast %add3A_870 : i32 to index
          %get3A_883 = arith.constant 16 : index
          %get3A_884 = tpu.vector_load %arg9[%get3A_882, %get3A_883] {strides = array<i32>} : memref<400x64xi32, #tpu.memory_space<vmem>>, vector<16xi32>,
          %bitcast3A_885 = vector.bitcast %get3A_884 : vector<16xi32> to vector<32xbf16>
          %get3A_886 = arith.index_cast %add3A_870 : i32 to index
          %get3A_887 = arith.constant 16 : index
          %get3A_888 = tpu.vector_load %arg11[%get3A_886, %get3A_887] {strides = array<i32>} : memref<400x64xi32, #tpu.memory_space<vmem>>, vector<16xi32>,
          %bitcast3A_889 = vector.bitcast %get3A_888 : vector<16xi32> to vector<32xbf16>
          %mul3A_890 = arith.mulf %bitcast3A_885, %bitcast3A_889 : vector<32xbf16>
          %unpack3A_891 = tpu.unpack_subelements %mul3A_890, 0 {pack_format = #tpu.pack_format<interleaved>} : vector<32xbf16> -> vector<16xf32>
          %unpack3A_892 = tpu.unpack_subelements %mul3A_890, 1 {pack_format = #tpu.pack_format<interleaved>} : vector<32xbf16> -> vector<16xf32>
          %add3A_893 = arith.addf %unpack3A_880, %unpack3A_891 : vector<16xf32>
          %add3A_894 = arith.addf %unpack3A_881, %unpack3A_892 : vector<16xf32>
          %get3A_895 = arith.index_cast %add3A_870 : i32 to index
          %get3A_896 = arith.constant 32 : index
          %get3A_897 = tpu.vector_load %arg9[%get3A_895, %get3A_896] {strides = array<i32>} : memref<400x64xi32, #tpu.memory_space<vmem>>, vector<16xi32>,
          %bitcast3A_898 = vector.bitcast %get3A_897 : vector<16xi32> to vector<32xbf16>
          %get3A_899 = arith.index_cast %add3A_870 : i32 to index
          %get3A_900 = arith.constant 32 : index
          %get3A_901 = tpu.vector_load %arg11[%get3A_899, %get3A_900] {strides = array<i32>} : memref<400x64xi32, #tpu.memory_space<vmem>>, vector<16xi32>,
          %bitcast3A_902 = vector.bitcast %get3A_901 : vector<16xi32> to vector<32xbf16>
          %mul3A_903 = arith.mulf %bitcast3A_898, %bitcast3A_902 : vector<32xbf16>
          %unpack3A_904 = tpu.unpack_subelements %mul3A_903, 0 {pack_format = #tpu.pack_format<interleaved>} : vector<32xbf16> -> vector<16xf32>
          %unpack3A_905 = tpu.unpack_subelements %mul3A_903, 1 {pack_format = #tpu.pack_format<interleaved>} : vector<32xbf16> -> vector<16xf32>
          %add3A_906 = arith.addf %add3A_893, %unpack3A_904 : vector<16xf32>
          %add3A_907 = arith.addf %add3A_894, %unpack3A_905 : vector<16xf32>
          %get3A_908 = arith.index_cast %add3A_870 : i32 to index
          %get3A_909 = arith.constant 48 : index
          %get3A_910 = tpu.vector_load %arg9[%get3A_908, %get3A_909] {strides = array<i32>} : memref<400x64xi32, #tpu.memory_space<vmem>>, vector<16xi32>,
          %bitcast3A_911 = vector.bitcast %get3A_910 : vector<16xi32> to vector<32xbf16>
          %get3A_912 = arith.index_cast %add3A_870 : i32 to index
          %get3A_913 = arith.constant 48 : index
          %get3A_914 = tpu.vector_load %arg11[%get3A_912, %get3A_913] {strides = array<i32>} : memref<400x64xi32, #tpu.memory_space<vmem>>, vector<16xi32>,
          %bitcast3A_915 = vector.bitcast %get3A_914 : vector<16xi32> to vector<32xbf16>
          %mul3A_916 = arith.mulf %bitcast3A_911, %bitcast3A_915 : vector<32xbf16>
          %unpack3A_917 = tpu.unpack_subelements %mul3A_916, 0 {pack_format = #tpu.pack_format<interleaved>} : vector<32xbf16> -> vector<16xf32>
          %unpack3A_918 = tpu.unpack_subelements %mul3A_916, 1 {pack_format = #tpu.pack_format<interleaved>} : vector<32xbf16> -> vector<16xf32>
          %add3A_919 = arith.addf %add3A_906, %unpack3A_917 : vector<16xf32>
          %add3A_920 = arith.addf %add3A_907, %unpack3A_918 : vector<16xf32>
          %add3A_921 = arith.addf %add3A_919, %add3A_920 : vector<16xf32>
          %mul3A_922 = arith.constant 16 : i32
          %mul3A_923 = arith.muli %scan3A_98, %mul3A_922 : i32
          %add3A_924 = arith.constant 15 : i32
          %add3A_925 = arith.addi %mul3A_923, %add3A_924 : i32
          %get3A_926 = arith.index_cast %add3A_925 : i32 to index
          %get3A_927 = arith.constant 0 : index
          %get3A_928 = tpu.vector_load %arg9[%get3A_926, %get3A_927] {strides = array<i32>} : memref<400x64xi32, #tpu.memory_space<vmem>>, vector<16xi32>,
          %bitcast3A_929 = vector.bitcast %get3A_928 : vector<16xi32> to vector<32xbf16>
          %get3A_930 = arith.index_cast %add3A_925 : i32 to index
          %get3A_931 = arith.constant 0 : index
          %get3A_932 = tpu.vector_load %arg11[%get3A_930, %get3A_931] {strides = array<i32>} : memref<400x64xi32, #tpu.memory_space<vmem>>, vector<16xi32>,
          %bitcast3A_933 = vector.bitcast %get3A_932 : vector<16xi32> to vector<32xbf16>
          %mul3A_934 = arith.mulf %bitcast3A_929, %bitcast3A_933 : vector<32xbf16>
          %unpack3A_935 = tpu.unpack_subelements %mul3A_934, 0 {pack_format = #tpu.pack_format<interleaved>} : vector<32xbf16> -> vector<16xf32>
          %unpack3A_936 = tpu.unpack_subelements %mul3A_934, 1 {pack_format = #tpu.pack_format<interleaved>} : vector<32xbf16> -> vector<16xf32>
          %get3A_937 = arith.index_cast %add3A_925 : i32 to index
          %get3A_938 = arith.constant 16 : index
          %get3A_939 = tpu.vector_load %arg9[%get3A_937, %get3A_938] {strides = array<i32>} : memref<400x64xi32, #tpu.memory_space<vmem>>, vector<16xi32>,
          %bitcast3A_940 = vector.bitcast %get3A_939 : vector<16xi32> to vector<32xbf16>
          %get3A_941 = arith.index_cast %add3A_925 : i32 to index
          %get3A_942 = arith.constant 16 : index
          %get3A_943 = tpu.vector_load %arg11[%get3A_941, %get3A_942] {strides = array<i32>} : memref<400x64xi32, #tpu.memory_space<vmem>>, vector<16xi32>,
          %bitcast3A_944 = vector.bitcast %get3A_943 : vector<16xi32> to vector<32xbf16>
          %mul3A_945 = arith.mulf %bitcast3A_940, %bitcast3A_944 : vector<32xbf16>
          %unpack3A_946 = tpu.unpack_subelements %mul3A_945, 0 {pack_format = #tpu.pack_format<interleaved>} : vector<32xbf16> -> vector<16xf32>
          %unpack3A_947 = tpu.unpack_subelements %mul3A_945, 1 {pack_format = #tpu.pack_format<interleaved>} : vector<32xbf16> -> vector<16xf32>
          %add3A_948 = arith.addf %unpack3A_935, %unpack3A_946 : vector<16xf32>
          %add3A_949 = arith.addf %unpack3A_936, %unpack3A_947 : vector<16xf32>
          %get3A_950 = arith.index_cast %add3A_925 : i32 to index
          %get3A_951 = arith.constant 32 : index
          %get3A_952 = tpu.vector_load %arg9[%get3A_950, %get3A_951] {strides = array<i32>} : memref<400x64xi32, #tpu.memory_space<vmem>>, vector<16xi32>,
          %bitcast3A_953 = vector.bitcast %get3A_952 : vector<16xi32> to vector<32xbf16>
          %get3A_954 = arith.index_cast %add3A_925 : i32 to index
          %get3A_955 = arith.constant 32 : index
          %get3A_956 = tpu.vector_load %arg11[%get3A_954, %get3A_955] {strides = array<i32>} : memref<400x64xi32, #tpu.memory_space<vmem>>, vector<16xi32>,
          %bitcast3A_957 = vector.bitcast %get3A_956 : vector<16xi32> to vector<32xbf16>
          %mul3A_958 = arith.mulf %bitcast3A_953, %bitcast3A_957 : vector<32xbf16>
          %unpack3A_959 = tpu.unpack_subelements %mul3A_958, 0 {pack_format = #tpu.pack_format<interleaved>} : vector<32xbf16> -> vector<16xf32>
          %unpack3A_960 = tpu.unpack_subelements %mul3A_958, 1 {pack_format = #tpu.pack_format<interleaved>} : vector<32xbf16> -> vector<16xf32>
          %add3A_961 = arith.addf %add3A_948, %unpack3A_959 : vector<16xf32>
          %add3A_962 = arith.addf %add3A_949, %unpack3A_960 : vector<16xf32>
          %get3A_963 = arith.index_cast %add3A_925 : i32 to index
          %get3A_964 = arith.constant 48 : index
          %get3A_965 = tpu.vector_load %arg9[%get3A_963, %get3A_964] {strides = array<i32>} : memref<400x64xi32, #tpu.memory_space<vmem>>, vector<16xi32>,
          %bitcast3A_966 = vector.bitcast %get3A_965 : vector<16xi32> to vector<32xbf16>
          %get3A_967 = arith.index_cast %add3A_925 : i32 to index
          %get3A_968 = arith.constant 48 : index
          %get3A_969 = tpu.vector_load %arg11[%get3A_967, %get3A_968] {strides = array<i32>} : memref<400x64xi32, #tpu.memory_space<vmem>>, vector<16xi32>,
          %bitcast3A_970 = vector.bitcast %get3A_969 : vector<16xi32> to vector<32xbf16>
          %mul3A_971 = arith.mulf %bitcast3A_966, %bitcast3A_970 : vector<32xbf16>
          %unpack3A_972 = tpu.unpack_subelements %mul3A_971, 0 {pack_format = #tpu.pack_format<interleaved>} : vector<32xbf16> -> vector<16xf32>
          %unpack3A_973 = tpu.unpack_subelements %mul3A_971, 1 {pack_format = #tpu.pack_format<interleaved>} : vector<32xbf16> -> vector<16xf32>
          %add3A_974 = arith.addf %add3A_961, %unpack3A_972 : vector<16xf32>
          %add3A_975 = arith.addf %add3A_962, %unpack3A_973 : vector<16xf32>
          %add3A_976 = arith.addf %add3A_974, %add3A_975 : vector<16xf32>
          %swap3A = arith.constant 0 : index
          %swap3A_977 = tpu.vector_load %arg12[%swap3A] {strides = array<i32>} : memref<256xf32, #tpu.memory_space<vmem>>, vector<16xf32>,
          tpu.vector_store %arg12[%swap3A], %add3A_151 {strides = array<i32>} : memref<256xf32, #tpu.memory_space<vmem>>, vector<16xf32>,
          %swap3A_978 = arith.constant 16 : index
          %swap3A_979 = tpu.vector_load %arg12[%swap3A_978] {strides = array<i32>} : memref<256xf32, #tpu.memory_space<vmem>>, vector<16xf32>,
          tpu.vector_store %arg12[%swap3A_978], %add3A_206 {strides = array<i32>} : memref<256xf32, #tpu.memory_space<vmem>>, vector<16xf32>,
          %swap3A_980 = arith.constant 32 : index
          %swap3A_981 = tpu.vector_load %arg12[%swap3A_980] {strides = array<i32>} : memref<256xf32, #tpu.memory_space<vmem>>, vector<16xf32>,
          tpu.vector_store %arg12[%swap3A_980], %add3A_261 {strides = array<i32>} : memref<256xf32, #tpu.memory_space<vmem>>, vector<16xf32>,
          %swap3A_982 = arith.constant 48 : index
          %swap3A_983 = tpu.vector_load %arg12[%swap3A_982] {strides = array<i32>} : memref<256xf32, #tpu.memory_space<vmem>>, vector<16xf32>,
          tpu.vector_store %arg12[%swap3A_982], %add3A_316 {strides = array<i32>} : memref<256xf32, #tpu.memory_space<vmem>>, vector<16xf32>,
          %swap3A_984 = arith.constant 64 : index
          %swap3A_985 = tpu.vector_load %arg12[%swap3A_984] {strides = array<i32>} : memref<256xf32, #tpu.memory_space<vmem>>, vector<16xf32>,
          tpu.vector_store %arg12[%swap3A_984], %add3A_371 {strides = array<i32>} : memref<256xf32, #tpu.memory_space<vmem>>, vector<16xf32>,
          %swap3A_986 = arith.constant 80 : index
          %swap3A_987 = tpu.vector_load %arg12[%swap3A_986] {strides = array<i32>} : memref<256xf32, #tpu.memory_space<vmem>>, vector<16xf32>,
          tpu.vector_store %arg12[%swap3A_986], %add3A_426 {strides = array<i32>} : memref<256xf32, #tpu.memory_space<vmem>>, vector<16xf32>,
          %swap3A_988 = arith.constant 96 : index
          %swap3A_989 = tpu.vector_load %arg12[%swap3A_988] {strides = array<i32>} : memref<256xf32, #tpu.memory_space<vmem>>, vector<16xf32>,
          tpu.vector_store %arg12[%swap3A_988], %add3A_481 {strides = array<i32>} : memref<256xf32, #tpu.memory_space<vmem>>, vector<16xf32>,
          %swap3A_990 = arith.constant 112 : index
          %swap3A_991 = tpu.vector_load %arg12[%swap3A_990] {strides = array<i32>} : memref<256xf32, #tpu.memory_space<vmem>>, vector<16xf32>,
          tpu.vector_store %arg12[%swap3A_990], %add3A_536 {strides = array<i32>} : memref<256xf32, #tpu.memory_space<vmem>>, vector<16xf32>,
          %swap3A_992 = arith.constant 128 : index
          %swap3A_993 = tpu.vector_load %arg12[%swap3A_992] {strides = array<i32>} : memref<256xf32, #tpu.memory_space<vmem>>, vector<16xf32>,
          tpu.vector_store %arg12[%swap3A_992], %add3A_591 {strides = array<i32>} : memref<256xf32, #tpu.memory_space<vmem>>, vector<16xf32>,
          %swap3A_994 = arith.constant 144 : index
          %swap3A_995 = tpu.vector_load %arg12[%swap3A_994] {strides = array<i32>} : memref<256xf32, #tpu.memory_space<vmem>>, vector<16xf32>,
          tpu.vector_store %arg12[%swap3A_994], %add3A_646 {strides = array<i32>} : memref<256xf32, #tpu.memory_space<vmem>>, vector<16xf32>,
          %swap3A_996 = arith.constant 160 : index
          %swap3A_997 = tpu.vector_load %arg12[%swap3A_996] {strides = array<i32>} : memref<256xf32, #tpu.memory_space<vmem>>, vector<16xf32>,
          tpu.vector_store %arg12[%swap3A_996], %add3A_701 {strides = array<i32>} : memref<256xf32, #tpu.memory_space<vmem>>, vector<16xf32>,
          %swap3A_998 = arith.constant 176 : index
          %swap3A_999 = tpu.vector_load %arg12[%swap3A_998] {strides = array<i32>} : memref<256xf32, #tpu.memory_space<vmem>>, vector<16xf32>,
          tpu.vector_store %arg12[%swap3A_998], %add3A_756 {strides = array<i32>} : memref<256xf32, #tpu.memory_space<vmem>>, vector<16xf32>,
          %swap3A_1000 = arith.constant 192 : index
          %swap3A_1001 = tpu.vector_load %arg12[%swap3A_1000] {strides = array<i32>} : memref<256xf32, #tpu.memory_space<vmem>>, vector<16xf32>,
          tpu.vector_store %arg12[%swap3A_1000], %add3A_811 {strides = array<i32>} : memref<256xf32, #tpu.memory_space<vmem>>, vector<16xf32>,
          %swap3A_1002 = arith.constant 208 : index
          %swap3A_1003 = tpu.vector_load %arg12[%swap3A_1002] {strides = array<i32>} : memref<256xf32, #tpu.memory_space<vmem>>, vector<16xf32>,
          tpu.vector_store %arg12[%swap3A_1002], %add3A_866 {strides = array<i32>} : memref<256xf32, #tpu.memory_space<vmem>>, vector<16xf32>,
          %swap3A_1004 = arith.constant 224 : index
          %swap3A_1005 = tpu.vector_load %arg12[%swap3A_1004] {strides = array<i32>} : memref<256xf32, #tpu.memory_space<vmem>>, vector<16xf32>,
          tpu.vector_store %arg12[%swap3A_1004], %add3A_921 {strides = array<i32>} : memref<256xf32, #tpu.memory_space<vmem>>, vector<16xf32>,
          %swap3A_1006 = arith.constant 240 : index
          %swap3A_1007 = tpu.vector_load %arg12[%swap3A_1006] {strides = array<i32>} : memref<256xf32, #tpu.memory_space<vmem>>, vector<16xf32>,
          tpu.vector_store %arg12[%swap3A_1006], %add3A_976 {strides = array<i32>} : memref<256xf32, #tpu.memory_space<vmem>>, vector<16xf32>,
          %mul3A_1008 = arith.constant 16 : i32
          %mul3A_1009 = vector.broadcast %mul3A_1008 : i32 to vector<16xi32>
          %mul3A_1010 = arith.muli %iota3A, %mul3A_1009 : vector<16xi32>
          %gather3A = tpu.vector_load_idx %arg12[%mul3A_1010] : memref<256xf32, #tpu.memory_space<vmem>>[vector<16xi32>], vector<16xf32>,
          %mul3A_1011 = arith.constant 16 : i32
          %mul3A_1012 = vector.broadcast %mul3A_1011 : i32 to vector<16xi32>
          %mul3A_1013 = arith.muli %iota3A, %mul3A_1012 : vector<16xi32>
          %add3A_1014 = arith.constant 1 : i32
          %add3A_1015 = vector.broadcast %add3A_1014 : i32 to vector<16xi32>
          %add3A_1016 = arith.addi %mul3A_1013, %add3A_1015 : vector<16xi32>
          %gather3A_1017 = tpu.vector_load_idx %arg12[%add3A_1016] : memref<256xf32, #tpu.memory_space<vmem>>[vector<16xi32>], vector<16xf32>,
          %add3A_1018 = arith.addf %gather3A, %gather3A_1017 : vector<16xf32>
          %mul3A_1019 = arith.constant 16 : i32
          %mul3A_1020 = vector.broadcast %mul3A_1019 : i32 to vector<16xi32>
          %mul3A_1021 = arith.muli %iota3A, %mul3A_1020 : vector<16xi32>
          %add3A_1022 = arith.constant 2 : i32
          %add3A_1023 = vector.broadcast %add3A_1022 : i32 to vector<16xi32>
          %add3A_1024 = arith.addi %mul3A_1021, %add3A_1023 : vector<16xi32>
          %gather3A_1025 = tpu.vector_load_idx %arg12[%add3A_1024] : memref<256xf32, #tpu.memory_space<vmem>>[vector<16xi32>], vector<16xf32>,
          %add3A_1026 = arith.addf %add3A_1018, %gather3A_1025 : vector<16xf32>
          %mul3A_1027 = arith.constant 16 : i32
          %mul3A_1028 = vector.broadcast %mul3A_1027 : i32 to vector<16xi32>
          %mul3A_1029 = arith.muli %iota3A, %mul3A_1028 : vector<16xi32>
          %add3A_1030 = arith.constant 3 : i32
          %add3A_1031 = vector.broadcast %add3A_1030 : i32 to vector<16xi32>
          %add3A_1032 = arith.addi %mul3A_1029, %add3A_1031 : vector<16xi32>
          %gather3A_1033 = tpu.vector_load_idx %arg12[%add3A_1032] : memref<256xf32, #tpu.memory_space<vmem>>[vector<16xi32>], vector<16xf32>,
          %add3A_1034 = arith.addf %add3A_1026, %gather3A_1033 : vector<16xf32>
          %mul3A_1035 = arith.constant 16 : i32
          %mul3A_1036 = vector.broadcast %mul3A_1035 : i32 to vector<16xi32>
          %mul3A_1037 = arith.muli %iota3A, %mul3A_1036 : vector<16xi32>
          %add3A_1038 = arith.constant 4 : i32
          %add3A_1039 = vector.broadcast %add3A_1038 : i32 to vector<16xi32>
          %add3A_1040 = arith.addi %mul3A_1037, %add3A_1039 : vector<16xi32>
          %gather3A_1041 = tpu.vector_load_idx %arg12[%add3A_1040] : memref<256xf32, #tpu.memory_space<vmem>>[vector<16xi32>], vector<16xf32>,
          %add3A_1042 = arith.addf %add3A_1034, %gather3A_1041 : vector<16xf32>
          %mul3A_1043 = arith.constant 16 : i32
          %mul3A_1044 = vector.broadcast %mul3A_1043 : i32 to vector<16xi32>
          %mul3A_1045 = arith.muli %iota3A, %mul3A_1044 : vector<16xi32>
          %add3A_1046 = arith.constant 5 : i32
          %add3A_1047 = vector.broadcast %add3A_1046 : i32 to vector<16xi32>
          %add3A_1048 = arith.addi %mul3A_1045, %add3A_1047 : vector<16xi32>
          %gather3A_1049 = tpu.vector_load_idx %arg12[%add3A_1048] : memref<256xf32, #tpu.memory_space<vmem>>[vector<16xi32>], vector<16xf32>,
          %add3A_1050 = arith.addf %add3A_1042, %gather3A_1049 : vector<16xf32>
          %mul3A_1051 = arith.constant 16 : i32
          %mul3A_1052 = vector.broadcast %mul3A_1051 : i32 to vector<16xi32>
          %mul3A_1053 = arith.muli %iota3A, %mul3A_1052 : vector<16xi32>
          %add3A_1054 = arith.constant 6 : i32
          %add3A_1055 = vector.broadcast %add3A_1054 : i32 to vector<16xi32>
          %add3A_1056 = arith.addi %mul3A_1053, %add3A_1055 : vector<16xi32>
          %gather3A_1057 = tpu.vector_load_idx %arg12[%add3A_1056] : memref<256xf32, #tpu.memory_space<vmem>>[vector<16xi32>], vector<16xf32>,
          %add3A_1058 = arith.addf %add3A_1050, %gather3A_1057 : vector<16xf32>
          %mul3A_1059 = arith.constant 16 : i32
          %mul3A_1060 = vector.broadcast %mul3A_1059 : i32 to vector<16xi32>
          %mul3A_1061 = arith.muli %iota3A, %mul3A_1060 : vector<16xi32>
          %add3A_1062 = arith.constant 7 : i32
          %add3A_1063 = vector.broadcast %add3A_1062 : i32 to vector<16xi32>
          %add3A_1064 = arith.addi %mul3A_1061, %add3A_1063 : vector<16xi32>
          %gather3A_1065 = tpu.vector_load_idx %arg12[%add3A_1064] : memref<256xf32, #tpu.memory_space<vmem>>[vector<16xi32>], vector<16xf32>,
          %add3A_1066 = arith.addf %add3A_1058, %gather3A_1065 : vector<16xf32>
          %mul3A_1067 = arith.constant 16 : i32
          %mul3A_1068 = vector.broadcast %mul3A_1067 : i32 to vector<16xi32>
          %mul3A_1069 = arith.muli %iota3A, %mul3A_1068 : vector<16xi32>
          %add3A_1070 = arith.constant 8 : i32
          %add3A_1071 = vector.broadcast %add3A_1070 : i32 to vector<16xi32>
          %add3A_1072 = arith.addi %mul3A_1069, %add3A_1071 : vector<16xi32>
          %gather3A_1073 = tpu.vector_load_idx %arg12[%add3A_1072] : memref<256xf32, #tpu.memory_space<vmem>>[vector<16xi32>], vector<16xf32>,
          %add3A_1074 = arith.addf %add3A_1066, %gather3A_1073 : vector<16xf32>
          %mul3A_1075 = arith.constant 16 : i32
          %mul3A_1076 = vector.broadcast %mul3A_1075 : i32 to vector<16xi32>
          %mul3A_1077 = arith.muli %iota3A, %mul3A_1076 : vector<16xi32>
          %add3A_1078 = arith.constant 9 : i32
          %add3A_1079 = vector.broadcast %add3A_1078 : i32 to vector<16xi32>
          %add3A_1080 = arith.addi %mul3A_1077, %add3A_1079 : vector<16xi32>
          %gather3A_1081 = tpu.vector_load_idx %arg12[%add3A_1080] : memref<256xf32, #tpu.memory_space<vmem>>[vector<16xi32>], vector<16xf32>,
          %add3A_1082 = arith.addf %add3A_1074, %gather3A_1081 : vector<16xf32>
          %mul3A_1083 = arith.constant 16 : i32
          %mul3A_1084 = vector.broadcast %mul3A_1083 : i32 to vector<16xi32>
          %mul3A_1085 = arith.muli %iota3A, %mul3A_1084 : vector<16xi32>
          %add3A_1086 = arith.constant 10 : i32
          %add3A_1087 = vector.broadcast %add3A_1086 : i32 to vector<16xi32>
          %add3A_1088 = arith.addi %mul3A_1085, %add3A_1087 : vector<16xi32>
          %gather3A_1089 = tpu.vector_load_idx %arg12[%add3A_1088] : memref<256xf32, #tpu.memory_space<vmem>>[vector<16xi32>], vector<16xf32>,
          %add3A_1090 = arith.addf %add3A_1082, %gather3A_1089 : vector<16xf32>
          %mul3A_1091 = arith.constant 16 : i32
          %mul3A_1092 = vector.broadcast %mul3A_1091 : i32 to vector<16xi32>
          %mul3A_1093 = arith.muli %iota3A, %mul3A_1092 : vector<16xi32>
          %add3A_1094 = arith.constant 11 : i32
          %add3A_1095 = vector.broadcast %add3A_1094 : i32 to vector<16xi32>
          %add3A_1096 = arith.addi %mul3A_1093, %add3A_1095 : vector<16xi32>
          %gather3A_1097 = tpu.vector_load_idx %arg12[%add3A_1096] : memref<256xf32, #tpu.memory_space<vmem>>[vector<16xi32>], vector<16xf32>,
          %add3A_1098 = arith.addf %add3A_1090, %gather3A_1097 : vector<16xf32>
          %mul3A_1099 = arith.constant 16 : i32
          %mul3A_1100 = vector.broadcast %mul3A_1099 : i32 to vector<16xi32>
          %mul3A_1101 = arith.muli %iota3A, %mul3A_1100 : vector<16xi32>
          %add3A_1102 = arith.constant 12 : i32
          %add3A_1103 = vector.broadcast %add3A_1102 : i32 to vector<16xi32>
          %add3A_1104 = arith.addi %mul3A_1101, %add3A_1103 : vector<16xi32>
          %gather3A_1105 = tpu.vector_load_idx %arg12[%add3A_1104] : memref<256xf32, #tpu.memory_space<vmem>>[vector<16xi32>], vector<16xf32>,
          %add3A_1106 = arith.addf %add3A_1098, %gather3A_1105 : vector<16xf32>
          %mul3A_1107 = arith.constant 16 : i32
          %mul3A_1108 = vector.broadcast %mul3A_1107 : i32 to vector<16xi32>
          %mul3A_1109 = arith.muli %iota3A, %mul3A_1108 : vector<16xi32>
          %add3A_1110 = arith.constant 13 : i32
          %add3A_1111 = vector.broadcast %add3A_1110 : i32 to vector<16xi32>
          %add3A_1112 = arith.addi %mul3A_1109, %add3A_1111 : vector<16xi32>
          %gather3A_1113 = tpu.vector_load_idx %arg12[%add3A_1112] : memref<256xf32, #tpu.memory_space<vmem>>[vector<16xi32>], vector<16xf32>,
          %add3A_1114 = arith.addf %add3A_1106, %gather3A_1113 : vector<16xf32>
          %mul3A_1115 = arith.constant 16 : i32
          %mul3A_1116 = vector.broadcast %mul3A_1115 : i32 to vector<16xi32>
          %mul3A_1117 = arith.muli %iota3A, %mul3A_1116 : vector<16xi32>
          %add3A_1118 = arith.constant 14 : i32
          %add3A_1119 = vector.broadcast %add3A_1118 : i32 to vector<16xi32>
          %add3A_1120 = arith.addi %mul3A_1117, %add3A_1119 : vector<16xi32>
          %gather3A_1121 = tpu.vector_load_idx %arg12[%add3A_1120] : memref<256xf32, #tpu.memory_space<vmem>>[vector<16xi32>], vector<16xf32>,
          %add3A_1122 = arith.addf %add3A_1114, %gather3A_1121 : vector<16xf32>
          %mul3A_1123 = arith.constant 16 : i32
          %mul3A_1124 = vector.broadcast %mul3A_1123 : i32 to vector<16xi32>
          %mul3A_1125 = arith.muli %iota3A, %mul3A_1124 : vector<16xi32>
          %add3A_1126 = arith.constant 15 : i32
          %add3A_1127 = vector.broadcast %add3A_1126 : i32 to vector<16xi32>
          %add3A_1128 = arith.addi %mul3A_1125, %add3A_1127 : vector<16xi32>
          %gather3A_1129 = tpu.vector_load_idx %arg12[%add3A_1128] : memref<256xf32, #tpu.memory_space<vmem>>[vector<16xi32>], vector<16xf32>,
          %add3A_1130 = arith.addf %add3A_1122, %gather3A_1129 : vector<16xf32>
          %mul3A_1131 = arith.constant 16 : i32
          %mul3A_1132 = arith.muli %scan3A_98, %mul3A_1131 : i32
          %swap3A_1133 = arith.index_cast %mul3A_1132 : i32 to index
          %swap3A_1134 = tpu.vector_load %arg14[%swap3A_1133] {strides = array<i32>} : memref<400xf32, #tpu.memory_space<vmem>>, vector<16xf32>,
          tpu.vector_store %arg14[%swap3A_1133], %add3A_1130 {strides = array<i32>} : memref<400xf32, #tpu.memory_space<vmem>>, vector<16xf32>,
          %scan3A_1135 = arith.constant 0 : i32
          scf.yield %scan3A_1135 : i32
        }
        %scan3A_82 = arith.constant 25 : i32
        %mul3A_83 = arith.constant 400 : i32
        %mul3A_84 = arith.muli %add3A_53, %mul3A_83 : i32
        %add3A_85 = arith.addi %mul3A_2, %mul3A_84 : i32
        %dma_start3A_86 = arith.constant 0 : i32
        %dma_start3A_87 = tpu.memref_slice %arg5[%dma_start3A_86, %add3A_85] : memref<1x320000xf32, #tpu.memory_space<hbm>> -> memref<1x400xf32, #tpu.memory_space<hbm>>
        %dma_start3A_88 = tpu.memref_squeeze %dma_start3A_87 : memref<1x400xf32, #tpu.memory_space<hbm>> -> memref<400xf32, #tpu.memory_space<hbm>>
        %dma_start3A_89 = tpu.memref_slice %arg5[%dma_start3A_86, %add3A_85] : memref<1x320000xf32, #tpu.memory_space<hbm>> -> memref<1x400xf32, #tpu.memory_space<hbm>>
        %dma_start3A_90 = tpu.memref_squeeze %dma_start3A_89 : memref<1x400xf32, #tpu.memory_space<hbm>> -> memref<400xf32, #tpu.memory_space<hbm>>
        tpu.enqueue_dma source(%arg14 : memref<400xf32, #tpu.memory_space<vmem>>) target(%dma_start3A_90 : memref<400xf32, #tpu.memory_space<hbm>>) target_semaphore(%arg20 : memref<!tpu.dma_semaphore, #tpu.memory_space<semaphore_mem>>)
        %add3A_91 = arith.constant 2 : i32
        %add3A_92 = arith.addi %add3A_53, %add3A_91 : i32
        %lt3A_93 = arith.constant 25 : i32
        %lt3A_94 = arith.cmpi slt, %add3A_92, %lt3A_93 : i32
        %convert_element_type3A_95 = arith.extui %lt3A_94 : i1 to i32
        %cond3A_96 = arith.constant 0 : i32
        %cond3A_97 = arith.cmpi ne, %convert_element_type3A_95, %cond3A_96 : i32
        scf.if %cond3A_97 {
          %add3A_98 = arith.constant 2 : i32
          %add3A_99 = arith.addi %add3A_53, %add3A_98 : i32
          %mul3A_100 = arith.constant 400 : i32
          %mul3A_101 = arith.muli %add3A_99, %mul3A_100 : i32
          %dma_start3A_102 = tpu.memref_slice %arg6[%mul3A_101] : memref<10000xi32, #tpu.memory_space<vmem>> -> memref<400xi32, #tpu.memory_space<vmem>>
          %dma_start3A_103 = arith.constant 0 : i32
          %dma_start3A_104 = arith.constant 0 : i32
          %dma_start3A_105 = tpu.memref_slice %arg2[%dma_start3A_103, %dma_start3A_104] : memref<10000x64xi32, #tpu.memory_space<hbm>> -> memref<10000x64xi32, #tpu.memory_space<hbm>>
          tpu.enqueue_indirect_dma source(%dma_start3A_105 : memref<10000x64xi32, #tpu.memory_space<hbm>>) target(%arg9 : memref<400x64xi32, #tpu.memory_space<vmem>>) offsets(%dma_start3A_102 : memref<400xi32, #tpu.memory_space<vmem>>) semaphore(%arg16 : memref<!tpu.dma_semaphore, #tpu.memory_space<semaphore_mem>>)
          %mul3A_106 = arith.constant 400 : i32
          %mul3A_107 = arith.muli %add3A_99, %mul3A_106 : i32
          %dma_start3A_108 = tpu.memref_slice %arg7[%mul3A_107] : memref<10000xi32, #tpu.memory_space<vmem>> -> memref<400xi32, #tpu.memory_space<vmem>>
          %dma_start3A_109 = arith.constant 0 : i32
          %dma_start3A_110 = arith.constant 0 : i32
          %dma_start3A_111 = tpu.memref_slice %arg3[%dma_start3A_109, %dma_start3A_110] : memref<10000x64xi32, #tpu.memory_space<hbm>> -> memref<10000x64xi32, #tpu.memory_space<hbm>>
          tpu.enqueue_indirect_dma source(%dma_start3A_111 : memref<10000x64xi32, #tpu.memory_space<hbm>>) target(%arg11 : memref<400x64xi32, #tpu.memory_space<vmem>>) offsets(%dma_start3A_108 : memref<400xi32, #tpu.memory_space<vmem>>) semaphore(%arg18 : memref<!tpu.dma_semaphore, #tpu.memory_space<semaphore_mem>>)
        } else {
        }
      } else {
      }
      %scan3A_59 = arith.constant 0 : i32
      scf.yield %scan3A_59 : i32
    }
    %scan3A_28 = arith.constant 13 : i32
    %add3A_29 = arith.constant 9600 : i32
    %add3A_30 = arith.addi %mul3A_2, %add3A_29 : i32
    %dma_wait3A = arith.constant 0 : i32
    %dma_wait3A_31 = tpu.memref_slice %arg5[%dma_wait3A, %add3A_30] : memref<1x320000xf32, #tpu.memory_space<hbm>> -> memref<1x400xf32, #tpu.memory_space<hbm>>
    %dma_wait3A_32 = tpu.memref_squeeze %dma_wait3A_31 : memref<1x400xf32, #tpu.memory_space<hbm>> -> memref<400xf32, #tpu.memory_space<hbm>>
    %dma_wait3A_33 = tpu.memref_slice %arg5[%dma_wait3A, %add3A_30] : memref<1x320000xf32, #tpu.memory_space<hbm>> -> memref<1x400xf32, #tpu.memory_space<hbm>>
    %dma_wait3A_34 = tpu.memref_squeeze %dma_wait3A_33 : memref<1x400xf32, #tpu.memory_space<hbm>> -> memref<400xf32, #tpu.memory_space<hbm>>
    tpu.wait_dma2 semaphore(%arg19 : memref<!tpu.dma_semaphore, #tpu.memory_space<semaphore_mem>>) src(%arg13 : memref<400xf32, #tpu.memory_space<vmem>>) dst(%dma_wait3A_34 : memref<400xf32, #tpu.memory_space<hbm>>)
    %add3A_35 = arith.constant 9200 : i32
    %add3A_36 = arith.addi %mul3A_2, %add3A_35 : i32
    %dma_wait3A_37 = arith.constant 0 : i32
    %dma_wait3A_38 = tpu.memref_slice %arg5[%dma_wait3A_37, %add3A_36] : memref<1x320000xf32, #tpu.memory_space<hbm>> -> memref<1x400xf32, #tpu.memory_space<hbm>>
    %dma_wait3A_39 = tpu.memref_squeeze %dma_wait3A_38 : memref<1x400xf32, #tpu.memory_space<hbm>> -> memref<400xf32, #tpu.memory_space<hbm>>
    %dma_wait3A_40 = tpu.memref_slice %arg5[%dma_wait3A_37, %add3A_36] : memref<1x320000xf32, #tpu.memory_space<hbm>> -> memref<1x400xf32, #tpu.memory_space<hbm>>
    %dma_wait3A_41 = tpu.memref_squeeze %dma_wait3A_40 : memref<1x400xf32, #tpu.memory_space<hbm>> -> memref<400xf32, #tpu.memory_space<hbm>>
    tpu.wait_dma2 semaphore(%arg20 : memref<!tpu.dma_semaphore, #tpu.memory_space<semaphore_mem>>) src(%arg14 : memref<400xf32, #tpu.memory_space<vmem>>) dst(%dma_wait3A_41 : memref<400xf32, #tpu.memory_space<hbm>>)
    return
  }
}

</mosaic_0001>

<sc_bundles>
// kernel: kernel.3.cloned.1.call-start
scs
__scs_entry_jumppad:
0x0: {  	(pc) =	sbr.rel $0x88, $3  }
0x1: {  	(tag) =	ssettag $0x0;
	lr =	simm.s32 $0x1  }
0x2: {  	[smem:$0x3F9E] =	sst lr;
	_ =	strace $0xD0000000  }
0x3: {  	_ = 	snop  }
0x4: {  	_ = 	snop  }
0x5: {  	_ = 	snop  }
0x6: {  	_ = 	snop  }
0x7: {  	_ = 	snop  }
__scs_overlays_trampoline_lowered:
0x8: {  	[smem:$0x3FAD] =	sst s0  }
0x9: {  	[smem:$0x3FAE] =	sst s1  }
0xa: {  	[smem:$0x3FAF] =	sst s2  }
0xb: {  	[smem:$0x3FB0] =	sst s3  }
0xc: {  	[smem:$0x3FB1] =	sst s4  }
0xd: {  	[smem:$0x3FB2] =	sst s5  }
0xe: {  	[smem:$0x3FB3] =	sst s6  }
0xf: {  	[smem:$0x3FB4] =	sst s7  }
0x10: {  	[smem:$0x3FB5] =	sst s8  }
0x11: {  	[smem:$0x3FB6] =	sst s9;
	s0 =	simm.s32 @!p0 $0x0  }
0x12: {  	s1 =	sld [smem:$0x3F9C];
	s0 =	simm.s32 @p0 $0x1  }
0x13: {  	[smem:$0x3FB7] =	sst s0;
	s0 =	simm.s32 @!p1 $0x0  }
0x14: {  	s2 =	sld [smem:$0x3F9B];
	s0 =	simm.s32 @p1 $0x1  }
0x15: {  	[smem:$0x3FB8] =	sst s0;
	s0 =	simm.s32 @!p2 $0x0  }
0x16: {  	s3 =	sld [smem:$0x3FDB];
	s0 =	simm.s32 @p2 $0x1  }
0x17: {  	s4 =	simm.s32 $0x1BF5;
	[smem:$0x3FBA] =	sst s0  }
0x18: {  	s0 =	sld [smem:$0x3F9D];
	_ =	swait.ge [sflag:s4], $0x0  }
0x19: {  	s7 =	sld [smem:$0x3F9E]  }
0x1a: {  	s8 =	sadd.s32 $0xFFFFE003, lr  }
0x1b: {  	s9 =	sadd.s32 $0xFFFFFEF7, lr;
	s5 =	simm.s32 $0xFFFFFFFF;
	p2 =	slt.u32 s8, $0xFFFFF086  }
0x1c: {  	p1 =	slt.u32 s9, $0xF7A;
	s5 =	simm.s32 @!p2 $0x0  }
0x1d: {  	s5 =	simm.s32 @p1 $0x1;
	p0 =	seq.s32 s7, s2  }
0x1e: {  	s7 =	smul.u32 @!p0 $0xF7A, s2;
	p2 =	seq.s32 @!p0 s5, $0x0  }
0x1f: {  	s9 =	smul.u32 $0xF7A, s1;
	s8 =	simm.s32 @!p0 $0x1BF5;
	p2 =	por !p2, p0  }
0x20: {  	[sflag:s8] =	ssyncset.s32 @!p0 $0xFFFFF086;
	s6 =	sadd.s32 @!p0 s3, s7;
	s7 =	simm.s32 @!p0 $0x108  }
0x21: {  	s3 =	sadd.s32 s3, s9;
	s6 =	sadd.s32 @!p0 $0x88, s6;
	s7 =	simm.s32 @p2 $0x1082  }
0x22: {  	[simem:s7], [sflag:s8] =	dma.local @!p0 [hbm:s6], $0xF7A  }
0x23: {  	s9 =	sor.u32 $0xD0000000, s2;
	s6 =	simm.s32 $0x108;
	_ =	swait.ge @!p0 [sflag:s8], $0x0  }
0x24: {  	s3 =	sadd.s32 $0x88, s3;
	s6 =	simm.s32 @!p1 $0x1082;
	[sflag:s4] =	ssyncset.s32 $0xFFFFF086  }
0x25: {  	[simem:s6], [sflag:s4] =	dma.local [hbm:s3], $0xF7A  }
0x26: {  	[smem:$0x3F9E] =	sst s1;
	(tag) =	ssettag s2;
	_ =	strace s9  }
0x27: {  	s1 =	sld [smem:$0x3FAE]  }
0x28: {  	s2 =	sld [smem:$0x3FAF]  }
0x29: {  	s4 =	sld [smem:$0x3FB1]  }
0x2a: {  	p0 =	seq.s32 s5, $0x0;
	s5 =	sld [smem:$0x3FB2]  }
0x2b: {  	s6 =	sld [smem:$0x3FB3]  }
0x2c: {  	s7 =	sld [smem:$0x3FB4]  }
0x2d: {  	s3 =	simm.s32 $0x108;
	s8 =	sld [smem:$0x3FB5]  }
0x2e: {  	s3 =	simm.s32 @!p0 $0x1082;
	s9 =	sld [smem:$0x3FB6]  }
0x2f: {  	lr =	sadd.s32 s0, s3;
	s0 =	sld [smem:$0x3FAD]  }
0x30: {  	s3 =	sld [smem:$0x3FB0]  }
0x31: {  	[smem:$0x3FB9] =	sst s10  }
0x32: {  	s10 =	sld [smem:$0x3FB7];
	_ =	sdelay $0x3  }
0x33: {  	p0 =	seq.s32 s10, $0x1;
	s10 =	sld [smem:$0x3FB9];
	_ =	sdelay $0x3  }
0x34: {  	[smem:$0x3FB9] =	sst s10  }
0x35: {  	s10 =	sld [smem:$0x3FB8];
	_ =	sdelay $0x3  }
0x36: {  	p1 =	seq.s32 s10, $0x1;
	s10 =	sld [smem:$0x3FB9];
	_ =	sdelay $0x3  }
0x37: {  	[smem:$0x3FB9] =	sst s10  }
0x38: {  	s10 =	sld [smem:$0x3FBA]  }
0x39: {  	_ = 	snop;
	(pc) =	sbr.ind lr, $3  }
0x3a: {  	_ = 	snop  }
0x3b: {  	_ = 	snop  }
0x3c: {  	p2 =	seq.s32 s10, $0x1;
	s10 =	sld [smem:$0x3FB9]  }
0x3d: {  	_ =	shalt  }
0x3e: {  	_ =	shalt  }
0x3f: {  	_ =	shalt  }
0x40: {  	_ =	shalt  }
0x41: {  	_ =	shalt  }
0x42: {  	_ =	shalt  }
0x43: {  	_ =	shalt  }
0x44: {  	_ =	shalt  }
0x45: {  	_ =	shalt  }
0x46: {  	_ =	shalt  }
0x47: {  	_ =	shalt  }
0x48: {  	_ =	shalt  }
0x49: {  	_ =	shalt  }
0x4a: {  	_ =	shalt  }
0x4b: {  	_ =	shalt  }
0x4c: {  	_ =	shalt  }
0x4d: {  	_ =	shalt  }
0x4e: {  	_ =	shalt  }
0x4f: {  	_ =	shalt  }
0x50: {  	_ =	shalt  }
0x51: {  	_ =	shalt  }
0x52: {  	_ =	shalt  }
0x53: {  	_ =	shalt  }
0x54: {  	_ =	shalt  }
0x55: {  	_ =	shalt  }
0x56: {  	_ =	shalt  }
0x57: {  	_ =	shalt  }
0x58: {  	_ =	shalt  }
0x59: {  	_ =	shalt  }
0x5a: {  	_ =	shalt  }
0x5b: {  	_ =	shalt  }
0x5c: {  	_ =	shalt  }
0x5d: {  	_ =	shalt  }
0x5e: {  	_ =	shalt  }
0x5f: {  	_ =	shalt  }
0x60: {  	_ =	shalt  }
0x61: {  	_ =	shalt  }
0x62: {  	_ =	shalt  }
0x63: {  	_ =	shalt  }
0x64: {  	_ =	shalt  }
0x65: {  	_ =	shalt  }
0x66: {  	_ =	shalt  }
0x67: {  	_ =	shalt  }
0x68: {  	_ =	shalt  }
0x69: {  	_ =	shalt  }
0x6a: {  	_ =	shalt  }
0x6b: {  	_ =	shalt  }
0x6c: {  	_ =	shalt  }
0x6d: {  	_ =	shalt  }
0x6e: {  	_ =	shalt  }
0x6f: {  	_ =	shalt  }
0x70: {  	_ =	shalt  }
0x71: {  	_ =	shalt  }
0x72: {  	_ =	shalt  }
0x73: {  	_ =	shalt  }
0x74: {  	_ =	shalt  }
0x75: {  	_ =	shalt  }
0x76: {  	_ =	shalt  }
0x77: {  	_ =	shalt  }
0x78: {  	_ =	shalt  }
0x79: {  	_ =	shalt  }
0x7a: {  	_ =	shalt  }
0x7b: {  	_ =	shalt  }
0x7c: {  	_ =	shalt  }
0x7d: {  	_ =	shalt  }
0x7e: {  	_ =	shalt  }
0x7f: {  	_ =	shalt  }
0x80: {  	_ =	shalt  }
0x81: {  	_ =	shalt  }
0x82: {  	_ =	shalt  }
0x83: {  	_ =	shalt  }
0x84: {  	_ =	shalt  }
0x85: {  	_ =	shalt  }
0x86: {  	_ =	shalt  }
0x87: {  	_ =	shalt  }
.Lfunc_end0:
.L_simem_size_0:
called_computation_lowered:
.L_overlay_start_0:
0x88: {  	s2 =	sld [smem:$0x3FD9]  }
0x89: {  	s3 =	sld [smem:$0x3FFE];
	_ =	sdelay $0x1  }
0x8a: {  	s1 =	srdreg.scid  }
0x8b: {  	s0 =	sand.u32 $0x1, s1  }
0x8c: {  	s16 =	sshll.u32 s0, $0xA;
	s2 =	sadd.s32 s3, s2  }
0x8d: {  	s2 =	sadd.s32 s2, s16  }
0x8e: {  	[smem:$0x3FC5] =	sst s2  }
0x8f: {  	_ = 	snop  }
0x90: {  	(tm) =	ssettm $0x1  }
0x91: {  	s17 =	sld [smem:$0x3FFB];
	_ =	sdelay $0x3  }
0x92: {  	_ =	strace s17  }
0x93: {  	s2 =	sld [smem:$0x3FFC];
	_ =	sdelay $0x3  }
0x94: {  	_ =	strace s2  }
0x95: {  	s2 =	sld [smem:$0x3FFD];
	_ =	sdelay $0x3  }
0x96: {  	_ =	strace s2  }
0x97: {  	_ =	strace $0x8FFFFFFF  }
0x98: {  	s18 =	sld [smem:$0x3FDB];
	_ =	sdelay $0x1  }
0x99: {  	s19 =	simm.s32 $_scs_section_size  }
0x9a: {  	s4 =	simm.s32 $_size__tile_overlayer_lowered;
	s5 =	simm.s32 $_tile_overlayer_lowered  }
0x9b: {  	s22 =	simm.s32 $0x1BFF;
	s21 =	sshll.u32 s5, $0x1;
	s2 =	sadd.s32 s19, s18  }
0x9c: {  	s6 =	simm.s32 $0x0;
	s20 =	sshll.u32 s4, $0x1;
	s4 =	sadd.s32 s21, s2  }
0x9d: {  	[timem:s6], [sflag:s22] =	dma.local [hbm:s4], s20  }
0x9e: {  	_ =	swait.ge [sflag:s22], s20  }
0x9f: {  	s3 =	ssub.s32 $0x0, s20;
	[sflag:s22] =	ssyncset.done $0x0  }
0xa0: {  	[sflag:s22] =	ssyncadd.s32 s3;
	_ =	sdelay $0x1  }
0xa1: {  	s23 =	simm.s32 $0x1B8B  }
0xa2: {  	_ =	swait.ge [sflag:s23], $0x1  }
0xa3: {  	[sflag:s23] =	ssyncset.done $0x0  }
0xa4: {  	s25 =	simm.s32 $0x1B8E;
	s24 =	sld [smem:$0x3FFE];
	[sflag:s23] =	ssyncadd.s32 $0xFFFFFFFF  }
0xa5: {  	s26 =	simm.s32 $execute0_lowered;
	[smem:$0x3FD2] =	sst s25  }
0xa6: {  	s4 =	sshll.u32 s26, $0x1;
	_ =	strace $0x80000046;
	[dreg:$0x1] =	wrdreg $0xFFFFFFFF  }
0xa7: {  	s28 =	simm.s32 $_size_execute0_lowered;
	s2 =	sadd.s32 s2, s4;
	[dreg:$0x0] =	wrdreg $0x0  }
0xa8: {  	s4 =	sshll.u32 s28, $0x1;
	[dreg:$0x2] =	wrdreg s2  }
0xa9: {  	[dreg:$0x3] =	wrdreg s4  }
0xaa: {  	[dreg:$0x4] =	wrdreg $0xC0  }
0xab: {  	_ =	task [dreg:s6], $0x5FFFF  }
0xac: {  	[dreg:$0x1] =	wrdreg $0xFFFFFFFF  }
0xad: {  	[dreg:$0x0] =	wrdreg $0x60  }
0xae: {  	[dreg:$0x2] =	wrdreg s24  }
0xaf: {  	[dreg:$0x3] =	wrdreg $0x9  }
0xb0: {  	_ =	task.clear_ibuf [dreg:s6], $0x4FFFF;
	_ =	strace $0x90000046  }
0xb1: {  	s29 =	simm.s32 $0x9;
	_ =	strace $0x80000048  }
0xb2: {  	_ =	swait.ge [sflag:s29], $0x1  }
0xb3: {  	[sflag:s29] =	ssyncadd.s32 $0xFFFFFFFF  }
0xb4: {  	_ =	strace $0x90000048  }
0xb5: {  	_ =	sfence  }
0xb6: {  	s30 =	sld [smem:$0x0];
	_ =	sdelay $0x2  }
0xb7: {  	s31 =	sshll.u32 s1, $0xD;
	s1 =	sshrl.u32 s1, $0x2  }
0xb8: {  	s3 =	sand.u32 $0x4000, s31;
	s1 =	sadd.s32 s1, s30  }
0xb9: {  	s0 =	sor.u32 s3, s0;
	s1 =	sshll.u32 s1, $0x11  }
0xba: {  	s0 =	sor.u32 s1, s0  }
0xbb: {  	s0 =	sadd.s32 $0x8F2B, s0  }
0xbc: {  	[sflag:s0] =	ssyncadd.remote.s32 $0x1  }
0xbd: {  	_ =	sfence.sel $0xFFFF  }
0xbe: {  	[dreg:$0x0] =	wrdreg $0xFFFFFFFF;
	(pc) =	sbr.abs _section_cstart, $3  }
0xbf: {  	[dreg:$0x1] =	wrdreg $0xFFFFFFFF  }
0xc0: {  	_ =	task.clear_ibuf [dreg:s6], $0x2FFFF;
	_ =	strace $0x9FFFFFFF  }
0xc1: {  	(tm) =	ssettm $0x7FFFFFFF  }
tec
execute0_lowered:
.L_overlay_start_1:
0x0: {  	(tag) =	ssettag $0x1  }
0x1: {  	s0 =	srdreg.scid  }
0x2: {  	s2 =	stileid.u32;
	s1 =	rddreg [dreg:$0x0]  }
0x3: {  	s10 =	simm.s32 $0x7;
	s11 =	simm.s32 $0x2710;
	s12 =	simm.s32 $0x190  }
0x4: {  	s13 =	simm.s32 $0x4E20;
	s14 =	simm.s32 $0x11620;
	s16 =	simm.s32 $0x28A0  }
0x5: {  	s17 =	simm.s32 $0x17A20;
	s18 =	simm.s32 $0x1;
	s19 =	simm.s32 $0x3  }
0x6: {  	s20 =	simm.s32 $0x1DE20;
	s21 =	simm.s32 $0x1DF20;
	s22 =	simm.s32 $0x5  }
0x7: {  	v0 =	vlaneseq.u32;
	s23 =	simm.s32 $0x6;
	s0 =	sand.u32 $0x1, s0;
	s3 =	sshll.u32 s2, $0x1  }
0x8: {  	s24 =	simm.s32 $0x2;
	s25 =	simm.s32 $0x4;
	v0 =	vmul.u32 $0x10, v0;
	s3 =	sor.u32 s0, s3  }
0x9: {  	s26 =	simm.s32 $0x1E0B0;
	s28 =	simm.s32 $0x0;
	s3 =	smul.u32 $0x2710, s3  }
.Ltmp0:
0xa: {  	s2 =	simm.s32 $0x0;
	s0 =	ssub.s32 $0x2, s0;
	v1 =	vor.u32 $0x1, v0;
	v2 =	vor.u32 $0x2, v0;
	v3 =	vor.u32 $0x3, v0;
	(pc) =	sbr.rel .LBB2_1-.Ltmp0, $4  }
0xb: {  	s4 =	sadd.s32 $0x14800, s1;
	s5 =	sadd.s32 $0xE00, s1;
	s7 =	sshrl.u32 s0, $0x1;
	v4 =	vor.u32 $0x4, v0;
	v5 =	vor.u32 $0x5, v0;
	v6 =	vor.u32 $0x6, v0  }
0xc: {  	[smem:$0x7FF] =	sst s2;
	v7 =	vor.u32 $0x7, v0;
	v8 =	vor.u32 $0x8, v0;
	v9 =	vor.u32 $0x9, v0;
	s0 =	ssub.s32 s0, s7;
	s6 =	sshrl.u32 s3, $0x3  }
0xd: {  	_ =	strace $0x80000047;
	v10 =	vor.u32 $0xA, v0;
	v11 =	vor.u32 $0xB, v0;
	v12 =	vor.u32 $0xC, v0;
	s9 =	smax.u32 s0, $0x1;
	s8 =	sadd.s32 s6, s1  }
0xe: {  	v13 =	vor.u32 $0xD, v0;
	v14 =	vor.u32 $0xE, v0;
	v15 =	vor.u32 $0xF, v0;
	s6 =	sadd.s32 $0x3BC00, s1;
	s7 =	sadd.s32 $0x28200, s8;
	s8 =	sadd.s32 $0x31E40, s8  }
.LBB2_10:
0xf: {  	s28 =	sadd.s32 $0x1, s28  }
0x10: {  	_ =	swait.ge [sflag:s22], $0x190;
	p0 =	sne.s32 s28, s9  }
.Ltmp1:
0x11: {  	[sflag:s22] =	ssyncset.done $0x0;
	(pc) =	sbr.rel @!p0 .LBB2_11-.Ltmp1, $4  }
0x12: {  	[sflag:s22] =	ssyncadd.s32 $0xFFFFFE70  }
0x13: {  	_ =	swait.ge [sflag:s23], $0x190  }
0x14: {  	[sflag:s23] =	ssyncset.done $0x0  }
0x15: {  	[sflag:s23] =	ssyncadd.s32 $0xFFFFFE70  }
.LBB2_1:
0x16: {  	[tilespmem:s2], [sflag:$0x7] =	stream.linear.gather [hbm4b:s7+s2], $0x2710, $0x38;
	[tilespmem:$0x1E240] =	vst v63  }
0x17: {  	_ =	swait.ge [sflag:s10], $0x2710  }
0x18: {  	[sflag:s10] =	ssyncset.done $0x0  }
0x19: {  	[sflag:s10] =	ssyncadd.s32 $0xFFFFD8F0  }
0x1a: {  	[tilespmem:s11], [sflag:$0x7] =	stream.linear.gather [hbm4b:s8+s2], $0x2710, $0x38;
	[tilespmem:$0x1E240] =	vst v63  }
0x1b: {  	_ =	swait.ge [sflag:s10], $0x2710  }
0x1c: {  	[sflag:s10] =	ssyncset.done $0x0  }
0x1d: {  	[sflag:s10] =	ssyncadd.s32 $0xFFFFD8F0  }
0x1e: {  	[tilespmem:s13], [sflag:$0x1] =	stream.indirect.gather [hbm4b:s4+s12], $0x40, s2, s12, $0xb8;
	[tilespmem:$0x1E240] =	vst v63  }
0x1f: {  	_ = 	snop  }
0x20: {  	[tilespmem:s14], [sflag:$0x3] =	stream.indirect.gather [hbm4b:s5+s12], $0x40, s11, s12, $0xb8;
	[tilespmem:$0x1E240] =	vst v63  }
.Ltmp2:
0x21: {  	_ = 	snop;
	(pc) =	sbr.rel .LBB2_2-.Ltmp2, $4  }
0x22: {  	s0 =	simm.s32 $0xB220  }
0x23: {  	[tilespmem:s0], [sflag:$0x2] =	stream.indirect.gather [hbm4b:s4+s12], $0x40, s12, s12, $0xb8;
	[tilespmem:$0x1E240] =	vst v63  }
0x24: {  	s29 =	simm.s32 $0x0  }
0x25: {  	[tilespmem:s17], [sflag:$0x4] =	stream.indirect.gather [hbm4b:s5+s12], $0x40, s16, s12, $0xb8;
	[tilespmem:$0x1E240] =	vst v63  }
.LBB2_9:
0x26: {  	s29 =	sadd.s32 $0x1, s29  }
0x27: {  	p0 =	sne.s32 s29, $0xD  }
.Ltmp3:
0x28: {  	_ = 	snop;
	(pc) =	sbr.rel @!p0 .LBB2_10-.Ltmp3, $1  }
0x29: {  	_ =	sdelay $0x3  }
.LBB2_2:
0x2a: {  	_ =	swait.ge [sflag:s18], $0x6400  }
0x2b: {  	[sflag:s18] =	ssyncset.done $0x0  }
0x2c: {  	[sflag:s18] =	ssyncadd.s32 $0xFFFF9C00  }
0x2d: {  	_ =	swait.ge [sflag:s19], $0x6400  }
0x2e: {  	p0 =	seq.s32 s29, $0x0;
	[sflag:s19] =	ssyncset.done $0x0  }
0x2f: {  	s0 =	simm.s32 @!p0 $0x5;
	[sflag:s19] =	ssyncadd.s32 $0xFFFF9C00  }
0x30: {  	_ =	swait.ge @!p0 [sflag:s0], $0x190  }
0x31: {  	s31 =	sshll.u32 s29, $0x1;
	[sflag:s0] =	ssyncset.done @!p0 $0x0  }
0x32: {  	s30 =	simm.s32 $0xFC0;
	s1 =	simm.s32 $0x1DF20;
	[sflag:s0] =	ssyncadd.s32 @!p0 $0xFFFFFE70  }
.LBB2_3:
0x33: {  	s0 =	sshra.s32 s30, $0x2  }
0x34: {  	v16 =	vld [tilespmem:s0+$0x4A30]  }
0x35: {  	v17 =	vld [tilespmem:s0+$0x11230]  }
0x36: {  	v18 =	vld [tilespmem:s0+$0x4A40]  }
0x37: {  	v19 =	vld [tilespmem:s0+$0x11240]  }
0x38: {  	v20 =	vld [tilespmem:s0+$0x4A50]  }
0x39: {  	v21 =	vld [tilespmem:s0+$0x11250]  }
0x3a: {  	v22 =	vld [tilespmem:s0+$0x4A60]  }
0x3b: {  	v23 =	vld [tilespmem:s0+$0x11260]  }
0x3c: {  	v24 =	vld [tilespmem:s0+$0x4A70]  }
0x3d: {  	v25 =	vld [tilespmem:s0+$0x11270]  }
0x3e: {  	v26 =	vld [tilespmem:s0+$0x4A80]  }
0x3f: {  	v27 =	vld [tilespmem:s0+$0x11280]  }
0x40: {  	v28 =	vld [tilespmem:s0+$0x4A90]  }
0x41: {  	v29 =	vld [tilespmem:s0+$0x11290]  }
0x42: {  	v30 =	vld [tilespmem:s0+$0x4AA0]  }
0x43: {  	v31 =	vld [tilespmem:s0+$0x112A0]  }
0x44: {  	v32 =	vld [tilespmem:s0+$0x4AB0]  }
0x45: {  	v33 =	vld [tilespmem:s0+$0x112B0]  }
0x46: {  	v34 =	vld [tilespmem:s0+$0x4AC0]  }
0x47: {  	v35 =	vld [tilespmem:s0+$0x112C0]  }
0x48: {  	v36 =	vld [tilespmem:s0+$0x4AD0]  }
0x49: {  	v37 =	vld [tilespmem:s0+$0x112D0]  }
0x4a: {  	v38 =	vld [tilespmem:s0+$0x4AE0]  }
0x4b: {  	v39 =	vld [tilespmem:s0+$0x112E0]  }
0x4c: {  	v40 =	vld [tilespmem:s0+$0x4AF0]  }
0x4d: {  	v41 =	vld [tilespmem:s0+$0x112F0]  }
0x4e: {  	v42 =	vld [tilespmem:s0+$0x4B00]  }
0x4f: {  	v43 =	vld [tilespmem:s0+$0x11300]  }
0x50: {  	v44 =	vld [tilespmem:s0+$0x4B10]  }
0x51: {  	v45 =	vld [tilespmem:s0+$0x11310]  }
0x52: {  	v46 =	vld [tilespmem:s0+$0x4B20]  }
0x53: {  	v47 =	vld [tilespmem:s0+$0x11320]  }
0x54: {  	v48 =	vld [tilespmem:s0+$0x4B30]  }
0x55: {  	v49 =	vld [tilespmem:s0+$0x11330]  }
0x56: {  	v50 =	vld [tilespmem:s0+$0x11340]  }
0x57: {  	v52 =	vld [tilespmem:s0+$0x11360]  }
0x58: {  	v16 =	vmul.bf16 v17, v16;
	v17 =	vmul.bf16 v19, v18;
	v19 =	vld [tilespmem:s0+$0x4B40]  }
0x59: {  	v20 =	vmul.bf16 v21, v20;
	v21 =	vld [tilespmem:s0+$0x4B50]  }
0x5a: {  	v22 =	vmul.bf16 v23, v22;
	v23 =	vld [tilespmem:s0+$0x4B60]  }
0x5b: {  	v60 =	vmul.bf16 v25, v24;
	v24 =	vld [tilespmem:s0+$0x4B70]  }
0x5c: {  	v61 =	vmul.bf16 v27, v26;
	v25 =	vld [tilespmem:s0+$0x11370];
	v28 =	vmul.bf16 v29, v28  }
0x5d: {  	v26 =	vld [tilespmem:s0+$0x4B80];
	v53 =	vmul.bf16 v31, v30;
	v55 =	vmul.bf16 v33, v32  }
0x5e: {  	v29 =	vld [tilespmem:s0+$0x11380];
	v56 =	vmul.bf16 v35, v34;
	v58 =	vunpack.i.l.bf16.f32 v16;
	v51 =	vunpack.i.l.bf16.f32 v17  }
0x5f: {  	v30 =	vld [tilespmem:s0+$0x11390];
	v16 =	vunpack.i.u.bf16.f32 v16;
	v17 =	vunpack.i.u.bf16.f32 v17;
	v59 =	vunpack.i.l.bf16.f32 v22  }
0x60: {  	v33 =	vld [tilespmem:s0+$0x113A0];
	v22 =	vunpack.i.u.bf16.f32 v22;
	v62 =	vunpack.i.u.bf16.f32 v60;
	v27 =	vunpack.i.u.bf16.f32 v61  }
0x61: {  	v57 =	vunpack.i.l.bf16.f32 v55;
	v31 =	vunpack.i.u.bf16.f32 v55;
	v55 =	vmul.bf16 v45, v44;
	v44 =	vld [tilespmem:s0+$0x4BF0]  }
0x62: {  	v54 =	vunpack.i.u.bf16.f32 v53;
	v34 =	vunpack.i.l.bf16.f32 v56;
	v32 =	vunpack.i.u.bf16.f32 v56;
	v45 =	vld [tilespmem:s0+$0x4C00]  }
0x63: {  	v18 =	vadd.f32 v51, v58;
	v51 =	vld [tilespmem:s0+$0x11350];
	v16 =	vadd.f32 v17, v16;
	v17 =	vunpack.i.l.bf16.f32 v20  }
0x64: {  	v20 =	vunpack.i.u.bf16.f32 v20;
	v63 =	vadd.f32 v27, v62;
	v27 =	vld [tilespmem:s0+$0x4B90];
	v31 =	vadd.f32 v32, v31  }
0x65: {  	v58 =	vmul.bf16 v37, v36;
	v36 =	vld [tilespmem:s0+$0x113B0];
	v17 =	vadd.f32 v17, v18;
	v16 =	vadd.f32 v20, v16  }
0x66: {  	v32 =	vld [tilespmem:s0+$0x4BD0];
	v20 =	vunpack.i.l.bf16.f32 v60;
	v18 =	vunpack.i.l.bf16.f32 v61;
	v60 =	vmul.bf16 v39, v38  }
0x67: {  	v38 =	vld [tilespmem:s0+$0x113C0];
	v61 =	vunpack.i.u.bf16.f32 v58;
	v19 =	vmul.bf16 v50, v19;
	v23 =	vmul.bf16 v52, v23  }
0x68: {  	v39 =	vld [tilespmem:s0+$0x113D0];
	v24 =	vmul.bf16 v25, v24;
	v26 =	vmul.bf16 v29, v26;
	v18 =	vadd.f32 v18, v20  }
0x69: {  	v25 =	vld [tilespmem:s0+$0x4C40];
	v20 =	vadd.f32 v34, v57;
	v57 =	vmul.bf16 v47, v46;
	v17 =	vadd.f32 v59, v17  }
0x6a: {  	v29 =	vld [tilespmem:s0+$0x11440];
	v16 =	vadd.f32 v22, v16;
	v22 =	vunpack.i.l.bf16.f32 v53;
	v59 =	vunpack.i.l.bf16.f32 v58  }
0x6b: {  	v34 =	vld [tilespmem:s0+$0x4BC0];
	v62 =	vunpack.i.l.bf16.f32 v60;
	v37 =	vunpack.i.u.bf16.f32 v60;
	v53 =	vmul.bf16 v43, v42  }
0x6c: {  	v47 =	vld [tilespmem:s0+$0x4C10];
	v58 =	vunpack.i.u.bf16.f32 v55;
	v43 =	vunpack.i.l.bf16.f32 v55;
	v60 =	vmul.bf16 v49, v48  }
0x6d: {  	v49 =	vld [tilespmem:s0+$0x4C20];
	v55 =	vunpack.i.u.bf16.f32 v24;
	v24 =	vunpack.i.l.bf16.f32 v24;
	v20 =	vadd.f32 v59, v20  }
0x6e: {  	v48 =	vld [tilespmem:s0+$0x11420];
	v59 =	vunpack.i.u.bf16.f32 v57;
	v21 =	vmul.bf16 v51, v21;
	v27 =	vmul.bf16 v30, v27  }
0x6f: {  	v51 =	vld [tilespmem:s0+$0x4C30];
	v16 =	vadd.f32 v17, v16;
	v17 =	vunpack.i.u.bf16.f32 v28;
	v28 =	vunpack.i.l.bf16.f32 v28  }
0x70: {  	v30 =	vld [tilespmem:s0+$0x11450];
	v42 =	vunpack.i.u.bf16.f32 v53;
	v46 =	vunpack.i.u.bf16.f32 v60;
	v18 =	vadd.f32 v28, v18  }
0x71: {  	v17 =	vadd.f32 v17, v63;
	v28 =	vld [tilespmem:s0+$0x4BA0];
	v63 =	vmul.bf16 v41, v40;
	v20 =	vadd.f32 v62, v20  }
0x72: {  	v40 =	vld [tilespmem:s0+$0x4BE0];
	v62 =	vunpack.i.l.bf16.f32 v19;
	v19 =	vunpack.i.u.bf16.f32 v19;
	v52 =	vunpack.i.u.bf16.f32 v21  }
0x73: {  	v41 =	vld [tilespmem:s0+$0x113E0];
	v32 =	vmul.bf16 v39, v32;
	v25 =	vmul.bf16 v29, v25;
	v46 =	vadd.f32 v19, v46  }
0x74: {  	v39 =	vld [tilespmem:s0+$0x11480];
	v34 =	vmul.bf16 v38, v34;
	v18 =	vadd.f32 v22, v18;
	v17 =	vadd.f32 v54, v17  }
0x75: {  	v29 =	vld [tilespmem:s0+$0x4CE0];
	v54 =	vunpack.i.u.bf16.f32 v63;
	v35 =	vunpack.i.l.bf16.f32 v63;
	v63 =	vunpack.i.l.bf16.f32 v21  }
0x76: {  	v22 =	vld [tilespmem:s0+$0x4BB0];
	v56 =	vadd.f32 v42, v54;
	v54 =	vunpack.i.l.bf16.f32 v23;
	v23 =	vunpack.i.u.bf16.f32 v23  }
0x77: {  	v42 =	vld [tilespmem:s0+$0x113F0];
	v17 =	vadd.f32 v18, v17;
	v18 =	vadd.f32 v61, v31;
	v31 =	vunpack.i.l.bf16.f32 v53  }
0x78: {  	v38 =	vunpack.i.l.bf16.f32 v34;
	v34 =	vunpack.i.u.bf16.f32 v34;
	v31 =	vadd.f32 v31, v35;
	v35 =	vld [tilespmem:s0+$0x11410]  }
0x79: {  	v61 =	vunpack.i.l.bf16.f32 v60;
	v40 =	vmul.bf16 v41, v40;
	v41 =	vld [tilespmem:s0+$0x11490];
	v18 =	vadd.f32 v37, v18  }
0x7a: {  	v37 =	vunpack.i.l.bf16.f32 v57;
	v57 =	vmul.bf16 v33, v28;
	v28 =	vld [tilespmem:s0+$0x4C60];
	v31 =	vadd.f32 v43, v31  }
0x7b: {  	v33 =	vld [tilespmem:s0+$0x11460];
	v22 =	vmul.bf16 v36, v22;
	v18 =	vadd.f32 v20, v18;
	v20 =	vadd.f32 v58, v56  }
0x7c: {  	v43 =	vld [tilespmem:s0+$0x11400];
	v56 =	vunpack.i.u.bf16.f32 v26;
	v26 =	vunpack.i.l.bf16.f32 v26;
	v58 =	vunpack.i.u.bf16.f32 v27  }
0x7d: {  	v36 =	vld [tilespmem:s0+$0x11470];
	v27 =	vunpack.i.l.bf16.f32 v27;
	v31 =	vadd.f32 v37, v31;
	v37 =	vadd.f32 v62, v61  }
0x7e: {  	v24 =	vadd.f32 v26, v24;
	v61 =	vunpack.i.l.bf16.f32 v32;
	v62 =	vunpack.i.u.bf16.f32 v32;
	v32 =	vld [tilespmem:s0+$0x4CA0]  }
0x7f: {  	v26 =	vunpack.i.l.bf16.f32 v57;
	v60 =	vunpack.i.l.bf16.f32 v22;
	v35 =	vmul.bf16 v35, v47;
	v47 =	vld [tilespmem:s0+$0x4CD0]  }
0x80: {  	v22 =	vunpack.i.u.bf16.f32 v22;
	v20 =	vadd.f32 v59, v20;
	v53 =	vadd.f32 v63, v37;
	v37 =	vld [tilespmem:s0+$0x4C50]  }
0x81: {  	v59 =	vunpack.i.u.bf16.f32 v57;
	v22 =	vadd.f32 v34, v22;
	v24 =	vadd.f32 v27, v24;
	v27 =	vld [tilespmem:s0+$0x4C70]  }
0x82: {  	v63 =	vunpack.i.l.bf16.f32 v40;
	v28 =	vmul.bf16 v33, v28;
	v33 =	vld [tilespmem:s0+$0x4D00];
	v19 =	vadd.f32 v31, v20  }
0x83: {  	v40 =	vunpack.i.u.bf16.f32 v40;
	v31 =	vld [tilespmem:s0+$0x11430];
	v20 =	vadd.f32 v52, v46;
	v22 =	vadd.f32 v62, v22  }
0x84: {  	v46 =	vmul.bf16 v42, v44;
	v42 =	vld [tilespmem:s0+$0x114A0];
	v50 =	vmul.bf16 v43, v45;
	v21 =	vadd.f32 v54, v53  }
0x85: {  	v43 =	vld [tilespmem:s0+$0x4CB0];
	v24 =	vadd.f32 v26, v24;
	v54 =	vmul.bf16 v48, v49;
	v62 =	vunpack.i.l.bf16.f32 v28  }
0x86: {  	v44 =	vld [tilespmem:s0+$0x114B0];
	v28 =	vunpack.i.u.bf16.f32 v28;
	v20 =	vadd.f32 v23, v20;
	v23 =	vadd.f32 v56, v55  }
0x87: {  	v26 =	vld [tilespmem:s0+$0x4C80];
	v22 =	vadd.f32 v40, v22;
	v52 =	vunpack.i.u.bf16.f32 v46;
	v34 =	vunpack.i.l.bf16.f32 v46  }
0x88: {  	v48 =	vld [tilespmem:s0+$0x114F0];
	v45 =	vunpack.i.u.bf16.f32 v50;
	v55 =	vunpack.i.u.bf16.f32 v35;
	v35 =	vunpack.i.l.bf16.f32 v35  }
0x89: {  	v46 =	vld [tilespmem:s0+$0x4CC0];
	v53 =	vadd.f32 v45, v52;
	v56 =	vunpack.i.u.bf16.f32 v54;
	v20 =	vadd.f32 v21, v20  }
0x8a: {  	v45 =	vld [tilespmem:s0+$0x114C0];
	v40 =	vunpack.i.l.bf16.f32 v54;
	v21 =	vadd.f32 v58, v23;
	v23 =	vadd.f32 v38, v60  }
0x8b: {  	v38 =	vld [tilespmem:s0+$0x4C90];
	v58 =	vunpack.i.l.bf16.f32 v25;
	v30 =	vmul.bf16 v30, v37;
	v27 =	vmul.bf16 v36, v27  }
0x8c: {  	v37 =	vld [tilespmem:s0+$0x4CF0];
	v25 =	vunpack.i.u.bf16.f32 v25;
	v31 =	vmul.bf16 v31, v51;
	v51 =	vmul.bf16 v42, v32  }
0x8d: {  	v36 =	vld [tilespmem:s0+$0x4D10];
	v54 =	vmul.bf16 v44, v43;
	v21 =	vadd.f32 v59, v21;
	v23 =	vadd.f32 v61, v23  }
0x8e: {  	v32 =	vld [tilespmem:s0+$0x4D30];
	v59 =	vunpack.i.l.bf16.f32 v30;
	v60 =	vunpack.i.u.bf16.f32 v30;
	v26 =	vmul.bf16 v39, v26  }
0x8f: {  	v44 =	vld [tilespmem:s0+$0x11540];
	v57 =	vunpack.i.l.bf16.f32 v31;
	v31 =	vunpack.i.u.bf16.f32 v31;
	v42 =	vunpack.i.u.bf16.f32 v54  }
0x90: {  	v30 =	vld [tilespmem:s0+$0x11510];
	v21 =	vadd.f32 v24, v21;
	v23 =	vadd.f32 v63, v23;
	v24 =	vunpack.i.l.bf16.f32 v50  }
0x91: {  	v39 =	vld [tilespmem:s0+$0x4D20];
	v25 =	vadd.f32 v25, v31;
	v63 =	vunpack.i.u.bf16.f32 v27;
	v27 =	vunpack.i.l.bf16.f32 v27  }
0x92: {  	v31 =	vld [tilespmem:s0+$0x11500];
	v49 =	vunpack.i.u.bf16.f32 v26;
	v26 =	vunpack.i.l.bf16.f32 v26;
	v24 =	vadd.f32 v24, v34  }
0x93: {  	v34 =	vld [tilespmem:s0+$0x114E0];
	v38 =	vmul.bf16 v41, v38;
	v26 =	vadd.f32 v26, v27;
	v50 =	vadd.f32 v49, v63  }
0x94: {  	v41 =	vld [tilespmem:s0+$0x11520];
	v37 =	vmul.bf16 v48, v37;
	v22 =	vadd.f32 v23, v22;
	v23 =	vadd.f32 v55, v53  }
0x95: {  	v27 =	vld [tilespmem:s0+$0x4D50];
	v53 =	vunpack.i.u.bf16.f32 v51;
	v55 =	vmul.bf16 v45, v46;
	v24 =	vadd.f32 v35, v24  }
0x96: {  	v63 =	vld [tilespmem:s0+$0x11580];
	v52 =	vunpack.i.u.bf16.f32 v38;
	v38 =	vunpack.i.l.bf16.f32 v38;
	v30 =	vmul.bf16 v30, v36  }
0x97: {  	v35 =	vld [tilespmem:s0+$0x114D0];
	v23 =	vadd.f32 v56, v23;
	v26 =	vadd.f32 v38, v26;
	v56 =	vunpack.i.l.bf16.f32 v54  }
0x98: {  	v49 =	vld [tilespmem:s0+$0x4D90];
	v43 =	vunpack.i.u.bf16.f32 v55;
	v24 =	vadd.f32 v40, v24;
	v40 =	vadd.f32 v58, v57  }
0x99: {  	v38 =	vld [tilespmem:s0+$0x4D40];
	v45 =	vunpack.i.l.bf16.f32 v55;
	v42 =	vadd.f32 v43, v42;
	v31 =	vmul.bf16 v31, v33  }
0x9a: {  	v55 =	vld [tilespmem:s0+$0x115A0];
	v29 =	vmul.bf16 v34, v29;
	v23 =	vadd.f32 v24, v23;
	v61 =	vadd.f32 v59, v40  }
0x9b: {  	v57 =	vld [tilespmem:s0+$0x11550];
	v24 =	vadd.f32 v60, v25;
	v48 =	vunpack.i.u.bf16.f32 v31;
	v31 =	vunpack.i.l.bf16.f32 v31  }
0x9c: {  	v33 =	vld [tilespmem:s0+$0x4D80];
	v35 =	vmul.bf16 v35, v47;
	v60 =	vunpack.i.l.bf16.f32 v29;
	v29 =	vunpack.i.u.bf16.f32 v29  }
0x9d: {  	v43 =	vld [tilespmem:s0+$0x115E0];
	v25 =	vadd.f32 v62, v61;
	v24 =	vadd.f32 v28, v24;
	v28 =	vunpack.i.l.bf16.f32 v51  }
0x9e: {  	v34 =	vld [tilespmem:s0+$0x11560];
	v62 =	vunpack.i.u.bf16.f32 v37;
	v37 =	vunpack.i.l.bf16.f32 v37;
	v38 =	vmul.bf16 v44, v38  }
0x9f: {  	v40 =	vld [tilespmem:s0+$0x11530];
	v26 =	vadd.f32 v28, v26;
	v28 =	vadd.f32 v45, v56;
	v58 =	vunpack.i.l.bf16.f32 v35  }
0xa0: {  	v61 =	vld [tilespmem:s0+$0x11570];
	v59 =	vunpack.i.u.bf16.f32 v35;
	v31 =	vadd.f32 v31, v37;
	v27 =	vmul.bf16 v57, v27  }
0xa1: {  	v51 =	vld [tilespmem:s0+$0x11590];
	v33 =	vmul.bf16 v63, v33;
	v24 =	vadd.f32 v25, v24;
	v25 =	vadd.f32 v52, v50  }
0xa2: {  	v45 =	vld [tilespmem:s0+$0x4D60];
	v50 =	vmul.bf16 v41, v39;
	v52 =	vunpack.i.u.bf16.f32 v30;
	v30 =	vunpack.i.l.bf16.f32 v30  }
0xa3: {  	v35 =	vld [tilespmem:s0+$0x4D70];
	v44 =	vunpack.i.l.bf16.f32 v38;
	v38 =	vunpack.i.u.bf16.f32 v38;
	v28 =	vadd.f32 v58, v28  }
0xa4: {  	v57 =	vld [tilespmem:s0+$0x4DC0];
	v30 =	vadd.f32 v30, v31;
	v32 =	vmul.bf16 v40, v32;
	v63 =	vunpack.i.u.bf16.f32 v33  }
0xa5: {  	v39 =	vld [tilespmem:s0+$0x4DF0];
	v33 =	vunpack.i.l.bf16.f32 v33;
	v25 =	vadd.f32 v53, v25;
	v37 =	vunpack.i.l.bf16.f32 v50  }
0xa6: {  	v40 =	vld [tilespmem:s0+$0x4DB0];
	v54 =	vunpack.i.u.bf16.f32 v50;
	v28 =	vadd.f32 v60, v28;
	v30 =	vadd.f32 v37, v30  }
0xa7: {  	v58 =	vld [tilespmem:s0+$0x115C0];
	v56 =	vunpack.i.l.bf16.f32 v32;
	v32 =	vunpack.i.u.bf16.f32 v32;
	v25 =	vadd.f32 v26, v25  }
0xa8: {  	v53 =	vld [tilespmem:s0+$0x4DA0];
	v36 =	vmul.bf16 v51, v49;
	v26 =	vadd.f32 v59, v42;
	v37 =	vadd.f32 v44, v56  }
0xa9: {  	v60 =	vld [tilespmem:s0+$0x115D0];
	v32 =	vadd.f32 v38, v32;
	v59 =	vunpack.i.l.bf16.f32 v27;
	v34 =	vmul.bf16 v34, v45  }
0xaa: {  	v49 =	vld [tilespmem:s0+$0x115F0];
	v27 =	vunpack.i.u.bf16.f32 v27;
	v35 =	vmul.bf16 v61, v35;
	v50 =	vunpack.i.u.bf16.f32 v36  }
0xab: {  	v51 =	vld [tilespmem:s0+$0x4E00];
	v36 =	vunpack.i.l.bf16.f32 v36;
	v26 =	vadd.f32 v29, v26;
	v29 =	vadd.f32 v48, v62  }
0xac: {  	v45 =	vld [tilespmem:s0+$0x4DD0];
	v37 =	vadd.f32 v59, v37;
	v27 =	vadd.f32 v27, v32;
	v61 =	vunpack.i.l.bf16.f32 v34  }
0xad: {  	v42 =	vld [tilespmem:s0+$0x4DE0];
	v62 =	vunpack.i.u.bf16.f32 v35;
	v35 =	vunpack.i.l.bf16.f32 v35;
	v34 =	vunpack.i.u.bf16.f32 v34  }
0xae: {  	v56 =	vld [tilespmem:s0+$0x11610];
	v57 =	vmul.bf16 v58, v57;
	v33 =	vadd.f32 v33, v35;
	v48 =	vadd.f32 v63, v62  }
0xaf: {  	v58 =	vld [tilespmem:s0+$0x4E20];
	v31 =	vmul.bf16 v55, v53;
	v26 =	vadd.f32 v28, v26;
	v28 =	vadd.f32 v52, v29  }
0xb0: {  	v59 =	vld [tilespmem:s0+$0x11620];
	v32 =	vadd.f32 v61, v37;
	v27 =	vadd.f32 v34, v27;
	v62 =	vunpack.i.u.bf16.f32 v57  }
0xb1: {  	v29 =	vld [tilespmem:s0+$0x115B0];
	v39 =	vmul.bf16 v49, v39;
	v33 =	vadd.f32 v36, v33;
	v35 =	vadd.f32 v50, v48  }
0xb2: {  	v52 =	vld [tilespmem:s0+$0x11600];
	v53 =	vunpack.i.u.bf16.f32 v31;
	v31 =	vunpack.i.l.bf16.f32 v31;
	v60 =	vmul.bf16 v60, v45  }
0xb3: {  	v63 =	vmul.bf16 v43, v42;
	v28 =	vadd.f32 v54, v28;
	v54 =	vld [tilespmem:s0+$0x4E10];
	v27 =	vadd.f32 v32, v27;
	[tilespmem:$0x1DE20] =	vst v16  }
0xb4: {  	v16 =	vunpack.i.l.bf16.f32 v57;
	[tilespmem:$0x1DE40] =	vst v18;
	v44 =	vunpack.i.u.bf16.f32 v39;
	v18 =	vunpack.i.l.bf16.f32 v39  }
0xb5: {  	v31 =	vadd.f32 v31, v33;
	v55 =	vadd.f32 v53, v35;
	v38 =	vunpack.i.l.bf16.f32 v60  }
0xb6: {  	[tilespmem:$0x1DE30] =	vst v17;
	v43 =	vunpack.i.l.bf16.f32 v63;
	v50 =	vmul.bf16 v59, v58;
	v29 =	vmul.bf16 v29, v40  }
0xb7: {  	[tilespmem:$0x1DE50] =	vst v19;
	v28 =	vadd.f32 v30, v28;
	v31 =	vadd.f32 v31, v55;
	v42 =	vmul.bf16 v52, v51  }
0xb8: {  	[tilespmem:$0x1DE60] =	vst v20;
	v40 =	vunpack.i.u.bf16.f32 v60;
	v51 =	vunpack.i.u.bf16.f32 v63;
	v61 =	vunpack.i.l.bf16.f32 v29  }
0xb9: {  	[tilespmem:$0x1DE70] =	vst v21;
	v17 =	vunpack.i.u.bf16.f32 v29;
	v45 =	vunpack.i.u.bf16.f32 v42;
	v46 =	vmul.bf16 v56, v54  }
0xba: {  	[tilespmem:$0x1DE80] =	vst v22;
	v19 =	vunpack.i.l.bf16.f32 v42;
	v16 =	vadd.f32 v16, v61;
	v17 =	vadd.f32 v62, v17  }
0xbb: {  	[tilespmem:$0x1DE90] =	vst v23;
	v18 =	vadd.f32 v19, v18;
	v47 =	vadd.f32 v45, v44;
	v48 =	vunpack.i.u.bf16.f32 v46  }
0xbc: {  	[tilespmem:$0x1DEA0] =	vst v24;
	v49 =	vunpack.i.l.bf16.f32 v46;
	v16 =	vadd.f32 v38, v16;
	v17 =	vadd.f32 v40, v17  }
0xbd: {  	[tilespmem:$0x1DEB0] =	vst v25;
	v52 =	vunpack.i.u.bf16.f32 v50;
	v18 =	vadd.f32 v49, v18;
	v19 =	vadd.f32 v48, v47  }
0xbe: {  	[tilespmem:$0x1DEC0] =	vst v26;
	v53 =	vunpack.i.l.bf16.f32 v50;
	v16 =	vadd.f32 v43, v16;
	v17 =	vadd.f32 v51, v17  }
0xbf: {  	[tilespmem:$0x1DEE0] =	vst v27;
	v18 =	vadd.f32 v53, v18;
	v19 =	vadd.f32 v52, v19  }
0xc0: {  	[tilespmem:$0x1DED0] =	vst v28;
	v16 =	vadd.f32 v16, v17  }
0xc1: {  	[tilespmem:$0x1DEF0] =	vst v31;
	v17 =	vadd.f32 v18, v19  }
0xc2: {  	[tilespmem:$0x1DF00] =	vst v16  }
0xc3: {  	[tilespmem:$0x1DF10] =	vst v17  }
0xc4: {  	v16 =	vld.idx.msk [tilespmem:v0+s20+$0x0], $0xffff  }
0xc5: {  	v17 =	vld.idx.msk [tilespmem:v1+s20+$0x0], $0xffff;
	_ =	sdelay $0x1  }
0xc6: {  	v54 =	vld.idx.msk [tilespmem:v2+s20+$0x0], $0xffff;
	_ =	sdelay $0x1  }
0xc7: {  	v55 =	vld.idx.msk [tilespmem:v3+s20+$0x0], $0xffff  }
0xc8: {  	v16 =	vadd.f32 v17, v16  }
0xc9: {  	v17 =	vld.idx.msk [tilespmem:v4+s20+$0x0], $0xffff  }
0xca: {  	v16 =	vadd.f32 v54, v16  }
0xcb: {  	v56 =	vld.idx.msk [tilespmem:v5+s20+$0x0], $0xffff  }
0xcc: {  	v16 =	vadd.f32 v55, v16  }
0xcd: {  	v57 =	vld.idx.msk [tilespmem:v6+s20+$0x0], $0xffff  }
0xce: {  	v16 =	vadd.f32 v17, v16  }
0xcf: {  	v17 =	vld.idx.msk [tilespmem:v7+s20+$0x0], $0xffff  }
0xd0: {  	v16 =	vadd.f32 v56, v16  }
0xd1: {  	v58 =	vld.idx.msk [tilespmem:v8+s20+$0x0], $0xffff  }
0xd2: {  	v16 =	vadd.f32 v57, v16  }
0xd3: {  	v59 =	vld.idx.msk [tilespmem:v9+s20+$0x0], $0xffff  }
0xd4: {  	v16 =	vadd.f32 v17, v16  }
0xd5: {  	v17 =	vld.idx.msk [tilespmem:v10+s20+$0x0], $0xffff  }
0xd6: {  	v16 =	vadd.f32 v58, v16  }
0xd7: {  	v60 =	vld.idx.msk [tilespmem:v11+s20+$0x0], $0xffff  }
0xd8: {  	v16 =	vadd.f32 v59, v16  }
0xd9: {  	v61 =	vld.idx.msk [tilespmem:v12+s20+$0x0], $0xffff  }
0xda: {  	v16 =	vadd.f32 v17, v16  }
0xdb: {  	v17 =	vld.idx.msk [tilespmem:v13+s20+$0x0], $0xffff  }
0xdc: {  	v16 =	vadd.f32 v60, v16  }
0xdd: {  	v62 =	vld.idx.msk [tilespmem:v14+s20+$0x0], $0xffff  }
0xde: {  	v16 =	vadd.f32 v61, v16  }
0xdf: {  	v63 =	vld.idx.msk [tilespmem:v15+s20+$0x0], $0xffff  }
0xe0: {  	v16 =	vadd.f32 v17, v16  }
0xe1: {  	p1 =	sne.s32 s30, $0x18FC0  }
.Ltmp4:
0xe2: {  	v16 =	vadd.f32 v62, v16;
	(pc) =	sbr.rel @p1 .LBB2_3-.Ltmp4, $3  }
0xe3: {  	_ = 	snop  }
0xe4: {  	v16 =	vadd.f32 v63, v16;
	_ =	sdelay $0x1  }
0xe5: {  	s30 =	sadd.s32 $0x1000, s30;
	[tilespmem:s1+$0x0] =	vst v16;
	s1 =	sadd.s32 $0x10, s1  }
0xe6: {  	s30 =	smul.u32 $0x320, s29;
	p1 =	seq.s32 s29, $0xC  }
.Ltmp5:
0xe7: {  	_ = 	snop;
	(pc) =	sbr.rel @p1 .LBB2_10-.Ltmp5, $4  }
0xe8: {  	s0 =	sadd.s32 s3, s30  }
0xe9: {  	s0 =	sshrl.u32 s0, $0x3  }
0xea: {  	s0 =	sadd.s32 s6, s0  }
0xeb: {  	[hbm4b:s0+s2] =	stream.linear.scatter [tilespmem:s21], [sflag:$0x5], $0x190, $0x38;
	[tilespmem:$0x1E240] =	vst v63  }
0xec: {  	s31 =	sor.u32 $0x1, s31  }
0xed: {  	p1 =	sgt.u32 s31, $0x18  }
.Ltmp6:
0xee: {  	_ = 	snop;
	(pc) =	sbr.rel @p1 .LBB2_9-.Ltmp6, $4  }
0xef: {  	s0 =	sadd.s32 $0x320, s30  }
0xf0: {  	[tilespmem:s13], [sflag:$0x1] =	stream.indirect.gather [hbm4b:s4+s12], $0x40, s0, s12, $0xb8;
	[tilespmem:$0x1E240] =	vst v63  }
0xf1: {  	s15 =	sadd.s32 $0x2A30, s30  }
0xf2: {  	[tilespmem:s14], [sflag:$0x3] =	stream.indirect.gather [hbm4b:s5+s12], $0x40, s15, s12, $0xb8;
	[tilespmem:$0x1E240] =	vst v63  }
0xf3: {  	_ =	swait.ge [sflag:s24], $0x6400  }
0xf4: {  	[sflag:s24] =	ssyncset.done $0x0  }
0xf5: {  	[sflag:s24] =	ssyncadd.s32 $0xFFFF9C00  }
0xf6: {  	_ =	swait.ge [sflag:s25], $0x6400  }
0xf7: {  	[sflag:s25] =	ssyncset.done $0x0  }
0xf8: {  	s0 =	simm.s32 @!p0 $0x6;
	[sflag:s25] =	ssyncadd.s32 $0xFFFF9C00  }
0xf9: {  	_ =	swait.ge @!p0 [sflag:s0], $0x190  }
0xfa: {  	[sflag:s0] =	ssyncset.done @!p0 $0x0  }
0xfb: {  	s1 =	simm.s32 $0xFC0;
	[sflag:s0] =	ssyncadd.s32 @!p0 $0xFFFFFE70;
	s0 =	simm.s32 $0x1E0B0  }
.LBB2_7:
0xfc: {  	s15 =	sshra.s32 s1, $0x2  }
0xfd: {  	v16 =	vld [tilespmem:s15+$0xAE30]  }
0xfe: {  	v17 =	vld [tilespmem:s15+$0x17630]  }
0xff: {  	v18 =	vld [tilespmem:s15+$0xAE40]  }
0x100: {  	v19 =	vld [tilespmem:s15+$0x17640]  }
0x101: {  	v20 =	vld [tilespmem:s15+$0xAE50]  }
0x102: {  	v21 =	vld [tilespmem:s15+$0x17650]  }
0x103: {  	v22 =	vld [tilespmem:s15+$0xAE60]  }
0x104: {  	v23 =	vld [tilespmem:s15+$0x17660]  }
0x105: {  	v24 =	vld [tilespmem:s15+$0xAE70]  }
0x106: {  	v25 =	vld [tilespmem:s15+$0x17670]  }
0x107: {  	v26 =	vld [tilespmem:s15+$0xAE80]  }
0x108: {  	v27 =	vld [tilespmem:s15+$0x17680]  }
0x109: {  	v28 =	vld [tilespmem:s15+$0xAE90]  }
0x10a: {  	v29 =	vld [tilespmem:s15+$0x17690]  }
0x10b: {  	v30 =	vld [tilespmem:s15+$0xAEA0]  }
0x10c: {  	v31 =	vld [tilespmem:s15+$0x176A0]  }
0x10d: {  	v32 =	vld [tilespmem:s15+$0xAEB0]  }
0x10e: {  	v33 =	vld [tilespmem:s15+$0x176B0]  }
0x10f: {  	v34 =	vld [tilespmem:s15+$0xAEC0]  }
0x110: {  	v35 =	vld [tilespmem:s15+$0x176C0]  }
0x111: {  	v36 =	vld [tilespmem:s15+$0xAED0]  }
0x112: {  	v37 =	vld [tilespmem:s15+$0x176D0]  }
0x113: {  	v38 =	vld [tilespmem:s15+$0xAEE0]  }
0x114: {  	v39 =	vld [tilespmem:s15+$0x176E0]  }
0x115: {  	v40 =	vld [tilespmem:s15+$0xAEF0]  }
0x116: {  	v41 =	vld [tilespmem:s15+$0x176F0]  }
0x117: {  	v42 =	vld [tilespmem:s15+$0xAF00]  }
0x118: {  	v43 =	vld [tilespmem:s15+$0x17700]  }
0x119: {  	v44 =	vld [tilespmem:s15+$0xAF10]  }
0x11a: {  	v45 =	vld [tilespmem:s15+$0x17710]  }
0x11b: {  	v46 =	vld [tilespmem:s15+$0xAF20]  }
0x11c: {  	v47 =	vld [tilespmem:s15+$0x17720]  }
0x11d: {  	v48 =	vld [tilespmem:s15+$0xAF30]  }
0x11e: {  	v49 =	vld [tilespmem:s15+$0x17730]  }
0x11f: {  	v50 =	vld [tilespmem:s15+$0x17740]  }
0x120: {  	v52 =	vld [tilespmem:s15+$0x17760]  }
0x121: {  	v16 =	vmul.bf16 v17, v16;
	v17 =	vmul.bf16 v19, v18;
	v19 =	vld [tilespmem:s15+$0xAF40]  }
0x122: {  	v20 =	vmul.bf16 v21, v20;
	v21 =	vld [tilespmem:s15+$0xAF50]  }
0x123: {  	v22 =	vmul.bf16 v23, v22;
	v23 =	vld [tilespmem:s15+$0xAF60]  }
0x124: {  	v60 =	vmul.bf16 v25, v24;
	v24 =	vld [tilespmem:s15+$0xAF70]  }
0x125: {  	v61 =	vmul.bf16 v27, v26;
	v25 =	vld [tilespmem:s15+$0x17770];
	v28 =	vmul.bf16 v29, v28  }
0x126: {  	v26 =	vld [tilespmem:s15+$0xAF80];
	v53 =	vmul.bf16 v31, v30;
	v55 =	vmul.bf16 v33, v32  }
0x127: {  	v29 =	vld [tilespmem:s15+$0x17780];
	v56 =	vmul.bf16 v35, v34;
	v58 =	vunpack.i.l.bf16.f32 v16;
	v51 =	vunpack.i.l.bf16.f32 v17  }
0x128: {  	v30 =	vld [tilespmem:s15+$0x17790];
	v16 =	vunpack.i.u.bf16.f32 v16;
	v17 =	vunpack.i.u.bf16.f32 v17;
	v59 =	vunpack.i.l.bf16.f32 v22  }
0x129: {  	v33 =	vld [tilespmem:s15+$0x177A0];
	v22 =	vunpack.i.u.bf16.f32 v22;
	v62 =	vunpack.i.u.bf16.f32 v60;
	v27 =	vunpack.i.u.bf16.f32 v61  }
0x12a: {  	v57 =	vunpack.i.l.bf16.f32 v55;
	v31 =	vunpack.i.u.bf16.f32 v55;
	v55 =	vmul.bf16 v45, v44;
	v44 =	vld [tilespmem:s15+$0xAFF0]  }
0x12b: {  	v54 =	vunpack.i.u.bf16.f32 v53;
	v34 =	vunpack.i.l.bf16.f32 v56;
	v32 =	vunpack.i.u.bf16.f32 v56;
	v45 =	vld [tilespmem:s15+$0xB000]  }
0x12c: {  	v18 =	vadd.f32 v51, v58;
	v51 =	vld [tilespmem:s15+$0x17750];
	v16 =	vadd.f32 v17, v16;
	v17 =	vunpack.i.l.bf16.f32 v20  }
0x12d: {  	v20 =	vunpack.i.u.bf16.f32 v20;
	v63 =	vadd.f32 v27, v62;
	v27 =	vld [tilespmem:s15+$0xAF90];
	v31 =	vadd.f32 v32, v31  }
0x12e: {  	v58 =	vmul.bf16 v37, v36;
	v36 =	vld [tilespmem:s15+$0x177B0];
	v17 =	vadd.f32 v17, v18;
	v16 =	vadd.f32 v20, v16  }
0x12f: {  	v32 =	vld [tilespmem:s15+$0xAFD0];
	v20 =	vunpack.i.l.bf16.f32 v60;
	v18 =	vunpack.i.l.bf16.f32 v61;
	v60 =	vmul.bf16 v39, v38  }
0x130: {  	v38 =	vld [tilespmem:s15+$0x177C0];
	v61 =	vunpack.i.u.bf16.f32 v58;
	v19 =	vmul.bf16 v50, v19;
	v23 =	vmul.bf16 v52, v23  }
0x131: {  	v39 =	vld [tilespmem:s15+$0x177D0];
	v24 =	vmul.bf16 v25, v24;
	v26 =	vmul.bf16 v29, v26;
	v18 =	vadd.f32 v18, v20  }
0x132: {  	v25 =	vld [tilespmem:s15+$0xB040];
	v20 =	vadd.f32 v34, v57;
	v57 =	vmul.bf16 v47, v46;
	v17 =	vadd.f32 v59, v17  }
0x133: {  	v29 =	vld [tilespmem:s15+$0x17840];
	v16 =	vadd.f32 v22, v16;
	v22 =	vunpack.i.l.bf16.f32 v53;
	v59 =	vunpack.i.l.bf16.f32 v58  }
0x134: {  	v34 =	vld [tilespmem:s15+$0xAFC0];
	v62 =	vunpack.i.l.bf16.f32 v60;
	v37 =	vunpack.i.u.bf16.f32 v60;
	v53 =	vmul.bf16 v43, v42  }
0x135: {  	v47 =	vld [tilespmem:s15+$0xB010];
	v58 =	vunpack.i.u.bf16.f32 v55;
	v43 =	vunpack.i.l.bf16.f32 v55;
	v60 =	vmul.bf16 v49, v48  }
0x136: {  	v49 =	vld [tilespmem:s15+$0xB020];
	v55 =	vunpack.i.u.bf16.f32 v24;
	v24 =	vunpack.i.l.bf16.f32 v24;
	v20 =	vadd.f32 v59, v20  }
0x137: {  	v48 =	vld [tilespmem:s15+$0x17820];
	v59 =	vunpack.i.u.bf16.f32 v57;
	v21 =	vmul.bf16 v51, v21;
	v27 =	vmul.bf16 v30, v27  }
0x138: {  	v51 =	vld [tilespmem:s15+$0xB030];
	v16 =	vadd.f32 v17, v16;
	v17 =	vunpack.i.u.bf16.f32 v28;
	v28 =	vunpack.i.l.bf16.f32 v28  }
0x139: {  	v30 =	vld [tilespmem:s15+$0x17850];
	v42 =	vunpack.i.u.bf16.f32 v53;
	v46 =	vunpack.i.u.bf16.f32 v60;
	v18 =	vadd.f32 v28, v18  }
0x13a: {  	v17 =	vadd.f32 v17, v63;
	v28 =	vld [tilespmem:s15+$0xAFA0];
	v63 =	vmul.bf16 v41, v40;
	v20 =	vadd.f32 v62, v20  }
0x13b: {  	v40 =	vld [tilespmem:s15+$0xAFE0];
	v62 =	vunpack.i.l.bf16.f32 v19;
	v19 =	vunpack.i.u.bf16.f32 v19;
	v52 =	vunpack.i.u.bf16.f32 v21  }
0x13c: {  	v41 =	vld [tilespmem:s15+$0x177E0];
	v32 =	vmul.bf16 v39, v32;
	v25 =	vmul.bf16 v29, v25;
	v46 =	vadd.f32 v19, v46  }
0x13d: {  	v39 =	vld [tilespmem:s15+$0x17880];
	v34 =	vmul.bf16 v38, v34;
	v18 =	vadd.f32 v22, v18;
	v17 =	vadd.f32 v54, v17  }
0x13e: {  	v29 =	vld [tilespmem:s15+$0xB0E0];
	v54 =	vunpack.i.u.bf16.f32 v63;
	v35 =	vunpack.i.l.bf16.f32 v63;
	v63 =	vunpack.i.l.bf16.f32 v21  }
0x13f: {  	v22 =	vld [tilespmem:s15+$0xAFB0];
	v56 =	vadd.f32 v42, v54;
	v54 =	vunpack.i.l.bf16.f32 v23;
	v23 =	vunpack.i.u.bf16.f32 v23  }
0x140: {  	v42 =	vld [tilespmem:s15+$0x177F0];
	v17 =	vadd.f32 v18, v17;
	v18 =	vadd.f32 v61, v31;
	v31 =	vunpack.i.l.bf16.f32 v53  }
0x141: {  	v38 =	vunpack.i.l.bf16.f32 v34;
	v34 =	vunpack.i.u.bf16.f32 v34;
	v31 =	vadd.f32 v31, v35;
	v35 =	vld [tilespmem:s15+$0x17810]  }
0x142: {  	v61 =	vunpack.i.l.bf16.f32 v60;
	v40 =	vmul.bf16 v41, v40;
	v41 =	vld [tilespmem:s15+$0x17890];
	v18 =	vadd.f32 v37, v18  }
0x143: {  	v37 =	vunpack.i.l.bf16.f32 v57;
	v57 =	vmul.bf16 v33, v28;
	v28 =	vld [tilespmem:s15+$0xB060];
	v31 =	vadd.f32 v43, v31  }
0x144: {  	v33 =	vld [tilespmem:s15+$0x17860];
	v22 =	vmul.bf16 v36, v22;
	v18 =	vadd.f32 v20, v18;
	v20 =	vadd.f32 v58, v56  }
0x145: {  	v43 =	vld [tilespmem:s15+$0x17800];
	v56 =	vunpack.i.u.bf16.f32 v26;
	v26 =	vunpack.i.l.bf16.f32 v26;
	v58 =	vunpack.i.u.bf16.f32 v27  }
0x146: {  	v36 =	vld [tilespmem:s15+$0x17870];
	v27 =	vunpack.i.l.bf16.f32 v27;
	v31 =	vadd.f32 v37, v31;
	v37 =	vadd.f32 v62, v61  }
0x147: {  	v24 =	vadd.f32 v26, v24;
	v61 =	vunpack.i.l.bf16.f32 v32;
	v62 =	vunpack.i.u.bf16.f32 v32;
	v32 =	vld [tilespmem:s15+$0xB0A0]  }
0x148: {  	v26 =	vunpack.i.l.bf16.f32 v57;
	v60 =	vunpack.i.l.bf16.f32 v22;
	v35 =	vmul.bf16 v35, v47;
	v47 =	vld [tilespmem:s15+$0xB0D0]  }
0x149: {  	v22 =	vunpack.i.u.bf16.f32 v22;
	v20 =	vadd.f32 v59, v20;
	v53 =	vadd.f32 v63, v37;
	v37 =	vld [tilespmem:s15+$0xB050]  }
0x14a: {  	v59 =	vunpack.i.u.bf16.f32 v57;
	v22 =	vadd.f32 v34, v22;
	v24 =	vadd.f32 v27, v24;
	v27 =	vld [tilespmem:s15+$0xB070]  }
0x14b: {  	v63 =	vunpack.i.l.bf16.f32 v40;
	v28 =	vmul.bf16 v33, v28;
	v33 =	vld [tilespmem:s15+$0xB100];
	v19 =	vadd.f32 v31, v20  }
0x14c: {  	v40 =	vunpack.i.u.bf16.f32 v40;
	v31 =	vld [tilespmem:s15+$0x17830];
	v20 =	vadd.f32 v52, v46;
	v22 =	vadd.f32 v62, v22  }
0x14d: {  	v46 =	vmul.bf16 v42, v44;
	v42 =	vld [tilespmem:s15+$0x178A0];
	v50 =	vmul.bf16 v43, v45;
	v21 =	vadd.f32 v54, v53  }
0x14e: {  	v43 =	vld [tilespmem:s15+$0xB0B0];
	v24 =	vadd.f32 v26, v24;
	v54 =	vmul.bf16 v48, v49;
	v62 =	vunpack.i.l.bf16.f32 v28  }
0x14f: {  	v44 =	vld [tilespmem:s15+$0x178B0];
	v28 =	vunpack.i.u.bf16.f32 v28;
	v20 =	vadd.f32 v23, v20;
	v23 =	vadd.f32 v56, v55  }
0x150: {  	v26 =	vld [tilespmem:s15+$0xB080];
	v22 =	vadd.f32 v40, v22;
	v52 =	vunpack.i.u.bf16.f32 v46;
	v34 =	vunpack.i.l.bf16.f32 v46  }
0x151: {  	v48 =	vld [tilespmem:s15+$0x178F0];
	v45 =	vunpack.i.u.bf16.f32 v50;
	v55 =	vunpack.i.u.bf16.f32 v35;
	v35 =	vunpack.i.l.bf16.f32 v35  }
0x152: {  	v46 =	vld [tilespmem:s15+$0xB0C0];
	v53 =	vadd.f32 v45, v52;
	v56 =	vunpack.i.u.bf16.f32 v54;
	v20 =	vadd.f32 v21, v20  }
0x153: {  	v45 =	vld [tilespmem:s15+$0x178C0];
	v40 =	vunpack.i.l.bf16.f32 v54;
	v21 =	vadd.f32 v58, v23;
	v23 =	vadd.f32 v38, v60  }
0x154: {  	v38 =	vld [tilespmem:s15+$0xB090];
	v58 =	vunpack.i.l.bf16.f32 v25;
	v30 =	vmul.bf16 v30, v37;
	v27 =	vmul.bf16 v36, v27  }
0x155: {  	v37 =	vld [tilespmem:s15+$0xB0F0];
	v25 =	vunpack.i.u.bf16.f32 v25;
	v31 =	vmul.bf16 v31, v51;
	v51 =	vmul.bf16 v42, v32  }
0x156: {  	v36 =	vld [tilespmem:s15+$0xB110];
	v54 =	vmul.bf16 v44, v43;
	v21 =	vadd.f32 v59, v21;
	v23 =	vadd.f32 v61, v23  }
0x157: {  	v32 =	vld [tilespmem:s15+$0xB130];
	v59 =	vunpack.i.l.bf16.f32 v30;
	v60 =	vunpack.i.u.bf16.f32 v30;
	v26 =	vmul.bf16 v39, v26  }
0x158: {  	v44 =	vld [tilespmem:s15+$0x17940];
	v57 =	vunpack.i.l.bf16.f32 v31;
	v31 =	vunpack.i.u.bf16.f32 v31;
	v42 =	vunpack.i.u.bf16.f32 v54  }
0x159: {  	v30 =	vld [tilespmem:s15+$0x17910];
	v21 =	vadd.f32 v24, v21;
	v23 =	vadd.f32 v63, v23;
	v24 =	vunpack.i.l.bf16.f32 v50  }
0x15a: {  	v39 =	vld [tilespmem:s15+$0xB120];
	v25 =	vadd.f32 v25, v31;
	v63 =	vunpack.i.u.bf16.f32 v27;
	v27 =	vunpack.i.l.bf16.f32 v27  }
0x15b: {  	v31 =	vld [tilespmem:s15+$0x17900];
	v49 =	vunpack.i.u.bf16.f32 v26;
	v26 =	vunpack.i.l.bf16.f32 v26;
	v24 =	vadd.f32 v24, v34  }
0x15c: {  	v34 =	vld [tilespmem:s15+$0x178E0];
	v38 =	vmul.bf16 v41, v38;
	v26 =	vadd.f32 v26, v27;
	v50 =	vadd.f32 v49, v63  }
0x15d: {  	v41 =	vld [tilespmem:s15+$0x17920];
	v37 =	vmul.bf16 v48, v37;
	v22 =	vadd.f32 v23, v22;
	v23 =	vadd.f32 v55, v53  }
0x15e: {  	v27 =	vld [tilespmem:s15+$0xB150];
	v53 =	vunpack.i.u.bf16.f32 v51;
	v55 =	vmul.bf16 v45, v46;
	v24 =	vadd.f32 v35, v24  }
0x15f: {  	v63 =	vld [tilespmem:s15+$0x17980];
	v52 =	vunpack.i.u.bf16.f32 v38;
	v38 =	vunpack.i.l.bf16.f32 v38;
	v30 =	vmul.bf16 v30, v36  }
0x160: {  	v35 =	vld [tilespmem:s15+$0x178D0];
	v23 =	vadd.f32 v56, v23;
	v26 =	vadd.f32 v38, v26;
	v56 =	vunpack.i.l.bf16.f32 v54  }
0x161: {  	v49 =	vld [tilespmem:s15+$0xB190];
	v43 =	vunpack.i.u.bf16.f32 v55;
	v24 =	vadd.f32 v40, v24;
	v40 =	vadd.f32 v58, v57  }
0x162: {  	v38 =	vld [tilespmem:s15+$0xB140];
	v45 =	vunpack.i.l.bf16.f32 v55;
	v42 =	vadd.f32 v43, v42;
	v31 =	vmul.bf16 v31, v33  }
0x163: {  	v55 =	vld [tilespmem:s15+$0x179A0];
	v29 =	vmul.bf16 v34, v29;
	v23 =	vadd.f32 v24, v23;
	v61 =	vadd.f32 v59, v40  }
0x164: {  	v57 =	vld [tilespmem:s15+$0x17950];
	v24 =	vadd.f32 v60, v25;
	v48 =	vunpack.i.u.bf16.f32 v31;
	v31 =	vunpack.i.l.bf16.f32 v31  }
0x165: {  	v33 =	vld [tilespmem:s15+$0xB180];
	v35 =	vmul.bf16 v35, v47;
	v60 =	vunpack.i.l.bf16.f32 v29;
	v29 =	vunpack.i.u.bf16.f32 v29  }
0x166: {  	v43 =	vld [tilespmem:s15+$0x179E0];
	v25 =	vadd.f32 v62, v61;
	v24 =	vadd.f32 v28, v24;
	v28 =	vunpack.i.l.bf16.f32 v51  }
0x167: {  	v34 =	vld [tilespmem:s15+$0x17960];
	v62 =	vunpack.i.u.bf16.f32 v37;
	v37 =	vunpack.i.l.bf16.f32 v37;
	v38 =	vmul.bf16 v44, v38  }
0x168: {  	v40 =	vld [tilespmem:s15+$0x17930];
	v26 =	vadd.f32 v28, v26;
	v28 =	vadd.f32 v45, v56;
	v58 =	vunpack.i.l.bf16.f32 v35  }
0x169: {  	v61 =	vld [tilespmem:s15+$0x17970];
	v59 =	vunpack.i.u.bf16.f32 v35;
	v31 =	vadd.f32 v31, v37;
	v27 =	vmul.bf16 v57, v27  }
0x16a: {  	v51 =	vld [tilespmem:s15+$0x17990];
	v33 =	vmul.bf16 v63, v33;
	v24 =	vadd.f32 v25, v24;
	v25 =	vadd.f32 v52, v50  }
0x16b: {  	v45 =	vld [tilespmem:s15+$0xB160];
	v50 =	vmul.bf16 v41, v39;
	v52 =	vunpack.i.u.bf16.f32 v30;
	v30 =	vunpack.i.l.bf16.f32 v30  }
0x16c: {  	v35 =	vld [tilespmem:s15+$0xB170];
	v44 =	vunpack.i.l.bf16.f32 v38;
	v38 =	vunpack.i.u.bf16.f32 v38;
	v28 =	vadd.f32 v58, v28  }
0x16d: {  	v57 =	vld [tilespmem:s15+$0xB1C0];
	v30 =	vadd.f32 v30, v31;
	v32 =	vmul.bf16 v40, v32;
	v63 =	vunpack.i.u.bf16.f32 v33  }
0x16e: {  	v39 =	vld [tilespmem:s15+$0xB1F0];
	v33 =	vunpack.i.l.bf16.f32 v33;
	v25 =	vadd.f32 v53, v25;
	v37 =	vunpack.i.l.bf16.f32 v50  }
0x16f: {  	v40 =	vld [tilespmem:s15+$0xB1B0];
	v54 =	vunpack.i.u.bf16.f32 v50;
	v28 =	vadd.f32 v60, v28;
	v30 =	vadd.f32 v37, v30  }
0x170: {  	v58 =	vld [tilespmem:s15+$0x179C0];
	v56 =	vunpack.i.l.bf16.f32 v32;
	v32 =	vunpack.i.u.bf16.f32 v32;
	v25 =	vadd.f32 v26, v25  }
0x171: {  	v53 =	vld [tilespmem:s15+$0xB1A0];
	v36 =	vmul.bf16 v51, v49;
	v26 =	vadd.f32 v59, v42;
	v37 =	vadd.f32 v44, v56  }
0x172: {  	v60 =	vld [tilespmem:s15+$0x179D0];
	v32 =	vadd.f32 v38, v32;
	v59 =	vunpack.i.l.bf16.f32 v27;
	v34 =	vmul.bf16 v34, v45  }
0x173: {  	v49 =	vld [tilespmem:s15+$0x179F0];
	v27 =	vunpack.i.u.bf16.f32 v27;
	v35 =	vmul.bf16 v61, v35;
	v50 =	vunpack.i.u.bf16.f32 v36  }
0x174: {  	v51 =	vld [tilespmem:s15+$0xB200];
	v36 =	vunpack.i.l.bf16.f32 v36;
	v26 =	vadd.f32 v29, v26;
	v29 =	vadd.f32 v48, v62  }
0x175: {  	v45 =	vld [tilespmem:s15+$0xB1D0];
	v37 =	vadd.f32 v59, v37;
	v27 =	vadd.f32 v27, v32;
	v61 =	vunpack.i.l.bf16.f32 v34  }
0x176: {  	v42 =	vld [tilespmem:s15+$0xB1E0];
	v62 =	vunpack.i.u.bf16.f32 v35;
	v35 =	vunpack.i.l.bf16.f32 v35;
	v34 =	vunpack.i.u.bf16.f32 v34  }
0x177: {  	v56 =	vld [tilespmem:s15+$0x17A10];
	v57 =	vmul.bf16 v58, v57;
	v33 =	vadd.f32 v33, v35;
	v48 =	vadd.f32 v63, v62  }
0x178: {  	v58 =	vld [tilespmem:s15+$0xB220];
	v31 =	vmul.bf16 v55, v53;
	v26 =	vadd.f32 v28, v26;
	v28 =	vadd.f32 v52, v29  }
0x179: {  	v59 =	vld [tilespmem:s15+$0x17A20];
	v32 =	vadd.f32 v61, v37;
	v27 =	vadd.f32 v34, v27;
	v62 =	vunpack.i.u.bf16.f32 v57  }
0x17a: {  	v29 =	vld [tilespmem:s15+$0x179B0];
	v39 =	vmul.bf16 v49, v39;
	v33 =	vadd.f32 v36, v33;
	v35 =	vadd.f32 v50, v48  }
0x17b: {  	v52 =	vld [tilespmem:s15+$0x17A00];
	v53 =	vunpack.i.u.bf16.f32 v31;
	v31 =	vunpack.i.l.bf16.f32 v31;
	v60 =	vmul.bf16 v60, v45  }
0x17c: {  	v63 =	vmul.bf16 v43, v42;
	v28 =	vadd.f32 v54, v28;
	v54 =	vld [tilespmem:s15+$0xB210];
	v27 =	vadd.f32 v32, v27;
	[tilespmem:$0x1DE20] =	vst v16  }
0x17d: {  	v16 =	vunpack.i.l.bf16.f32 v57;
	[tilespmem:$0x1DE40] =	vst v18;
	v44 =	vunpack.i.u.bf16.f32 v39;
	v18 =	vunpack.i.l.bf16.f32 v39  }
0x17e: {  	v31 =	vadd.f32 v31, v33;
	v55 =	vadd.f32 v53, v35;
	v38 =	vunpack.i.l.bf16.f32 v60  }
0x17f: {  	[tilespmem:$0x1DE30] =	vst v17;
	v43 =	vunpack.i.l.bf16.f32 v63;
	v50 =	vmul.bf16 v59, v58;
	v29 =	vmul.bf16 v29, v40  }
0x180: {  	[tilespmem:$0x1DE50] =	vst v19;
	v28 =	vadd.f32 v30, v28;
	v31 =	vadd.f32 v31, v55;
	v42 =	vmul.bf16 v52, v51  }
0x181: {  	[tilespmem:$0x1DE60] =	vst v20;
	v40 =	vunpack.i.u.bf16.f32 v60;
	v51 =	vunpack.i.u.bf16.f32 v63;
	v61 =	vunpack.i.l.bf16.f32 v29  }
0x182: {  	[tilespmem:$0x1DE70] =	vst v21;
	v17 =	vunpack.i.u.bf16.f32 v29;
	v45 =	vunpack.i.u.bf16.f32 v42;
	v46 =	vmul.bf16 v56, v54  }
0x183: {  	[tilespmem:$0x1DE80] =	vst v22;
	v19 =	vunpack.i.l.bf16.f32 v42;
	v16 =	vadd.f32 v16, v61;
	v17 =	vadd.f32 v62, v17  }
0x184: {  	[tilespmem:$0x1DE90] =	vst v23;
	v18 =	vadd.f32 v19, v18;
	v47 =	vadd.f32 v45, v44;
	v48 =	vunpack.i.u.bf16.f32 v46  }
0x185: {  	[tilespmem:$0x1DEA0] =	vst v24;
	v49 =	vunpack.i.l.bf16.f32 v46;
	v16 =	vadd.f32 v38, v16;
	v17 =	vadd.f32 v40, v17  }
0x186: {  	[tilespmem:$0x1DEB0] =	vst v25;
	v52 =	vunpack.i.u.bf16.f32 v50;
	v18 =	vadd.f32 v49, v18;
	v19 =	vadd.f32 v48, v47  }
0x187: {  	[tilespmem:$0x1DEC0] =	vst v26;
	v53 =	vunpack.i.l.bf16.f32 v50;
	v16 =	vadd.f32 v43, v16;
	v17 =	vadd.f32 v51, v17  }
0x188: {  	[tilespmem:$0x1DEE0] =	vst v27;
	v18 =	vadd.f32 v53, v18;
	v19 =	vadd.f32 v52, v19  }
0x189: {  	[tilespmem:$0x1DED0] =	vst v28;
	v16 =	vadd.f32 v16, v17  }
0x18a: {  	[tilespmem:$0x1DEF0] =	vst v31;
	v17 =	vadd.f32 v18, v19  }
0x18b: {  	[tilespmem:$0x1DF00] =	vst v16  }
0x18c: {  	[tilespmem:$0x1DF10] =	vst v17  }
0x18d: {  	v16 =	vld.idx.msk [tilespmem:v0+s20+$0x0], $0xffff  }
0x18e: {  	v17 =	vld.idx.msk [tilespmem:v1+s20+$0x0], $0xffff;
	_ =	sdelay $0x1  }
0x18f: {  	v54 =	vld.idx.msk [tilespmem:v2+s20+$0x0], $0xffff;
	_ =	sdelay $0x1  }
0x190: {  	v55 =	vld.idx.msk [tilespmem:v3+s20+$0x0], $0xffff  }
0x191: {  	v16 =	vadd.f32 v17, v16  }
0x192: {  	v17 =	vld.idx.msk [tilespmem:v4+s20+$0x0], $0xffff  }
0x193: {  	v16 =	vadd.f32 v54, v16  }
0x194: {  	v56 =	vld.idx.msk [tilespmem:v5+s20+$0x0], $0xffff  }
0x195: {  	v16 =	vadd.f32 v55, v16  }
0x196: {  	v57 =	vld.idx.msk [tilespmem:v6+s20+$0x0], $0xffff  }
0x197: {  	v16 =	vadd.f32 v17, v16  }
0x198: {  	v17 =	vld.idx.msk [tilespmem:v7+s20+$0x0], $0xffff  }
0x199: {  	v16 =	vadd.f32 v56, v16  }
0x19a: {  	v58 =	vld.idx.msk [tilespmem:v8+s20+$0x0], $0xffff  }
0x19b: {  	v16 =	vadd.f32 v57, v16  }
0x19c: {  	v59 =	vld.idx.msk [tilespmem:v9+s20+$0x0], $0xffff  }
0x19d: {  	v16 =	vadd.f32 v17, v16  }
0x19e: {  	v17 =	vld.idx.msk [tilespmem:v10+s20+$0x0], $0xffff  }
0x19f: {  	v16 =	vadd.f32 v58, v16  }
0x1a0: {  	v60 =	vld.idx.msk [tilespmem:v11+s20+$0x0], $0xffff  }
0x1a1: {  	v16 =	vadd.f32 v59, v16  }
0x1a2: {  	v61 =	vld.idx.msk [tilespmem:v12+s20+$0x0], $0xffff  }
0x1a3: {  	v16 =	vadd.f32 v17, v16  }
0x1a4: {  	v17 =	vld.idx.msk [tilespmem:v13+s20+$0x0], $0xffff  }
0x1a5: {  	v16 =	vadd.f32 v60, v16  }
0x1a6: {  	v62 =	vld.idx.msk [tilespmem:v14+s20+$0x0], $0xffff  }
0x1a7: {  	v16 =	vadd.f32 v61, v16  }
0x1a8: {  	v63 =	vld.idx.msk [tilespmem:v15+s20+$0x0], $0xffff  }
0x1a9: {  	v16 =	vadd.f32 v17, v16  }
0x1aa: {  	p0 =	sne.s32 s1, $0x18FC0  }
.Ltmp7:
0x1ab: {  	v16 =	vadd.f32 v62, v16;
	(pc) =	sbr.rel @p0 .LBB2_7-.Ltmp7, $3  }
0x1ac: {  	_ = 	snop  }
0x1ad: {  	v16 =	vadd.f32 v63, v16;
	_ =	sdelay $0x1  }
0x1ae: {  	s1 =	sadd.s32 $0x1000, s1;
	[tilespmem:s0+$0x0] =	vst v16;
	s0 =	sadd.s32 $0x10, s0  }
0x1af: {  	s0 =	smul.u32 $0x190, s31;
	_ =	sdelay $0x1  }
0x1b0: {  	s0 =	sadd.s32 s3, s0  }
0x1b1: {  	s0 =	sshrl.u32 s0, $0x3  }
0x1b2: {  	s0 =	sadd.s32 s6, s0  }
0x1b3: {  	[hbm4b:s0+s2] =	stream.linear.scatter [tilespmem:s26], [sflag:$0x6], $0x190, $0x38;
	[tilespmem:$0x1E240] =	vst v63  }
.Ltmp8:
0x1b4: {  	p0 =	sgt.u32 s29, $0xA;
	(pc) =	sbr.rel .LBB2_9-.Ltmp8, $4  }
0x1b5: {  	s1 =	simm.s32 @!p0 $0x190;
	s15 =	simm.s32 @!p0 $0xB220;
	s0 =	sadd.s32 @!p0 $0x4B0, s30  }
0x1b6: {  	[tilespmem:s15], [sflag:$0x2] =	stream.indirect.gather @!p0 [hbm4b:s4+s1], $0x40, s0, s1, $0xb8;
	[tilespmem:$0x1E240] =	vst v63  }
0x1b7: {  	s0 =	sadd.s32 @!p0 $0x2BC0, s30;
	s15 =	simm.s32 @!p0 $0x17A20  }
0x1b8: {  	[tilespmem:s15], [sflag:$0x4] =	stream.indirect.gather @!p0 [hbm4b:s5+s1], $0x40, s0, s1, $0xb8;
	[tilespmem:$0x1E240] =	vst v63  }
.LBB2_11:
0x1b9: {  	_ =	sfence.sel $0x180000  }
0x1ba: {  	[bflag:$0x0] =	sbarrier.arrive $0xFFFF  }
0x1bb: {  	_ =	strace $0x90000047  }
0x1bc: {  	s0 =	stileid.u32;
	[bflag:$0x2] =	sbarrier.arrive $0xFFFF  }
0x1bd: {  	p0 =	sne.s32 s0, $0x0;
	s0 =	rddreg [dreg:$0x1]  }
0x1be: {  	s0 =	sadd.s32 @!p0 $0x100000, s0  }
0x1bf: {  	[sflag:s0] =	ssyncadd.tile.s32 @!p0 $0x1;
	_ =	shalt  }
.Lfunc_end2:
_tile_overlayer_lowered:
.L_overlay_start_2:
0x1c0: {  	(tag) =	ssettag $0x2  }
0x1c1: {  	s0 =	rddreg [dreg:$0x0];
	s2 =	stileid.u32  }
0x1c2: {  	s1 =	rddreg [dreg:$0x1];
	p0 =	sne.s32 s2, $0x0  }
0x1c3: {  	s3 =	rddreg [dreg:$0x2];
	[bflag:$0x3] =	sbarrier.arrive $0xFFFF;
	s2 =	simm.s32 @!p0 $0x1C07  }
0x1c4: {  	[timem:s3], [sflag:s2] =	dma.local @!p0 [hbm:s0], s1  }
0x1c5: {  	s0 =	simm.s32 @!p0 $0x7  }
0x1c6: {  	_ =	swait.ge @!p0 [sflag:s0], s1  }
0x1c7: {  	s1 =	ssub.s32 @!p0 $0x0, s1;
	[sflag:s0] =	ssyncset.done @!p0 $0x0  }
0x1c8: {  	[sflag:s0] =	ssyncadd.s32 @!p0 s1  }
0x1c9: {  	[bflag:$0x3] =	sbarrier.arrive $0xFFFF  }
0x1ca: {  	_ =	shalt  }

</sc_bundles>
